<compile_context>
chip_gen: v7x
topology: tpu7x:2x2x1
jax: 0.10.2.dev20260603
libtpu: 0.0.44.dev20260713+nightly
codegen_flags: <defaults>
</compile_context>

<pallas_src>
import functools

import jax
import jax.numpy as jnp
import numpy as np
from jax import lax
from jax.experimental import pallas as pl
from jax.experimental.pallas import tpu as pltpu
from jax.experimental.pallas import tpu_sc as plsc

_VOCAB = 1000000
_EMBED = 128
_B = 16384
_ND = 13
_NS = 26
_NP = 32

_NC = 2
_NSUB = 16
_NW = _NC * _NSUB

_SLICES = (4096, 4096, 4096, 4096)
_CHUNK = 128


def _sc_gather(emb, idx3):
    mesh = plsc.VectorSubcoreMesh(core_axis_name="c", subcore_axis_name="s")
    ch = idx3.shape[1]

    @functools.partial(
        pl.kernel,
        out_type=jax.ShapeDtypeStruct((_NW * ch, _CHUNK, _EMBED), jnp.float32),
        mesh=mesh,
        scratch_types=[
            pltpu.VMEM((ch, _CHUNK), jnp.int32),
            pltpu.VMEM((_CHUNK, _EMBED), jnp.float32),
            pltpu.VMEM((_CHUNK, _EMBED), jnp.float32),
            pltpu.VMEM((_CHUNK, _EMBED), jnp.float32),
            pltpu.VMEM((_CHUNK, _EMBED), jnp.float32),
            pltpu.SemaphoreType.DMA,
            pltpu.SemaphoreType.DMA,
            pltpu.SemaphoreType.DMA,
            pltpu.SemaphoreType.DMA,
        ],
    )
    def body(emb_hbm, idx_hbm, out_hbm, idx_v,
             buf0, buf1, buf2, buf3, sem0, sem1, sem2, sem3):
        bufs = (buf0, buf1, buf2, buf3)
        sems = (sem0, sem1, sem2, sem3)
        wid = lax.axis_index("s") * _NC + lax.axis_index("c")
        pltpu.sync_copy(idx_hbm.at[wid], idx_v)
        cbase = wid * ch
        for u in range(3):
            pltpu.make_async_copy(emb_hbm.at[idx_v.at[u]], bufs[u], sems[u]).start()

        def step(t, carry):
            j0 = t * 4
            for u in range(4):
                j = j0 + u
                nb = bufs[(u + 3) % 4]
                ns = sems[(u + 3) % 4]

                @pl.when(j + 3 < ch)
                def _():
                    pltpu.make_async_copy(emb_hbm.at[idx_v.at[j + 3]], nb, ns).start()

                pltpu.make_async_copy(emb_hbm.at[idx_v.at[j]], bufs[u], sems[u]).wait()
                pltpu.sync_copy(bufs[u], out_hbm.at[cbase + j])
            return carry

        lax.fori_loop(0, ch // 4, step, 0)

    return body(emb, idx3)


_BB = 512


def _tc_body(dense, gath, w0, b0, w1, b1, w2, b2,
             wh, wint, tb0, wt1, tb1, wt2, tb2, wt3, tb3, wt4, tb4, out):
    f32 = jnp.float32
    h = jnp.maximum(jnp.dot(dense[...], w0[...], preferred_element_type=f32) + b0[...], 0.0)
    h = jnp.maximum(jnp.dot(h, w1[...], preferred_element_type=f32) + b1[...], 0.0)
    h2 = jnp.maximum(jnp.dot(h, w2[...], preferred_element_type=f32) + b2[...], 0.0)
    g3 = gath[...].reshape(_BB * _NP, _EMBED).reshape(_BB, _NP, _EMBED)
    slot = lax.broadcasted_iota(jnp.int32, (_BB, _NP, _EMBED), 1)
    comb = jnp.where(slot == _NS, h2.reshape(_BB, 1, _EMBED), g3)
    inter = lax.dot_general(comb, comb, (((2,), (2,)), ((0,), (0,))),
                            preferred_element_type=f32)
    interf = inter.reshape(_BB, _NP * _NP)
    t = jnp.dot(h2, wh[...], preferred_element_type=f32)
    t = t + jnp.dot(interf, wint[...], preferred_element_type=f32)
    t = jnp.maximum(t + tb0[...], 0.0)
    t = jnp.maximum(jnp.dot(t, wt1[...], preferred_element_type=f32) + tb1[...], 0.0)
    t = jnp.maximum(jnp.dot(t, wt2[...], preferred_element_type=f32) + tb2[...], 0.0)
    t = jnp.maximum(jnp.dot(t, wt3[...], preferred_element_type=f32) + tb3[...], 0.0)
    out[...] = jnp.dot(t, wt4[...], preferred_element_type=f32) + tb4[...]


def _tc_fused(dense, gath3, weights):
    grid = (dense.shape[0] // _BB,)
    nch = _BB * _NP // _CHUNK

    def blk(shape):
        return pl.BlockSpec(shape, lambda i: (i, 0))

    def rep(shape):
        return pl.BlockSpec(shape, lambda i: (0,) * len(shape))

    in_specs = [blk((_BB, _ND)),
                pl.BlockSpec((nch, _CHUNK, _EMBED), lambda i: (i, 0, 0))]
    for w in weights:
        in_specs.append(rep(w.shape))
    return pl.pallas_call(
        _tc_body,
        grid=grid,
        in_specs=in_specs,
        out_specs=blk((_BB, 1)),
        out_shape=jax.ShapeDtypeStruct((dense.shape[0], 1), jnp.float32),
    )(dense, gath3, *weights)


def kernel(x, emb, bw0, bb0, bw1, bb1, bw2, bb2,
           tw0, tb0, tw1, tb1, tw2, tb2, tw3, tb3, tw4, tb4):
    dense = x[:, :_ND]
    idx_all = x[:, _ND:].astype(jnp.int32) % _VOCAB
    npd = _NP - _NS
    dummy = (jnp.arange(_B, dtype=jnp.int32)[:, None] * npd
             + jnp.arange(npd, dtype=jnp.int32)[None, :]) % _VOCAB
    idx_pad = jnp.concatenate([idx_all, dummy], axis=1)

    iu, ku = np.triu_indices(_NS + 1)
    remap = np.concatenate([[26], np.arange(_NS)])
    ri = remap[iu]
    rk = remap[ku]
    lo = np.minimum(ri, rk)
    hi = np.maximum(ri, rk)
    rows = jnp.asarray(lo * _NP + hi, dtype=jnp.int32)
    wint = jnp.zeros((_NP * _NP, 1024), jnp.float32).at[rows].set(tw0[:, _EMBED:].T)

    weights = (
        bw0.T, bb0.reshape(1, -1), bw1.T, bb1.reshape(1, -1), bw2.T, bb2.reshape(1, -1),
        tw0[:, :_EMBED].T, wint, tb0.reshape(1, -1),
        tw1.T, tb1.reshape(1, -1), tw2.T, tb2.reshape(1, -1),
        tw3.T, tb3.reshape(1, -1), tw4.T, tb4.reshape(1, -1),
    )

    parts = []
    off = 0
    for bs in _SLICES:
        ch = bs * _NP // (_NW * _CHUNK)
        idx_s = idx_pad[off:off + bs].reshape(_NW, ch, _CHUNK)
        g = _sc_gather(emb, idx_s)
        parts.append(_tc_fused(dense[off:off + bs], g, weights))
        off += bs
    return jnp.concatenate(parts, axis=0)

# --- scband reference (transcript-rebuilt; emitter-appended) ---
"""Pipeline reference for scband-dlrm-small-52269751992762 (READ-ONLY COPY).

The authoritative reference and input builder live on the scoring server;
editing this copy changes nothing except your own understanding.
"""

import jax, jax.numpy as jnp
import numpy as np

VOCAB = 1000000
EMBED = 128
B = 16384
ND = 13
NS = 26


def _lin(k, fan_in, fan_out):
    limit = np.sqrt(6.0 / (fan_in + fan_out))
    kw, kb = jax.random.split(k)
    W = jax.random.uniform(kw, (fan_out, fan_in), minval=-limit, maxval=limit, dtype=jnp.float32)
    b = jax.random.normal(kb, (fan_out,), dtype=jnp.float32) * np.sqrt(1.0 / fan_out)
    return W, b


def setup_inputs(seed: int = 0) -> dict:
    key = jax.random.key(seed)
    ks = jax.random.split(key, 12)
    dense = jax.random.normal(ks[0], (B, ND), dtype=jnp.float32)
    sparse = jax.random.randint(ks[1], (B, NS), 0, VOCAB).astype(jnp.float32)
    x = jnp.concatenate([dense, sparse], axis=1)
    scale = 1.0 / np.sqrt(VOCAB)
    emb = jax.random.uniform(ks[2], (VOCAB, EMBED), dtype=jnp.float32) * scale
    bw0, bb0 = _lin(ks[3], ND, 512)
    bw1, bb1 = _lin(ks[4], 512, 256)
    bw2, bb2 = _lin(ks[5], 256, 128)
    tw0, tb0 = _lin(ks[6], 506, 1024)
    tw1, tb1 = _lin(ks[7], 1024, 1024)
    tw2, tb2 = _lin(ks[8], 1024, 512)
    tw3, tb3 = _lin(ks[9], 512, 256)
    tw4, tb4 = _lin(ks[10], 256, 1)
    return {
        'x': x, 'emb': emb,
        'bw0': bw0, 'bb0': bb0, 'bw1': bw1, 'bb1': bb1, 'bw2': bw2, 'bb2': bb2,
        'tw0': tw0, 'tb0': tb0, 'tw1': tw1, 'tb1': tb1, 'tw2': tw2, 'tb2': tb2,
        'tw3': tw3, 'tb3': tb3, 'tw4': tw4, 'tb4': tb4,
    }


def reference(x, emb, bw0, bb0, bw1, bb1, bw2, bb2,
              tw0, tb0, tw1, tb1, tw2, tb2, tw3, tb3, tw4, tb4):
    batch = x.shape[0]
    dense = x[:, :ND]
    sparse = x[:, ND:].astype(jnp.int32)
    # bottom MLP
    h = jax.nn.relu(dense @ bw0.T + bb0)
    h = jax.nn.relu(h @ bw1.T + bb1)
    h = jax.nn.relu(h @ bw2.T + bb2)
    # embedding lookup
    idx = jnp.reshape(sparse, (-1,)) % VOCAB
    embedded_sparse = jnp.take(emb, idx, axis=0).reshape(batch, -1, EMBED)
    # dot interact
    combined = jnp.concatenate([h[:, None, :], embedded_sparse], axis=1)
    interactions = jnp.einsum('bij,bkj->bik', combined, combined)
    ti = jnp.triu_indices(NS + 1)
    interactions_flat = interactions[:, ti[0], ti[1]]
    feat = jnp.concatenate([h, interactions_flat], axis=1)
    # top MLP
    t = jax.nn.relu(feat @ tw0.T + tb0)
    t = jax.nn.relu(t @ tw1.T + tb1)
    t = jax.nn.relu(t @ tw2.T + tb2)
    t = jax.nn.relu(t @ tw3.T + tb3)
    logits = t @ tw4.T + tb4
    return logits

if __name__ == "__main__":
    import jax
    _d = setup_inputs()
    print(jax.jit(kernel)(*tuple(_d.values())))

</pallas_src>

<mosaic_0001>
#map = affine_map<(d0, d1) -> (0, 0)>
#map1 = affine_map<(d0, d1) -> (0, 0, 0)>
module attributes {stable_mosaic.version = 14 : i64} {
  func.func @body(%arg0: i32, %arg1: i32, %arg2: memref<1000000x128xf32, #tpu.memory_space<hbm>>, %arg3: memref<32x32x128xi32, #tpu.memory_space<hbm>>, %arg4: memref<1024x128x128xf32, #tpu.memory_space<hbm>>, %arg5: memref<32x128xi32, #tpu.memory_space<vmem>>, %arg6: memref<128x128xf32, #tpu.memory_space<vmem>>, %arg7: memref<128x128xf32, #tpu.memory_space<vmem>>, %arg8: memref<128x128xf32, #tpu.memory_space<vmem>>, %arg9: memref<128x128xf32, #tpu.memory_space<vmem>>, %arg10: memref<!tpu.dma_semaphore, #tpu.memory_space<semaphore_mem>>, %arg11: memref<!tpu.dma_semaphore, #tpu.memory_space<semaphore_mem>>, %arg12: memref<!tpu.dma_semaphore, #tpu.memory_space<semaphore_mem>>, %arg13: memref<!tpu.dma_semaphore, #tpu.memory_space<semaphore_mem>>) attributes {dimension_semantics = [#tpu.dimension_semantics<core_parallel>, #tpu.dimension_semantics<subcore_parallel>], iteration_bounds = array<i64: 2, 16>, scalar_prefetch = 0 : i64, scratch_operands = 9 : i64, tpu.core_type = #tpu.core_type<sc_vector_subcore>, window_params = [{transform_indices = #map}, {transform_indices = #map1}, {transform_indices = #map1}]} {
    %mul3A = arith.constant 2 : i32
    %mul3A_0 = arith.muli %arg1, %mul3A : i32
    %add3A = arith.addi %mul3A_0, %arg0 : i32
    "tpu.region"() ({
      %run_scoped3A = tpu.sem_alloc : memref<!tpu.dma_semaphore, #tpu.memory_space<semaphore_mem>>
      %dma_start3A_28 = arith.constant 0 : i32
      %dma_start3A_29 = arith.constant 0 : i32
      %dma_start3A_30 = tpu.memref_slice %arg3[%add3A, %dma_start3A_28, %dma_start3A_29] : memref<32x32x128xi32, #tpu.memory_space<hbm>> -> memref<1x32x128xi32, #tpu.memory_space<hbm>>
      %dma_start3A_31 = tpu.memref_squeeze %dma_start3A_30 : memref<1x32x128xi32, #tpu.memory_space<hbm>> -> memref<32x128xi32, #tpu.memory_space<hbm>>
      %dma_start3A_32 = arith.constant 0 : i32
      %dma_start3A_33 = arith.constant 0 : i32
      %dma_start3A_34 = tpu.memref_slice %arg3[%add3A, %dma_start3A_32, %dma_start3A_33] : memref<32x32x128xi32, #tpu.memory_space<hbm>> -> memref<1x32x128xi32, #tpu.memory_space<hbm>>
      %dma_start3A_35 = tpu.memref_squeeze %dma_start3A_34 : memref<1x32x128xi32, #tpu.memory_space<hbm>> -> memref<32x128xi32, #tpu.memory_space<hbm>>
      tpu.enqueue_dma source(%dma_start3A_35 : memref<32x128xi32, #tpu.memory_space<hbm>>) target(%arg5 : memref<32x128xi32, #tpu.memory_space<vmem>>) target_semaphore(%run_scoped3A : memref<!tpu.dma_semaphore, #tpu.memory_space<semaphore_mem>>)
      %dma_wait3A = arith.constant 0 : i32
      %dma_wait3A_36 = arith.constant 0 : i32
      %dma_wait3A_37 = tpu.memref_slice %arg3[%add3A, %dma_wait3A, %dma_wait3A_36] : memref<32x32x128xi32, #tpu.memory_space<hbm>> -> memref<1x32x128xi32, #tpu.memory_space<hbm>>
      %dma_wait3A_38 = tpu.memref_squeeze %dma_wait3A_37 : memref<1x32x128xi32, #tpu.memory_space<hbm>> -> memref<32x128xi32, #tpu.memory_space<hbm>>
      %dma_wait3A_39 = arith.constant 0 : i32
      %dma_wait3A_40 = arith.constant 0 : i32
      %dma_wait3A_41 = tpu.memref_slice %arg3[%add3A, %dma_wait3A_39, %dma_wait3A_40] : memref<32x32x128xi32, #tpu.memory_space<hbm>> -> memref<1x32x128xi32, #tpu.memory_space<hbm>>
      %dma_wait3A_42 = tpu.memref_squeeze %dma_wait3A_41 : memref<1x32x128xi32, #tpu.memory_space<hbm>> -> memref<32x128xi32, #tpu.memory_space<hbm>>
      tpu.wait_dma2 semaphore(%run_scoped3A : memref<!tpu.dma_semaphore, #tpu.memory_space<semaphore_mem>>) src(%dma_wait3A_42 : memref<32x128xi32, #tpu.memory_space<hbm>>) dst(%arg5 : memref<32x128xi32, #tpu.memory_space<vmem>>)
      tpu.yield
    }) : () -> ()
    %mul3A_1 = arith.constant 32 : i32
    %mul3A_2 = arith.muli %add3A, %mul3A_1 : i32
    %dma_start3A = arith.constant 0 : i32
    %dma_start3A_3 = arith.constant 0 : i32
    %dma_start3A_4 = tpu.memref_slice %arg5[%dma_start3A, %dma_start3A_3] : memref<32x128xi32, #tpu.memory_space<vmem>> -> memref<1x128xi32, #tpu.memory_space<vmem>>
    %dma_start3A_5 = tpu.memref_squeeze %dma_start3A_4 : memref<1x128xi32, #tpu.memory_space<vmem>> -> memref<128xi32, #tpu.memory_space<vmem>>
    %dma_start3A_6 = arith.constant 0 : i32
    %dma_start3A_7 = arith.constant 0 : i32
    %dma_start3A_8 = tpu.memref_slice %arg2[%dma_start3A_6, %dma_start3A_7] : memref<1000000x128xf32, #tpu.memory_space<hbm>> -> memref<1000000x128xf32, #tpu.memory_space<hbm>>
    tpu.enqueue_indirect_dma source(%dma_start3A_8 : memref<1000000x128xf32, #tpu.memory_space<hbm>>) target(%arg6 : memref<128x128xf32, #tpu.memory_space<vmem>>) offsets(%dma_start3A_5 : memref<128xi32, #tpu.memory_space<vmem>>) semaphore(%arg10 : memref<!tpu.dma_semaphore, #tpu.memory_space<semaphore_mem>>)
    %dma_start3A_9 = arith.constant 1 : i32
    %dma_start3A_10 = arith.constant 0 : i32
    %dma_start3A_11 = tpu.memref_slice %arg5[%dma_start3A_9, %dma_start3A_10] : memref<32x128xi32, #tpu.memory_space<vmem>> -> memref<1x128xi32, #tpu.memory_space<vmem>>
    %dma_start3A_12 = tpu.memref_squeeze %dma_start3A_11 : memref<1x128xi32, #tpu.memory_space<vmem>> -> memref<128xi32, #tpu.memory_space<vmem>>
    %dma_start3A_13 = arith.constant 0 : i32
    %dma_start3A_14 = arith.constant 0 : i32
    %dma_start3A_15 = tpu.memref_slice %arg2[%dma_start3A_13, %dma_start3A_14] : memref<1000000x128xf32, #tpu.memory_space<hbm>> -> memref<1000000x128xf32, #tpu.memory_space<hbm>>
    tpu.enqueue_indirect_dma source(%dma_start3A_15 : memref<1000000x128xf32, #tpu.memory_space<hbm>>) target(%arg7 : memref<128x128xf32, #tpu.memory_space<vmem>>) offsets(%dma_start3A_12 : memref<128xi32, #tpu.memory_space<vmem>>) semaphore(%arg11 : memref<!tpu.dma_semaphore, #tpu.memory_space<semaphore_mem>>)
    %dma_start3A_16 = arith.constant 2 : i32
    %dma_start3A_17 = arith.constant 0 : i32
    %dma_start3A_18 = tpu.memref_slice %arg5[%dma_start3A_16, %dma_start3A_17] : memref<32x128xi32, #tpu.memory_space<vmem>> -> memref<1x128xi32, #tpu.memory_space<vmem>>
    %dma_start3A_19 = tpu.memref_squeeze %dma_start3A_18 : memref<1x128xi32, #tpu.memory_space<vmem>> -> memref<128xi32, #tpu.memory_space<vmem>>
    %dma_start3A_20 = arith.constant 0 : i32
    %dma_start3A_21 = arith.constant 0 : i32
    %dma_start3A_22 = tpu.memref_slice %arg2[%dma_start3A_20, %dma_start3A_21] : memref<1000000x128xf32, #tpu.memory_space<hbm>> -> memref<1000000x128xf32, #tpu.memory_space<hbm>>
    tpu.enqueue_indirect_dma source(%dma_start3A_22 : memref<1000000x128xf32, #tpu.memory_space<hbm>>) target(%arg8 : memref<128x128xf32, #tpu.memory_space<vmem>>) offsets(%dma_start3A_19 : memref<128xi32, #tpu.memory_space<vmem>>) semaphore(%arg12 : memref<!tpu.dma_semaphore, #tpu.memory_space<semaphore_mem>>)
    %scan3A = arith.constant 0 : i32
    %scan3A_23 = arith.constant 0 : i32
    %scan3A_24 = arith.constant 8 : i32
    %scan3A_25 = arith.addi %scan3A_23, %scan3A_24 : i32
    %scan3A_26 = arith.constant 1 : i32
    scf.for %scan3A_28 = %scan3A_23 to %scan3A_25 step %scan3A_26  : i32 {
      %mul3A_29 = arith.constant 4 : i32
      %mul3A_30 = arith.muli %scan3A_28, %mul3A_29 : i32
      %add3A_31 = arith.constant 0 : i32
      %add3A_32 = arith.addi %mul3A_30, %add3A_31 : i32
      %add3A_33 = arith.constant 3 : i32
      %add3A_34 = arith.addi %add3A_32, %add3A_33 : i32
      %lt3A = arith.constant 32 : i32
      %lt3A_35 = arith.cmpi slt, %add3A_34, %lt3A : i32
      %convert_element_type3A = arith.extui %lt3A_35 : i1 to i32
      %cond3A = arith.constant 0 : i32
      %cond3A_36 = arith.cmpi ne, %convert_element_type3A, %cond3A : i32
      scf.if %cond3A_36 {
        %add3A_91 = arith.constant 3 : i32
        %add3A_92 = arith.addi %add3A_32, %add3A_91 : i32
        %dma_start3A_93 = arith.constant 0 : i32
        %dma_start3A_94 = tpu.memref_slice %arg5[%add3A_92, %dma_start3A_93] : memref<32x128xi32, #tpu.memory_space<vmem>> -> memref<1x128xi32, #tpu.memory_space<vmem>>
        %dma_start3A_95 = tpu.memref_squeeze %dma_start3A_94 : memref<1x128xi32, #tpu.memory_space<vmem>> -> memref<128xi32, #tpu.memory_space<vmem>>
        %dma_start3A_96 = arith.constant 0 : i32
        %dma_start3A_97 = arith.constant 0 : i32
        %dma_start3A_98 = tpu.memref_slice %arg2[%dma_start3A_96, %dma_start3A_97] : memref<1000000x128xf32, #tpu.memory_space<hbm>> -> memref<1000000x128xf32, #tpu.memory_space<hbm>>
        tpu.enqueue_indirect_dma source(%dma_start3A_98 : memref<1000000x128xf32, #tpu.memory_space<hbm>>) target(%arg9 : memref<128x128xf32, #tpu.memory_space<vmem>>) offsets(%dma_start3A_95 : memref<128xi32, #tpu.memory_space<vmem>>) semaphore(%arg13 : memref<!tpu.dma_semaphore, #tpu.memory_space<semaphore_mem>>)
      } else {
      }
      %dma_wait3A = arith.constant 0 : i32
      %dma_wait3A_37 = tpu.memref_slice %arg5[%add3A_32, %dma_wait3A] : memref<32x128xi32, #tpu.memory_space<vmem>> -> memref<1x128xi32, #tpu.memory_space<vmem>>
      %dma_wait3A_38 = tpu.memref_squeeze %dma_wait3A_37 : memref<1x128xi32, #tpu.memory_space<vmem>> -> memref<128xi32, #tpu.memory_space<vmem>>
      %dma_wait3A_39 = arith.constant 0 : i32
      %dma_wait3A_40 = arith.constant 0 : i32
      %dma_wait3A_41 = tpu.memref_slice %arg2[%dma_wait3A_39, %dma_wait3A_40] : memref<1000000x128xf32, #tpu.memory_space<hbm>> -> memref<1000000x128xf32, #tpu.memory_space<hbm>>
      tpu.wait_indirect_dma semaphore(%arg10 : memref<!tpu.dma_semaphore, #tpu.memory_space<semaphore_mem>>) src(%dma_wait3A_41 : memref<1000000x128xf32, #tpu.memory_space<hbm>>) dst(%arg6 : memref<128x128xf32, #tpu.memory_space<vmem>>)
      %add3A_42 = arith.addi %mul3A_2, %add3A_32 : i32
      "tpu.region"() ({
        %run_scoped3A = tpu.sem_alloc : memref<!tpu.dma_semaphore, #tpu.memory_space<semaphore_mem>>
        %dma_start3A_91 = arith.constant 0 : i32
        %dma_start3A_92 = arith.constant 0 : i32
        %dma_start3A_93 = tpu.memref_slice %arg4[%add3A_42, %dma_start3A_91, %dma_start3A_92] : memref<1024x128x128xf32, #tpu.memory_space<hbm>> -> memref<1x128x128xf32, #tpu.memory_space<hbm>>
        %dma_start3A_94 = tpu.memref_squeeze %dma_start3A_93 : memref<1x128x128xf32, #tpu.memory_space<hbm>> -> memref<128x128xf32, #tpu.memory_space<hbm>>
        %dma_start3A_95 = arith.constant 0 : i32
        %dma_start3A_96 = arith.constant 0 : i32
        %dma_start3A_97 = tpu.memref_slice %arg4[%add3A_42, %dma_start3A_95, %dma_start3A_96] : memref<1024x128x128xf32, #tpu.memory_space<hbm>> -> memref<1x128x128xf32, #tpu.memory_space<hbm>>
        %dma_start3A_98 = tpu.memref_squeeze %dma_start3A_97 : memref<1x128x128xf32, #tpu.memory_space<hbm>> -> memref<128x128xf32, #tpu.memory_space<hbm>>
        tpu.enqueue_dma source(%arg6 : memref<128x128xf32, #tpu.memory_space<vmem>>) target(%dma_start3A_98 : memref<128x128xf32, #tpu.memory_space<hbm>>) target_semaphore(%run_scoped3A : memref<!tpu.dma_semaphore, #tpu.memory_space<semaphore_mem>>)
        %dma_wait3A_99 = arith.constant 0 : i32
        %dma_wait3A_100 = arith.constant 0 : i32
        %dma_wait3A_101 = tpu.memref_slice %arg4[%add3A_42, %dma_wait3A_99, %dma_wait3A_100] : memref<1024x128x128xf32, #tpu.memory_space<hbm>> -> memref<1x128x128xf32, #tpu.memory_space<hbm>>
        %dma_wait3A_102 = tpu.memref_squeeze %dma_wait3A_101 : memref<1x128x128xf32, #tpu.memory_space<hbm>> -> memref<128x128xf32, #tpu.memory_space<hbm>>
        %dma_wait3A_103 = arith.constant 0 : i32
        %dma_wait3A_104 = arith.constant 0 : i32
        %dma_wait3A_105 = tpu.memref_slice %arg4[%add3A_42, %dma_wait3A_103, %dma_wait3A_104] : memref<1024x128x128xf32, #tpu.memory_space<hbm>> -> memref<1x128x128xf32, #tpu.memory_space<hbm>>
        %dma_wait3A_106 = tpu.memref_squeeze %dma_wait3A_105 : memref<1x128x128xf32, #tpu.memory_space<hbm>> -> memref<128x128xf32, #tpu.memory_space<hbm>>
        tpu.wait_dma2 semaphore(%run_scoped3A : memref<!tpu.dma_semaphore, #tpu.memory_space<semaphore_mem>>) src(%arg6 : memref<128x128xf32, #tpu.memory_space<vmem>>) dst(%dma_wait3A_106 : memref<128x128xf32, #tpu.memory_space<hbm>>)
        tpu.yield
      }) : () -> ()
      %add3A_43 = arith.constant 1 : i32
      %add3A_44 = arith.addi %mul3A_30, %add3A_43 : i32
      %add3A_45 = arith.constant 3 : i32
      %add3A_46 = arith.addi %add3A_44, %add3A_45 : i32
      %lt3A_47 = arith.constant 32 : i32
      %lt3A_48 = arith.cmpi slt, %add3A_46, %lt3A_47 : i32
      %convert_element_type3A_49 = arith.extui %lt3A_48 : i1 to i32
      %cond3A_50 = arith.constant 0 : i32
      %cond3A_51 = arith.cmpi ne, %convert_element_type3A_49, %cond3A_50 : i32
      scf.if %cond3A_51 {
        %add3A_91 = arith.constant 3 : i32
        %add3A_92 = arith.addi %add3A_44, %add3A_91 : i32
        %dma_start3A_93 = arith.constant 0 : i32
        %dma_start3A_94 = tpu.memref_slice %arg5[%add3A_92, %dma_start3A_93] : memref<32x128xi32, #tpu.memory_space<vmem>> -> memref<1x128xi32, #tpu.memory_space<vmem>>
        %dma_start3A_95 = tpu.memref_squeeze %dma_start3A_94 : memref<1x128xi32, #tpu.memory_space<vmem>> -> memref<128xi32, #tpu.memory_space<vmem>>
        %dma_start3A_96 = arith.constant 0 : i32
        %dma_start3A_97 = arith.constant 0 : i32
        %dma_start3A_98 = tpu.memref_slice %arg2[%dma_start3A_96, %dma_start3A_97] : memref<1000000x128xf32, #tpu.memory_space<hbm>> -> memref<1000000x128xf32, #tpu.memory_space<hbm>>
        tpu.enqueue_indirect_dma source(%dma_start3A_98 : memref<1000000x128xf32, #tpu.memory_space<hbm>>) target(%arg6 : memref<128x128xf32, #tpu.memory_space<vmem>>) offsets(%dma_start3A_95 : memref<128xi32, #tpu.memory_space<vmem>>) semaphore(%arg10 : memref<!tpu.dma_semaphore, #tpu.memory_space<semaphore_mem>>)
      } else {
      }
      %dma_wait3A_52 = arith.constant 0 : i32
      %dma_wait3A_53 = tpu.memref_slice %arg5[%add3A_44, %dma_wait3A_52] : memref<32x128xi32, #tpu.memory_space<vmem>> -> memref<1x128xi32, #tpu.memory_space<vmem>>
      %dma_wait3A_54 = tpu.memref_squeeze %dma_wait3A_53 : memref<1x128xi32, #tpu.memory_space<vmem>> -> memref<128xi32, #tpu.memory_space<vmem>>
      %dma_wait3A_55 = arith.constant 0 : i32
      %dma_wait3A_56 = arith.constant 0 : i32
      %dma_wait3A_57 = tpu.memref_slice %arg2[%dma_wait3A_55, %dma_wait3A_56] : memref<1000000x128xf32, #tpu.memory_space<hbm>> -> memref<1000000x128xf32, #tpu.memory_space<hbm>>
      tpu.wait_indirect_dma semaphore(%arg11 : memref<!tpu.dma_semaphore, #tpu.memory_space<semaphore_mem>>) src(%dma_wait3A_57 : memref<1000000x128xf32, #tpu.memory_space<hbm>>) dst(%arg7 : memref<128x128xf32, #tpu.memory_space<vmem>>)
      %add3A_58 = arith.addi %mul3A_2, %add3A_44 : i32
      "tpu.region"() ({
        %run_scoped3A = tpu.sem_alloc : memref<!tpu.dma_semaphore, #tpu.memory_space<semaphore_mem>>
        %dma_start3A_91 = arith.constant 0 : i32
        %dma_start3A_92 = arith.constant 0 : i32
        %dma_start3A_93 = tpu.memref_slice %arg4[%add3A_58, %dma_start3A_91, %dma_start3A_92] : memref<1024x128x128xf32, #tpu.memory_space<hbm>> -> memref<1x128x128xf32, #tpu.memory_space<hbm>>
        %dma_start3A_94 = tpu.memref_squeeze %dma_start3A_93 : memref<1x128x128xf32, #tpu.memory_space<hbm>> -> memref<128x128xf32, #tpu.memory_space<hbm>>
        %dma_start3A_95 = arith.constant 0 : i32
        %dma_start3A_96 = arith.constant 0 : i32
        %dma_start3A_97 = tpu.memref_slice %arg4[%add3A_58, %dma_start3A_95, %dma_start3A_96] : memref<1024x128x128xf32, #tpu.memory_space<hbm>> -> memref<1x128x128xf32, #tpu.memory_space<hbm>>
        %dma_start3A_98 = tpu.memref_squeeze %dma_start3A_97 : memref<1x128x128xf32, #tpu.memory_space<hbm>> -> memref<128x128xf32, #tpu.memory_space<hbm>>
        tpu.enqueue_dma source(%arg7 : memref<128x128xf32, #tpu.memory_space<vmem>>) target(%dma_start3A_98 : memref<128x128xf32, #tpu.memory_space<hbm>>) target_semaphore(%run_scoped3A : memref<!tpu.dma_semaphore, #tpu.memory_space<semaphore_mem>>)
        %dma_wait3A_99 = arith.constant 0 : i32
        %dma_wait3A_100 = arith.constant 0 : i32
        %dma_wait3A_101 = tpu.memref_slice %arg4[%add3A_58, %dma_wait3A_99, %dma_wait3A_100] : memref<1024x128x128xf32, #tpu.memory_space<hbm>> -> memref<1x128x128xf32, #tpu.memory_space<hbm>>
        %dma_wait3A_102 = tpu.memref_squeeze %dma_wait3A_101 : memref<1x128x128xf32, #tpu.memory_space<hbm>> -> memref<128x128xf32, #tpu.memory_space<hbm>>
        %dma_wait3A_103 = arith.constant 0 : i32
        %dma_wait3A_104 = arith.constant 0 : i32
        %dma_wait3A_105 = tpu.memref_slice %arg4[%add3A_58, %dma_wait3A_103, %dma_wait3A_104] : memref<1024x128x128xf32, #tpu.memory_space<hbm>> -> memref<1x128x128xf32, #tpu.memory_space<hbm>>
        %dma_wait3A_106 = tpu.memref_squeeze %dma_wait3A_105 : memref<1x128x128xf32, #tpu.memory_space<hbm>> -> memref<128x128xf32, #tpu.memory_space<hbm>>
        tpu.wait_dma2 semaphore(%run_scoped3A : memref<!tpu.dma_semaphore, #tpu.memory_space<semaphore_mem>>) src(%arg7 : memref<128x128xf32, #tpu.memory_space<vmem>>) dst(%dma_wait3A_106 : memref<128x128xf32, #tpu.memory_space<hbm>>)
        tpu.yield
      }) : () -> ()
      %add3A_59 = arith.constant 2 : i32
      %add3A_60 = arith.addi %mul3A_30, %add3A_59 : i32
      %add3A_61 = arith.constant 3 : i32
      %add3A_62 = arith.addi %add3A_60, %add3A_61 : i32
      %lt3A_63 = arith.constant 32 : i32
      %lt3A_64 = arith.cmpi slt, %add3A_62, %lt3A_63 : i32
      %convert_element_type3A_65 = arith.extui %lt3A_64 : i1 to i32
      %cond3A_66 = arith.constant 0 : i32
      %cond3A_67 = arith.cmpi ne, %convert_element_type3A_65, %cond3A_66 : i32
      scf.if %cond3A_67 {
        %add3A_91 = arith.constant 3 : i32
        %add3A_92 = arith.addi %add3A_60, %add3A_91 : i32
        %dma_start3A_93 = arith.constant 0 : i32
        %dma_start3A_94 = tpu.memref_slice %arg5[%add3A_92, %dma_start3A_93] : memref<32x128xi32, #tpu.memory_space<vmem>> -> memref<1x128xi32, #tpu.memory_space<vmem>>
        %dma_start3A_95 = tpu.memref_squeeze %dma_start3A_94 : memref<1x128xi32, #tpu.memory_space<vmem>> -> memref<128xi32, #tpu.memory_space<vmem>>
        %dma_start3A_96 = arith.constant 0 : i32
        %dma_start3A_97 = arith.constant 0 : i32
        %dma_start3A_98 = tpu.memref_slice %arg2[%dma_start3A_96, %dma_start3A_97] : memref<1000000x128xf32, #tpu.memory_space<hbm>> -> memref<1000000x128xf32, #tpu.memory_space<hbm>>
        tpu.enqueue_indirect_dma source(%dma_start3A_98 : memref<1000000x128xf32, #tpu.memory_space<hbm>>) target(%arg7 : memref<128x128xf32, #tpu.memory_space<vmem>>) offsets(%dma_start3A_95 : memref<128xi32, #tpu.memory_space<vmem>>) semaphore(%arg11 : memref<!tpu.dma_semaphore, #tpu.memory_space<semaphore_mem>>)
      } else {
      }
      %dma_wait3A_68 = arith.constant 0 : i32
      %dma_wait3A_69 = tpu.memref_slice %arg5[%add3A_60, %dma_wait3A_68] : memref<32x128xi32, #tpu.memory_space<vmem>> -> memref<1x128xi32, #tpu.memory_space<vmem>>
      %dma_wait3A_70 = tpu.memref_squeeze %dma_wait3A_69 : memref<1x128xi32, #tpu.memory_space<vmem>> -> memref<128xi32, #tpu.memory_space<vmem>>
      %dma_wait3A_71 = arith.constant 0 : i32
      %dma_wait3A_72 = arith.constant 0 : i32
      %dma_wait3A_73 = tpu.memref_slice %arg2[%dma_wait3A_71, %dma_wait3A_72] : memref<1000000x128xf32, #tpu.memory_space<hbm>> -> memref<1000000x128xf32, #tpu.memory_space<hbm>>
      tpu.wait_indirect_dma semaphore(%arg12 : memref<!tpu.dma_semaphore, #tpu.memory_space<semaphore_mem>>) src(%dma_wait3A_73 : memref<1000000x128xf32, #tpu.memory_space<hbm>>) dst(%arg8 : memref<128x128xf32, #tpu.memory_space<vmem>>)
      %add3A_74 = arith.addi %mul3A_2, %add3A_60 : i32
      "tpu.region"() ({
        %run_scoped3A = tpu.sem_alloc : memref<!tpu.dma_semaphore, #tpu.memory_space<semaphore_mem>>
        %dma_start3A_91 = arith.constant 0 : i32
        %dma_start3A_92 = arith.constant 0 : i32
        %dma_start3A_93 = tpu.memref_slice %arg4[%add3A_74, %dma_start3A_91, %dma_start3A_92] : memref<1024x128x128xf32, #tpu.memory_space<hbm>> -> memref<1x128x128xf32, #tpu.memory_space<hbm>>
        %dma_start3A_94 = tpu.memref_squeeze %dma_start3A_93 : memref<1x128x128xf32, #tpu.memory_space<hbm>> -> memref<128x128xf32, #tpu.memory_space<hbm>>
        %dma_start3A_95 = arith.constant 0 : i32
        %dma_start3A_96 = arith.constant 0 : i32
        %dma_start3A_97 = tpu.memref_slice %arg4[%add3A_74, %dma_start3A_95, %dma_start3A_96] : memref<1024x128x128xf32, #tpu.memory_space<hbm>> -> memref<1x128x128xf32, #tpu.memory_space<hbm>>
        %dma_start3A_98 = tpu.memref_squeeze %dma_start3A_97 : memref<1x128x128xf32, #tpu.memory_space<hbm>> -> memref<128x128xf32, #tpu.memory_space<hbm>>
        tpu.enqueue_dma source(%arg8 : memref<128x128xf32, #tpu.memory_space<vmem>>) target(%dma_start3A_98 : memref<128x128xf32, #tpu.memory_space<hbm>>) target_semaphore(%run_scoped3A : memref<!tpu.dma_semaphore, #tpu.memory_space<semaphore_mem>>)
        %dma_wait3A_99 = arith.constant 0 : i32
        %dma_wait3A_100 = arith.constant 0 : i32
        %dma_wait3A_101 = tpu.memref_slice %arg4[%add3A_74, %dma_wait3A_99, %dma_wait3A_100] : memref<1024x128x128xf32, #tpu.memory_space<hbm>> -> memref<1x128x128xf32, #tpu.memory_space<hbm>>
        %dma_wait3A_102 = tpu.memref_squeeze %dma_wait3A_101 : memref<1x128x128xf32, #tpu.memory_space<hbm>> -> memref<128x128xf32, #tpu.memory_space<hbm>>
        %dma_wait3A_103 = arith.constant 0 : i32
        %dma_wait3A_104 = arith.constant 0 : i32
        %dma_wait3A_105 = tpu.memref_slice %arg4[%add3A_74, %dma_wait3A_103, %dma_wait3A_104] : memref<1024x128x128xf32, #tpu.memory_space<hbm>> -> memref<1x128x128xf32, #tpu.memory_space<hbm>>
        %dma_wait3A_106 = tpu.memref_squeeze %dma_wait3A_105 : memref<1x128x128xf32, #tpu.memory_space<hbm>> -> memref<128x128xf32, #tpu.memory_space<hbm>>
        tpu.wait_dma2 semaphore(%run_scoped3A : memref<!tpu.dma_semaphore, #tpu.memory_space<semaphore_mem>>) src(%arg8 : memref<128x128xf32, #tpu.memory_space<vmem>>) dst(%dma_wait3A_106 : memref<128x128xf32, #tpu.memory_space<hbm>>)
        tpu.yield
      }) : () -> ()
      %add3A_75 = arith.constant 3 : i32
      %add3A_76 = arith.addi %mul3A_30, %add3A_75 : i32
      %add3A_77 = arith.constant 3 : i32
      %add3A_78 = arith.addi %add3A_76, %add3A_77 : i32
      %lt3A_79 = arith.constant 32 : i32
      %lt3A_80 = arith.cmpi slt, %add3A_78, %lt3A_79 : i32
      %convert_element_type3A_81 = arith.extui %lt3A_80 : i1 to i32
      %cond3A_82 = arith.constant 0 : i32
      %cond3A_83 = arith.cmpi ne, %convert_element_type3A_81, %cond3A_82 : i32
      scf.if %cond3A_83 {
        %add3A_91 = arith.constant 3 : i32
        %add3A_92 = arith.addi %add3A_76, %add3A_91 : i32
        %dma_start3A_93 = arith.constant 0 : i32
        %dma_start3A_94 = tpu.memref_slice %arg5[%add3A_92, %dma_start3A_93] : memref<32x128xi32, #tpu.memory_space<vmem>> -> memref<1x128xi32, #tpu.memory_space<vmem>>
        %dma_start3A_95 = tpu.memref_squeeze %dma_start3A_94 : memref<1x128xi32, #tpu.memory_space<vmem>> -> memref<128xi32, #tpu.memory_space<vmem>>
        %dma_start3A_96 = arith.constant 0 : i32
        %dma_start3A_97 = arith.constant 0 : i32
        %dma_start3A_98 = tpu.memref_slice %arg2[%dma_start3A_96, %dma_start3A_97] : memref<1000000x128xf32, #tpu.memory_space<hbm>> -> memref<1000000x128xf32, #tpu.memory_space<hbm>>
        tpu.enqueue_indirect_dma source(%dma_start3A_98 : memref<1000000x128xf32, #tpu.memory_space<hbm>>) target(%arg8 : memref<128x128xf32, #tpu.memory_space<vmem>>) offsets(%dma_start3A_95 : memref<128xi32, #tpu.memory_space<vmem>>) semaphore(%arg12 : memref<!tpu.dma_semaphore, #tpu.memory_space<semaphore_mem>>)
      } else {
      }
      %dma_wait3A_84 = arith.constant 0 : i32
      %dma_wait3A_85 = tpu.memref_slice %arg5[%add3A_76, %dma_wait3A_84] : memref<32x128xi32, #tpu.memory_space<vmem>> -> memref<1x128xi32, #tpu.memory_space<vmem>>
      %dma_wait3A_86 = tpu.memref_squeeze %dma_wait3A_85 : memref<1x128xi32, #tpu.memory_space<vmem>> -> memref<128xi32, #tpu.memory_space<vmem>>
      %dma_wait3A_87 = arith.constant 0 : i32
      %dma_wait3A_88 = arith.constant 0 : i32
      %dma_wait3A_89 = tpu.memref_slice %arg2[%dma_wait3A_87, %dma_wait3A_88] : memref<1000000x128xf32, #tpu.memory_space<hbm>> -> memref<1000000x128xf32, #tpu.memory_space<hbm>>
      tpu.wait_indirect_dma semaphore(%arg13 : memref<!tpu.dma_semaphore, #tpu.memory_space<semaphore_mem>>) src(%dma_wait3A_89 : memref<1000000x128xf32, #tpu.memory_space<hbm>>) dst(%arg9 : memref<128x128xf32, #tpu.memory_space<vmem>>)
      %add3A_90 = arith.addi %mul3A_2, %add3A_76 : i32
      "tpu.region"() ({
        %run_scoped3A = tpu.sem_alloc : memref<!tpu.dma_semaphore, #tpu.memory_space<semaphore_mem>>
        %dma_start3A_91 = arith.constant 0 : i32
        %dma_start3A_92 = arith.constant 0 : i32
        %dma_start3A_93 = tpu.memref_slice %arg4[%add3A_90, %dma_start3A_91, %dma_start3A_92] : memref<1024x128x128xf32, #tpu.memory_space<hbm>> -> memref<1x128x128xf32, #tpu.memory_space<hbm>>
        %dma_start3A_94 = tpu.memref_squeeze %dma_start3A_93 : memref<1x128x128xf32, #tpu.memory_space<hbm>> -> memref<128x128xf32, #tpu.memory_space<hbm>>
        %dma_start3A_95 = arith.constant 0 : i32
        %dma_start3A_96 = arith.constant 0 : i32
        %dma_start3A_97 = tpu.memref_slice %arg4[%add3A_90, %dma_start3A_95, %dma_start3A_96] : memref<1024x128x128xf32, #tpu.memory_space<hbm>> -> memref<1x128x128xf32, #tpu.memory_space<hbm>>
        %dma_start3A_98 = tpu.memref_squeeze %dma_start3A_97 : memref<1x128x128xf32, #tpu.memory_space<hbm>> -> memref<128x128xf32, #tpu.memory_space<hbm>>
        tpu.enqueue_dma source(%arg9 : memref<128x128xf32, #tpu.memory_space<vmem>>) target(%dma_start3A_98 : memref<128x128xf32, #tpu.memory_space<hbm>>) target_semaphore(%run_scoped3A : memref<!tpu.dma_semaphore, #tpu.memory_space<semaphore_mem>>)
        %dma_wait3A_99 = arith.constant 0 : i32
        %dma_wait3A_100 = arith.constant 0 : i32
        %dma_wait3A_101 = tpu.memref_slice %arg4[%add3A_90, %dma_wait3A_99, %dma_wait3A_100] : memref<1024x128x128xf32, #tpu.memory_space<hbm>> -> memref<1x128x128xf32, #tpu.memory_space<hbm>>
        %dma_wait3A_102 = tpu.memref_squeeze %dma_wait3A_101 : memref<1x128x128xf32, #tpu.memory_space<hbm>> -> memref<128x128xf32, #tpu.memory_space<hbm>>
        %dma_wait3A_103 = arith.constant 0 : i32
        %dma_wait3A_104 = arith.constant 0 : i32
        %dma_wait3A_105 = tpu.memref_slice %arg4[%add3A_90, %dma_wait3A_103, %dma_wait3A_104] : memref<1024x128x128xf32, #tpu.memory_space<hbm>> -> memref<1x128x128xf32, #tpu.memory_space<hbm>>
        %dma_wait3A_106 = tpu.memref_squeeze %dma_wait3A_105 : memref<1x128x128xf32, #tpu.memory_space<hbm>> -> memref<128x128xf32, #tpu.memory_space<hbm>>
        tpu.wait_dma2 semaphore(%run_scoped3A : memref<!tpu.dma_semaphore, #tpu.memory_space<semaphore_mem>>) src(%arg9 : memref<128x128xf32, #tpu.memory_space<vmem>>) dst(%dma_wait3A_106 : memref<128x128xf32, #tpu.memory_space<hbm>>)
        tpu.yield
      }) : () -> ()
    }
    %scan3A_27 = arith.constant 8 : i32
    return
  }
}

#map = affine_map<(d0, d1) -> (0, 0)>
#map1 = affine_map<(d0, d1) -> (0, 0, 0)>
module attributes {stable_mosaic.version = 14 : i64} {
  func.func @body(%arg0: i32, %arg1: i32, %arg2: memref<1000000x128xf32, #tpu.memory_space<hbm>>, %arg3: memref<32x32x128xi32, #tpu.memory_space<hbm>>, %arg4: memref<1024x128x128xf32, #tpu.memory_space<hbm>>, %arg5: memref<32x128xi32, #tpu.memory_space<vmem>>, %arg6: memref<128x128xf32, #tpu.memory_space<vmem>>, %arg7: memref<128x128xf32, #tpu.memory_space<vmem>>, %arg8: memref<128x128xf32, #tpu.memory_space<vmem>>, %arg9: memref<128x128xf32, #tpu.memory_space<vmem>>, %arg10: memref<!tpu.dma_semaphore, #tpu.memory_space<semaphore_mem>>, %arg11: memref<!tpu.dma_semaphore, #tpu.memory_space<semaphore_mem>>, %arg12: memref<!tpu.dma_semaphore, #tpu.memory_space<semaphore_mem>>, %arg13: memref<!tpu.dma_semaphore, #tpu.memory_space<semaphore_mem>>) attributes {dimension_semantics = [#tpu.dimension_semantics<core_parallel>, #tpu.dimension_semantics<subcore_parallel>], iteration_bounds = array<i64: 2, 16>, scalar_prefetch = 0 : i64, scratch_operands = 9 : i64, tpu.core_type = #tpu.core_type<sc_vector_subcore>, window_params = [{transform_indices = #map}, {transform_indices = #map1}, {transform_indices = #map1}]} {
    %mul3A = arith.constant 2 : i32
    %mul3A_0 = arith.muli %arg1, %mul3A : i32
    %add3A = arith.addi %mul3A_0, %arg0 : i32
    "tpu.region"() ({
      %run_scoped3A = tpu.sem_alloc : memref<!tpu.dma_semaphore, #tpu.memory_space<semaphore_mem>>
      %dma_start3A_28 = arith.constant 0 : i32
      %dma_start3A_29 = arith.constant 0 : i32
      %dma_start3A_30 = tpu.memref_slice %arg3[%add3A, %dma_start3A_28, %dma_start3A_29] : memref<32x32x128xi32, #tpu.memory_space<hbm>> -> memref<1x32x128xi32, #tpu.memory_space<hbm>>
      %dma_start3A_31 = tpu.memref_squeeze %dma_start3A_30 : memref<1x32x128xi32, #tpu.memory_space<hbm>> -> memref<32x128xi32, #tpu.memory_space<hbm>>
      %dma_start3A_32 = arith.constant 0 : i32
      %dma_start3A_33 = arith.constant 0 : i32
      %dma_start3A_34 = tpu.memref_slice %arg3[%add3A, %dma_start3A_32, %dma_start3A_33] : memref<32x32x128xi32, #tpu.memory_space<hbm>> -> memref<1x32x128xi32, #tpu.memory_space<hbm>>
      %dma_start3A_35 = tpu.memref_squeeze %dma_start3A_34 : memref<1x32x128xi32, #tpu.memory_space<hbm>> -> memref<32x128xi32, #tpu.memory_space<hbm>>
      tpu.enqueue_dma source(%dma_start3A_35 : memref<32x128xi32, #tpu.memory_space<hbm>>) target(%arg5 : memref<32x128xi32, #tpu.memory_space<vmem>>) target_semaphore(%run_scoped3A : memref<!tpu.dma_semaphore, #tpu.memory_space<semaphore_mem>>)
      %dma_wait3A = arith.constant 0 : i32
      %dma_wait3A_36 = arith.constant 0 : i32
      %dma_wait3A_37 = tpu.memref_slice %arg3[%add3A, %dma_wait3A, %dma_wait3A_36] : memref<32x32x128xi32, #tpu.memory_space<hbm>> -> memref<1x32x128xi32, #tpu.memory_space<hbm>>
      %dma_wait3A_38 = tpu.memref_squeeze %dma_wait3A_37 : memref<1x32x128xi32, #tpu.memory_space<hbm>> -> memref<32x128xi32, #tpu.memory_space<hbm>>
      %dma_wait3A_39 = arith.constant 0 : i32
      %dma_wait3A_40 = arith.constant 0 : i32
      %dma_wait3A_41 = tpu.memref_slice %arg3[%add3A, %dma_wait3A_39, %dma_wait3A_40] : memref<32x32x128xi32, #tpu.memory_space<hbm>> -> memref<1x32x128xi32, #tpu.memory_space<hbm>>
      %dma_wait3A_42 = tpu.memref_squeeze %dma_wait3A_41 : memref<1x32x128xi32, #tpu.memory_space<hbm>> -> memref<32x128xi32, #tpu.memory_space<hbm>>
      tpu.wait_dma2 semaphore(%run_scoped3A : memref<!tpu.dma_semaphore, #tpu.memory_space<semaphore_mem>>) src(%dma_wait3A_42 : memref<32x128xi32, #tpu.memory_space<hbm>>) dst(%arg5 : memref<32x128xi32, #tpu.memory_space<vmem>>)
      tpu.yield
    }) : () -> ()
    %mul3A_1 = arith.constant 32 : i32
    %mul3A_2 = arith.muli %add3A, %mul3A_1 : i32
    %dma_start3A = arith.constant 0 : i32
    %dma_start3A_3 = arith.constant 0 : i32
    %dma_start3A_4 = tpu.memref_slice %arg5[%dma_start3A, %dma_start3A_3] : memref<32x128xi32, #tpu.memory_space<vmem>> -> memref<1x128xi32, #tpu.memory_space<vmem>>
    %dma_start3A_5 = tpu.memref_squeeze %dma_start3A_4 : memref<1x128xi32, #tpu.memory_space<vmem>> -> memref<128xi32, #tpu.memory_space<vmem>>
    %dma_start3A_6 = arith.constant 0 : i32
    %dma_start3A_7 = arith.constant 0 : i32
    %dma_start3A_8 = tpu.memref_slice %arg2[%dma_start3A_6, %dma_start3A_7] : memref<1000000x128xf32, #tpu.memory_space<hbm>> -> memref<1000000x128xf32, #tpu.memory_space<hbm>>
    tpu.enqueue_indirect_dma source(%dma_start3A_8 : memref<1000000x128xf32, #tpu.memory_space<hbm>>) target(%arg6 : memref<128x128xf32, #tpu.memory_space<vmem>>) offsets(%dma_start3A_5 : memref<128xi32, #tpu.memory_space<vmem>>) semaphore(%arg10 : memref<!tpu.dma_semaphore, #tpu.memory_space<semaphore_mem>>)
    %dma_start3A_9 = arith.constant 1 : i32
    %dma_start3A_10 = arith.constant 0 : i32
    %dma_start3A_11 = tpu.memref_slice %arg5[%dma_start3A_9, %dma_start3A_10] : memref<32x128xi32, #tpu.memory_space<vmem>> -> memref<1x128xi32, #tpu.memory_space<vmem>>
    %dma_start3A_12 = tpu.memref_squeeze %dma_start3A_11 : memref<1x128xi32, #tpu.memory_space<vmem>> -> memref<128xi32, #tpu.memory_space<vmem>>
    %dma_start3A_13 = arith.constant 0 : i32
    %dma_start3A_14 = arith.constant 0 : i32
    %dma_start3A_15 = tpu.memref_slice %arg2[%dma_start3A_13, %dma_start3A_14] : memref<1000000x128xf32, #tpu.memory_space<hbm>> -> memref<1000000x128xf32, #tpu.memory_space<hbm>>
    tpu.enqueue_indirect_dma source(%dma_start3A_15 : memref<1000000x128xf32, #tpu.memory_space<hbm>>) target(%arg7 : memref<128x128xf32, #tpu.memory_space<vmem>>) offsets(%dma_start3A_12 : memref<128xi32, #tpu.memory_space<vmem>>) semaphore(%arg11 : memref<!tpu.dma_semaphore, #tpu.memory_space<semaphore_mem>>)
    %dma_start3A_16 = arith.constant 2 : i32
    %dma_start3A_17 = arith.constant 0 : i32
    %dma_start3A_18 = tpu.memref_slice %arg5[%dma_start3A_16, %dma_start3A_17] : memref<32x128xi32, #tpu.memory_space<vmem>> -> memref<1x128xi32, #tpu.memory_space<vmem>>
    %dma_start3A_19 = tpu.memref_squeeze %dma_start3A_18 : memref<1x128xi32, #tpu.memory_space<vmem>> -> memref<128xi32, #tpu.memory_space<vmem>>
    %dma_start3A_20 = arith.constant 0 : i32
    %dma_start3A_21 = arith.constant 0 : i32
    %dma_start3A_22 = tpu.memref_slice %arg2[%dma_start3A_20, %dma_start3A_21] : memref<1000000x128xf32, #tpu.memory_space<hbm>> -> memref<1000000x128xf32, #tpu.memory_space<hbm>>
    tpu.enqueue_indirect_dma source(%dma_start3A_22 : memref<1000000x128xf32, #tpu.memory_space<hbm>>) target(%arg8 : memref<128x128xf32, #tpu.memory_space<vmem>>) offsets(%dma_start3A_19 : memref<128xi32, #tpu.memory_space<vmem>>) semaphore(%arg12 : memref<!tpu.dma_semaphore, #tpu.memory_space<semaphore_mem>>)
    %scan3A = arith.constant 0 : i32
    %scan3A_23 = arith.constant 0 : i32
    %scan3A_24 = arith.constant 8 : i32
    %scan3A_25 = arith.addi %scan3A_23, %scan3A_24 : i32
    %scan3A_26 = arith.constant 1 : i32
    scf.for %scan3A_28 = %scan3A_23 to %scan3A_25 step %scan3A_26  : i32 {
      %mul3A_29 = arith.constant 4 : i32
      %mul3A_30 = arith.muli %scan3A_28, %mul3A_29 : i32
      %add3A_31 = arith.constant 0 : i32
      %add3A_32 = arith.addi %mul3A_30, %add3A_31 : i32
      %add3A_33 = arith.constant 3 : i32
      %add3A_34 = arith.addi %add3A_32, %add3A_33 : i32
      %lt3A = arith.constant 32 : i32
      %lt3A_35 = arith.cmpi slt, %add3A_34, %lt3A : i32
      %convert_element_type3A = arith.extui %lt3A_35 : i1 to i32
      %cond3A = arith.constant 0 : i32
      %cond3A_36 = arith.cmpi ne, %convert_element_type3A, %cond3A : i32
      scf.if %cond3A_36 {
        %add3A_91 = arith.constant 3 : i32
        %add3A_92 = arith.addi %add3A_32, %add3A_91 : i32
        %dma_start3A_93 = arith.constant 0 : i32
        %dma_start3A_94 = tpu.memref_slice %arg5[%add3A_92, %dma_start3A_93] : memref<32x128xi32, #tpu.memory_space<vmem>> -> memref<1x128xi32, #tpu.memory_space<vmem>>
        %dma_start3A_95 = tpu.memref_squeeze %dma_start3A_94 : memref<1x128xi32, #tpu.memory_space<vmem>> -> memref<128xi32, #tpu.memory_space<vmem>>
        %dma_start3A_96 = arith.constant 0 : i32
        %dma_start3A_97 = arith.constant 0 : i32
        %dma_start3A_98 = tpu.memref_slice %arg2[%dma_start3A_96, %dma_start3A_97] : memref<1000000x128xf32, #tpu.memory_space<hbm>> -> memref<1000000x128xf32, #tpu.memory_space<hbm>>
        tpu.enqueue_indirect_dma source(%dma_start3A_98 : memref<1000000x128xf32, #tpu.memory_space<hbm>>) target(%arg9 : memref<128x128xf32, #tpu.memory_space<vmem>>) offsets(%dma_start3A_95 : memref<128xi32, #tpu.memory_space<vmem>>) semaphore(%arg13 : memref<!tpu.dma_semaphore, #tpu.memory_space<semaphore_mem>>)
      } else {
      }
      %dma_wait3A = arith.constant 0 : i32
      %dma_wait3A_37 = tpu.memref_slice %arg5[%add3A_32, %dma_wait3A] : memref<32x128xi32, #tpu.memory_space<vmem>> -> memref<1x128xi32, #tpu.memory_space<vmem>>
      %dma_wait3A_38 = tpu.memref_squeeze %dma_wait3A_37 : memref<1x128xi32, #tpu.memory_space<vmem>> -> memref<128xi32, #tpu.memory_space<vmem>>
      %dma_wait3A_39 = arith.constant 0 : i32
      %dma_wait3A_40 = arith.constant 0 : i32
      %dma_wait3A_41 = tpu.memref_slice %arg2[%dma_wait3A_39, %dma_wait3A_40] : memref<1000000x128xf32, #tpu.memory_space<hbm>> -> memref<1000000x128xf32, #tpu.memory_space<hbm>>
      tpu.wait_indirect_dma semaphore(%arg10 : memref<!tpu.dma_semaphore, #tpu.memory_space<semaphore_mem>>) src(%dma_wait3A_41 : memref<1000000x128xf32, #tpu.memory_space<hbm>>) dst(%arg6 : memref<128x128xf32, #tpu.memory_space<vmem>>)
      %add3A_42 = arith.addi %mul3A_2, %add3A_32 : i32
      "tpu.region"() ({
        %run_scoped3A = tpu.sem_alloc : memref<!tpu.dma_semaphore, #tpu.memory_space<semaphore_mem>>
        %dma_start3A_91 = arith.constant 0 : i32
        %dma_start3A_92 = arith.constant 0 : i32
        %dma_start3A_93 = tpu.memref_slice %arg4[%add3A_42, %dma_start3A_91, %dma_start3A_92] : memref<1024x128x128xf32, #tpu.memory_space<hbm>> -> memref<1x128x128xf32, #tpu.memory_space<hbm>>
        %dma_start3A_94 = tpu.memref_squeeze %dma_start3A_93 : memref<1x128x128xf32, #tpu.memory_space<hbm>> -> memref<128x128xf32, #tpu.memory_space<hbm>>
        %dma_start3A_95 = arith.constant 0 : i32
        %dma_start3A_96 = arith.constant 0 : i32
        %dma_start3A_97 = tpu.memref_slice %arg4[%add3A_42, %dma_start3A_95, %dma_start3A_96] : memref<1024x128x128xf32, #tpu.memory_space<hbm>> -> memref<1x128x128xf32, #tpu.memory_space<hbm>>
        %dma_start3A_98 = tpu.memref_squeeze %dma_start3A_97 : memref<1x128x128xf32, #tpu.memory_space<hbm>> -> memref<128x128xf32, #tpu.memory_space<hbm>>
        tpu.enqueue_dma source(%arg6 : memref<128x128xf32, #tpu.memory_space<vmem>>) target(%dma_start3A_98 : memref<128x128xf32, #tpu.memory_space<hbm>>) target_semaphore(%run_scoped3A : memref<!tpu.dma_semaphore, #tpu.memory_space<semaphore_mem>>)
        %dma_wait3A_99 = arith.constant 0 : i32
        %dma_wait3A_100 = arith.constant 0 : i32
        %dma_wait3A_101 = tpu.memref_slice %arg4[%add3A_42, %dma_wait3A_99, %dma_wait3A_100] : memref<1024x128x128xf32, #tpu.memory_space<hbm>> -> memref<1x128x128xf32, #tpu.memory_space<hbm>>
        %dma_wait3A_102 = tpu.memref_squeeze %dma_wait3A_101 : memref<1x128x128xf32, #tpu.memory_space<hbm>> -> memref<128x128xf32, #tpu.memory_space<hbm>>
        %dma_wait3A_103 = arith.constant 0 : i32
        %dma_wait3A_104 = arith.constant 0 : i32
        %dma_wait3A_105 = tpu.memref_slice %arg4[%add3A_42, %dma_wait3A_103, %dma_wait3A_104] : memref<1024x128x128xf32, #tpu.memory_space<hbm>> -> memref<1x128x128xf32, #tpu.memory_space<hbm>>
        %dma_wait3A_106 = tpu.memref_squeeze %dma_wait3A_105 : memref<1x128x128xf32, #tpu.memory_space<hbm>> -> memref<128x128xf32, #tpu.memory_space<hbm>>
        tpu.wait_dma2 semaphore(%run_scoped3A : memref<!tpu.dma_semaphore, #tpu.memory_space<semaphore_mem>>) src(%arg6 : memref<128x128xf32, #tpu.memory_space<vmem>>) dst(%dma_wait3A_106 : memref<128x128xf32, #tpu.memory_space<hbm>>)
        tpu.yield
      }) : () -> ()
      %add3A_43 = arith.constant 1 : i32
      %add3A_44 = arith.addi %mul3A_30, %add3A_43 : i32
      %add3A_45 = arith.constant 3 : i32
      %add3A_46 = arith.addi %add3A_44, %add3A_45 : i32
      %lt3A_47 = arith.constant 32 : i32
      %lt3A_48 = arith.cmpi slt, %add3A_46, %lt3A_47 : i32
      %convert_element_type3A_49 = arith.extui %lt3A_48 : i1 to i32
      %cond3A_50 = arith.constant 0 : i32
      %cond3A_51 = arith.cmpi ne, %convert_element_type3A_49, %cond3A_50 : i32
      scf.if %cond3A_51 {
        %add3A_91 = arith.constant 3 : i32
        %add3A_92 = arith.addi %add3A_44, %add3A_91 : i32
        %dma_start3A_93 = arith.constant 0 : i32
        %dma_start3A_94 = tpu.memref_slice %arg5[%add3A_92, %dma_start3A_93] : memref<32x128xi32, #tpu.memory_space<vmem>> -> memref<1x128xi32, #tpu.memory_space<vmem>>
        %dma_start3A_95 = tpu.memref_squeeze %dma_start3A_94 : memref<1x128xi32, #tpu.memory_space<vmem>> -> memref<128xi32, #tpu.memory_space<vmem>>
        %dma_start3A_96 = arith.constant 0 : i32
        %dma_start3A_97 = arith.constant 0 : i32
        %dma_start3A_98 = tpu.memref_slice %arg2[%dma_start3A_96, %dma_start3A_97] : memref<1000000x128xf32, #tpu.memory_space<hbm>> -> memref<1000000x128xf32, #tpu.memory_space<hbm>>
        tpu.enqueue_indirect_dma source(%dma_start3A_98 : memref<1000000x128xf32, #tpu.memory_space<hbm>>) target(%arg6 : memref<128x128xf32, #tpu.memory_space<vmem>>) offsets(%dma_start3A_95 : memref<128xi32, #tpu.memory_space<vmem>>) semaphore(%arg10 : memref<!tpu.dma_semaphore, #tpu.memory_space<semaphore_mem>>)
      } else {
      }
      %dma_wait3A_52 = arith.constant 0 : i32
      %dma_wait3A_53 = tpu.memref_slice %arg5[%add3A_44, %dma_wait3A_52] : memref<32x128xi32, #tpu.memory_space<vmem>> -> memref<1x128xi32, #tpu.memory_space<vmem>>
      %dma_wait3A_54 = tpu.memref_squeeze %dma_wait3A_53 : memref<1x128xi32, #tpu.memory_space<vmem>> -> memref<128xi32, #tpu.memory_space<vmem>>
      %dma_wait3A_55 = arith.constant 0 : i32
      %dma_wait3A_56 = arith.constant 0 : i32
      %dma_wait3A_57 = tpu.memref_slice %arg2[%dma_wait3A_55, %dma_wait3A_56] : memref<1000000x128xf32, #tpu.memory_space<hbm>> -> memref<1000000x128xf32, #tpu.memory_space<hbm>>
      tpu.wait_indirect_dma semaphore(%arg11 : memref<!tpu.dma_semaphore, #tpu.memory_space<semaphore_mem>>) src(%dma_wait3A_57 : memref<1000000x128xf32, #tpu.memory_space<hbm>>) dst(%arg7 : memref<128x128xf32, #tpu.memory_space<vmem>>)
      %add3A_58 = arith.addi %mul3A_2, %add3A_44 : i32
      "tpu.region"() ({
        %run_scoped3A = tpu.sem_alloc : memref<!tpu.dma_semaphore, #tpu.memory_space<semaphore_mem>>
        %dma_start3A_91 = arith.constant 0 : i32
        %dma_start3A_92 = arith.constant 0 : i32
        %dma_start3A_93 = tpu.memref_slice %arg4[%add3A_58, %dma_start3A_91, %dma_start3A_92] : memref<1024x128x128xf32, #tpu.memory_space<hbm>> -> memref<1x128x128xf32, #tpu.memory_space<hbm>>
        %dma_start3A_94 = tpu.memref_squeeze %dma_start3A_93 : memref<1x128x128xf32, #tpu.memory_space<hbm>> -> memref<128x128xf32, #tpu.memory_space<hbm>>
        %dma_start3A_95 = arith.constant 0 : i32
        %dma_start3A_96 = arith.constant 0 : i32
        %dma_start3A_97 = tpu.memref_slice %arg4[%add3A_58, %dma_start3A_95, %dma_start3A_96] : memref<1024x128x128xf32, #tpu.memory_space<hbm>> -> memref<1x128x128xf32, #tpu.memory_space<hbm>>
        %dma_start3A_98 = tpu.memref_squeeze %dma_start3A_97 : memref<1x128x128xf32, #tpu.memory_space<hbm>> -> memref<128x128xf32, #tpu.memory_space<hbm>>
        tpu.enqueue_dma source(%arg7 : memref<128x128xf32, #tpu.memory_space<vmem>>) target(%dma_start3A_98 : memref<128x128xf32, #tpu.memory_space<hbm>>) target_semaphore(%run_scoped3A : memref<!tpu.dma_semaphore, #tpu.memory_space<semaphore_mem>>)
        %dma_wait3A_99 = arith.constant 0 : i32
        %dma_wait3A_100 = arith.constant 0 : i32
        %dma_wait3A_101 = tpu.memref_slice %arg4[%add3A_58, %dma_wait3A_99, %dma_wait3A_100] : memref<1024x128x128xf32, #tpu.memory_space<hbm>> -> memref<1x128x128xf32, #tpu.memory_space<hbm>>
        %dma_wait3A_102 = tpu.memref_squeeze %dma_wait3A_101 : memref<1x128x128xf32, #tpu.memory_space<hbm>> -> memref<128x128xf32, #tpu.memory_space<hbm>>
        %dma_wait3A_103 = arith.constant 0 : i32
        %dma_wait3A_104 = arith.constant 0 : i32
        %dma_wait3A_105 = tpu.memref_slice %arg4[%add3A_58, %dma_wait3A_103, %dma_wait3A_104] : memref<1024x128x128xf32, #tpu.memory_space<hbm>> -> memref<1x128x128xf32, #tpu.memory_space<hbm>>
        %dma_wait3A_106 = tpu.memref_squeeze %dma_wait3A_105 : memref<1x128x128xf32, #tpu.memory_space<hbm>> -> memref<128x128xf32, #tpu.memory_space<hbm>>
        tpu.wait_dma2 semaphore(%run_scoped3A : memref<!tpu.dma_semaphore, #tpu.memory_space<semaphore_mem>>) src(%arg7 : memref<128x128xf32, #tpu.memory_space<vmem>>) dst(%dma_wait3A_106 : memref<128x128xf32, #tpu.memory_space<hbm>>)
        tpu.yield
      }) : () -> ()
      %add3A_59 = arith.constant 2 : i32
      %add3A_60 = arith.addi %mul3A_30, %add3A_59 : i32
      %add3A_61 = arith.constant 3 : i32
      %add3A_62 = arith.addi %add3A_60, %add3A_61 : i32
      %lt3A_63 = arith.constant 32 : i32
      %lt3A_64 = arith.cmpi slt, %add3A_62, %lt3A_63 : i32
      %convert_element_type3A_65 = arith.extui %lt3A_64 : i1 to i32
      %cond3A_66 = arith.constant 0 : i32
      %cond3A_67 = arith.cmpi ne, %convert_element_type3A_65, %cond3A_66 : i32
      scf.if %cond3A_67 {
        %add3A_91 = arith.constant 3 : i32
        %add3A_92 = arith.addi %add3A_60, %add3A_91 : i32
        %dma_start3A_93 = arith.constant 0 : i32
        %dma_start3A_94 = tpu.memref_slice %arg5[%add3A_92, %dma_start3A_93] : memref<32x128xi32, #tpu.memory_space<vmem>> -> memref<1x128xi32, #tpu.memory_space<vmem>>
        %dma_start3A_95 = tpu.memref_squeeze %dma_start3A_94 : memref<1x128xi32, #tpu.memory_space<vmem>> -> memref<128xi32, #tpu.memory_space<vmem>>
        %dma_start3A_96 = arith.constant 0 : i32
        %dma_start3A_97 = arith.constant 0 : i32
        %dma_start3A_98 = tpu.memref_slice %arg2[%dma_start3A_96, %dma_start3A_97] : memref<1000000x128xf32, #tpu.memory_space<hbm>> -> memref<1000000x128xf32, #tpu.memory_space<hbm>>
        tpu.enqueue_indirect_dma source(%dma_start3A_98 : memref<1000000x128xf32, #tpu.memory_space<hbm>>) target(%arg7 : memref<128x128xf32, #tpu.memory_space<vmem>>) offsets(%dma_start3A_95 : memref<128xi32, #tpu.memory_space<vmem>>) semaphore(%arg11 : memref<!tpu.dma_semaphore, #tpu.memory_space<semaphore_mem>>)
      } else {
      }
      %dma_wait3A_68 = arith.constant 0 : i32
      %dma_wait3A_69 = tpu.memref_slice %arg5[%add3A_60, %dma_wait3A_68] : memref<32x128xi32, #tpu.memory_space<vmem>> -> memref<1x128xi32, #tpu.memory_space<vmem>>
      %dma_wait3A_70 = tpu.memref_squeeze %dma_wait3A_69 : memref<1x128xi32, #tpu.memory_space<vmem>> -> memref<128xi32, #tpu.memory_space<vmem>>
      %dma_wait3A_71 = arith.constant 0 : i32
      %dma_wait3A_72 = arith.constant 0 : i32
      %dma_wait3A_73 = tpu.memref_slice %arg2[%dma_wait3A_71, %dma_wait3A_72] : memref<1000000x128xf32, #tpu.memory_space<hbm>> -> memref<1000000x128xf32, #tpu.memory_space<hbm>>
      tpu.wait_indirect_dma semaphore(%arg12 : memref<!tpu.dma_semaphore, #tpu.memory_space<semaphore_mem>>) src(%dma_wait3A_73 : memref<1000000x128xf32, #tpu.memory_space<hbm>>) dst(%arg8 : memref<128x128xf32, #tpu.memory_space<vmem>>)
      %add3A_74 = arith.addi %mul3A_2, %add3A_60 : i32
      "tpu.region"() ({
        %run_scoped3A = tpu.sem_alloc : memref<!tpu.dma_semaphore, #tpu.memory_space<semaphore_mem>>
        %dma_start3A_91 = arith.constant 0 : i32
        %dma_start3A_92 = arith.constant 0 : i32
        %dma_start3A_93 = tpu.memref_slice %arg4[%add3A_74, %dma_start3A_91, %dma_start3A_92] : memref<1024x128x128xf32, #tpu.memory_space<hbm>> -> memref<1x128x128xf32, #tpu.memory_space<hbm>>
        %dma_start3A_94 = tpu.memref_squeeze %dma_start3A_93 : memref<1x128x128xf32, #tpu.memory_space<hbm>> -> memref<128x128xf32, #tpu.memory_space<hbm>>
        %dma_start3A_95 = arith.constant 0 : i32
        %dma_start3A_96 = arith.constant 0 : i32
        %dma_start3A_97 = tpu.memref_slice %arg4[%add3A_74, %dma_start3A_95, %dma_start3A_96] : memref<1024x128x128xf32, #tpu.memory_space<hbm>> -> memref<1x128x128xf32, #tpu.memory_space<hbm>>
        %dma_start3A_98 = tpu.memref_squeeze %dma_start3A_97 : memref<1x128x128xf32, #tpu.memory_space<hbm>> -> memref<128x128xf32, #tpu.memory_space<hbm>>
        tpu.enqueue_dma source(%arg8 : memref<128x128xf32, #tpu.memory_space<vmem>>) target(%dma_start3A_98 : memref<128x128xf32, #tpu.memory_space<hbm>>) target_semaphore(%run_scoped3A : memref<!tpu.dma_semaphore, #tpu.memory_space<semaphore_mem>>)
        %dma_wait3A_99 = arith.constant 0 : i32
        %dma_wait3A_100 = arith.constant 0 : i32
        %dma_wait3A_101 = tpu.memref_slice %arg4[%add3A_74, %dma_wait3A_99, %dma_wait3A_100] : memref<1024x128x128xf32, #tpu.memory_space<hbm>> -> memref<1x128x128xf32, #tpu.memory_space<hbm>>
        %dma_wait3A_102 = tpu.memref_squeeze %dma_wait3A_101 : memref<1x128x128xf32, #tpu.memory_space<hbm>> -> memref<128x128xf32, #tpu.memory_space<hbm>>
        %dma_wait3A_103 = arith.constant 0 : i32
        %dma_wait3A_104 = arith.constant 0 : i32
        %dma_wait3A_105 = tpu.memref_slice %arg4[%add3A_74, %dma_wait3A_103, %dma_wait3A_104] : memref<1024x128x128xf32, #tpu.memory_space<hbm>> -> memref<1x128x128xf32, #tpu.memory_space<hbm>>
        %dma_wait3A_106 = tpu.memref_squeeze %dma_wait3A_105 : memref<1x128x128xf32, #tpu.memory_space<hbm>> -> memref<128x128xf32, #tpu.memory_space<hbm>>
        tpu.wait_dma2 semaphore(%run_scoped3A : memref<!tpu.dma_semaphore, #tpu.memory_space<semaphore_mem>>) src(%arg8 : memref<128x128xf32, #tpu.memory_space<vmem>>) dst(%dma_wait3A_106 : memref<128x128xf32, #tpu.memory_space<hbm>>)
        tpu.yield
      }) : () -> ()
      %add3A_75 = arith.constant 3 : i32
      %add3A_76 = arith.addi %mul3A_30, %add3A_75 : i32
      %add3A_77 = arith.constant 3 : i32
      %add3A_78 = arith.addi %add3A_76, %add3A_77 : i32
      %lt3A_79 = arith.constant 32 : i32
      %lt3A_80 = arith.cmpi slt, %add3A_78, %lt3A_79 : i32
      %convert_element_type3A_81 = arith.extui %lt3A_80 : i1 to i32
      %cond3A_82 = arith.constant 0 : i32
      %cond3A_83 = arith.cmpi ne, %convert_element_type3A_81, %cond3A_82 : i32
      scf.if %cond3A_83 {
        %add3A_91 = arith.constant 3 : i32
        %add3A_92 = arith.addi %add3A_76, %add3A_91 : i32
        %dma_start3A_93 = arith.constant 0 : i32
        %dma_start3A_94 = tpu.memref_slice %arg5[%add3A_92, %dma_start3A_93] : memref<32x128xi32, #tpu.memory_space<vmem>> -> memref<1x128xi32, #tpu.memory_space<vmem>>
        %dma_start3A_95 = tpu.memref_squeeze %dma_start3A_94 : memref<1x128xi32, #tpu.memory_space<vmem>> -> memref<128xi32, #tpu.memory_space<vmem>>
        %dma_start3A_96 = arith.constant 0 : i32
        %dma_start3A_97 = arith.constant 0 : i32
        %dma_start3A_98 = tpu.memref_slice %arg2[%dma_start3A_96, %dma_start3A_97] : memref<1000000x128xf32, #tpu.memory_space<hbm>> -> memref<1000000x128xf32, #tpu.memory_space<hbm>>
        tpu.enqueue_indirect_dma source(%dma_start3A_98 : memref<1000000x128xf32, #tpu.memory_space<hbm>>) target(%arg8 : memref<128x128xf32, #tpu.memory_space<vmem>>) offsets(%dma_start3A_95 : memref<128xi32, #tpu.memory_space<vmem>>) semaphore(%arg12 : memref<!tpu.dma_semaphore, #tpu.memory_space<semaphore_mem>>)
      } else {
      }
      %dma_wait3A_84 = arith.constant 0 : i32
      %dma_wait3A_85 = tpu.memref_slice %arg5[%add3A_76, %dma_wait3A_84] : memref<32x128xi32, #tpu.memory_space<vmem>> -> memref<1x128xi32, #tpu.memory_space<vmem>>
      %dma_wait3A_86 = tpu.memref_squeeze %dma_wait3A_85 : memref<1x128xi32, #tpu.memory_space<vmem>> -> memref<128xi32, #tpu.memory_space<vmem>>
      %dma_wait3A_87 = arith.constant 0 : i32
      %dma_wait3A_88 = arith.constant 0 : i32
      %dma_wait3A_89 = tpu.memref_slice %arg2[%dma_wait3A_87, %dma_wait3A_88] : memref<1000000x128xf32, #tpu.memory_space<hbm>> -> memref<1000000x128xf32, #tpu.memory_space<hbm>>
      tpu.wait_indirect_dma semaphore(%arg13 : memref<!tpu.dma_semaphore, #tpu.memory_space<semaphore_mem>>) src(%dma_wait3A_89 : memref<1000000x128xf32, #tpu.memory_space<hbm>>) dst(%arg9 : memref<128x128xf32, #tpu.memory_space<vmem>>)
      %add3A_90 = arith.addi %mul3A_2, %add3A_76 : i32
      "tpu.region"() ({
        %run_scoped3A = tpu.sem_alloc : memref<!tpu.dma_semaphore, #tpu.memory_space<semaphore_mem>>
        %dma_start3A_91 = arith.constant 0 : i32
        %dma_start3A_92 = arith.constant 0 : i32
        %dma_start3A_93 = tpu.memref_slice %arg4[%add3A_90, %dma_start3A_91, %dma_start3A_92] : memref<1024x128x128xf32, #tpu.memory_space<hbm>> -> memref<1x128x128xf32, #tpu.memory_space<hbm>>
        %dma_start3A_94 = tpu.memref_squeeze %dma_start3A_93 : memref<1x128x128xf32, #tpu.memory_space<hbm>> -> memref<128x128xf32, #tpu.memory_space<hbm>>
        %dma_start3A_95 = arith.constant 0 : i32
        %dma_start3A_96 = arith.constant 0 : i32
        %dma_start3A_97 = tpu.memref_slice %arg4[%add3A_90, %dma_start3A_95, %dma_start3A_96] : memref<1024x128x128xf32, #tpu.memory_space<hbm>> -> memref<1x128x128xf32, #tpu.memory_space<hbm>>
        %dma_start3A_98 = tpu.memref_squeeze %dma_start3A_97 : memref<1x128x128xf32, #tpu.memory_space<hbm>> -> memref<128x128xf32, #tpu.memory_space<hbm>>
        tpu.enqueue_dma source(%arg9 : memref<128x128xf32, #tpu.memory_space<vmem>>) target(%dma_start3A_98 : memref<128x128xf32, #tpu.memory_space<hbm>>) target_semaphore(%run_scoped3A : memref<!tpu.dma_semaphore, #tpu.memory_space<semaphore_mem>>)
        %dma_wait3A_99 = arith.constant 0 : i32
        %dma_wait3A_100 = arith.constant 0 : i32
        %dma_wait3A_101 = tpu.memref_slice %arg4[%add3A_90, %dma_wait3A_99, %dma_wait3A_100] : memref<1024x128x128xf32, #tpu.memory_space<hbm>> -> memref<1x128x128xf32, #tpu.memory_space<hbm>>
        %dma_wait3A_102 = tpu.memref_squeeze %dma_wait3A_101 : memref<1x128x128xf32, #tpu.memory_space<hbm>> -> memref<128x128xf32, #tpu.memory_space<hbm>>
        %dma_wait3A_103 = arith.constant 0 : i32
        %dma_wait3A_104 = arith.constant 0 : i32
        %dma_wait3A_105 = tpu.memref_slice %arg4[%add3A_90, %dma_wait3A_103, %dma_wait3A_104] : memref<1024x128x128xf32, #tpu.memory_space<hbm>> -> memref<1x128x128xf32, #tpu.memory_space<hbm>>
        %dma_wait3A_106 = tpu.memref_squeeze %dma_wait3A_105 : memref<1x128x128xf32, #tpu.memory_space<hbm>> -> memref<128x128xf32, #tpu.memory_space<hbm>>
        tpu.wait_dma2 semaphore(%run_scoped3A : memref<!tpu.dma_semaphore, #tpu.memory_space<semaphore_mem>>) src(%arg9 : memref<128x128xf32, #tpu.memory_space<vmem>>) dst(%dma_wait3A_106 : memref<128x128xf32, #tpu.memory_space<hbm>>)
        tpu.yield
      }) : () -> ()
    }
    %scan3A_27 = arith.constant 8 : i32
    return
  }
}

#map = affine_map<(d0, d1) -> (0, 0)>
#map1 = affine_map<(d0, d1) -> (0, 0, 0)>
module attributes {stable_mosaic.version = 14 : i64} {
  func.func @body(%arg0: i32, %arg1: i32, %arg2: memref<1000000x128xf32, #tpu.memory_space<hbm>>, %arg3: memref<32x32x128xi32, #tpu.memory_space<hbm>>, %arg4: memref<1024x128x128xf32, #tpu.memory_space<hbm>>, %arg5: memref<32x128xi32, #tpu.memory_space<vmem>>, %arg6: memref<128x128xf32, #tpu.memory_space<vmem>>, %arg7: memref<128x128xf32, #tpu.memory_space<vmem>>, %arg8: memref<128x128xf32, #tpu.memory_space<vmem>>, %arg9: memref<128x128xf32, #tpu.memory_space<vmem>>, %arg10: memref<!tpu.dma_semaphore, #tpu.memory_space<semaphore_mem>>, %arg11: memref<!tpu.dma_semaphore, #tpu.memory_space<semaphore_mem>>, %arg12: memref<!tpu.dma_semaphore, #tpu.memory_space<semaphore_mem>>, %arg13: memref<!tpu.dma_semaphore, #tpu.memory_space<semaphore_mem>>) attributes {dimension_semantics = [#tpu.dimension_semantics<core_parallel>, #tpu.dimension_semantics<subcore_parallel>], iteration_bounds = array<i64: 2, 16>, scalar_prefetch = 0 : i64, scratch_operands = 9 : i64, tpu.core_type = #tpu.core_type<sc_vector_subcore>, window_params = [{transform_indices = #map}, {transform_indices = #map1}, {transform_indices = #map1}]} {
    %mul3A = arith.constant 2 : i32
    %mul3A_0 = arith.muli %arg1, %mul3A : i32
    %add3A = arith.addi %mul3A_0, %arg0 : i32
    "tpu.region"() ({
      %run_scoped3A = tpu.sem_alloc : memref<!tpu.dma_semaphore, #tpu.memory_space<semaphore_mem>>
      %dma_start3A_28 = arith.constant 0 : i32
      %dma_start3A_29 = arith.constant 0 : i32
      %dma_start3A_30 = tpu.memref_slice %arg3[%add3A, %dma_start3A_28, %dma_start3A_29] : memref<32x32x128xi32, #tpu.memory_space<hbm>> -> memref<1x32x128xi32, #tpu.memory_space<hbm>>
      %dma_start3A_31 = tpu.memref_squeeze %dma_start3A_30 : memref<1x32x128xi32, #tpu.memory_space<hbm>> -> memref<32x128xi32, #tpu.memory_space<hbm>>
      %dma_start3A_32 = arith.constant 0 : i32
      %dma_start3A_33 = arith.constant 0 : i32
      %dma_start3A_34 = tpu.memref_slice %arg3[%add3A, %dma_start3A_32, %dma_start3A_33] : memref<32x32x128xi32, #tpu.memory_space<hbm>> -> memref<1x32x128xi32, #tpu.memory_space<hbm>>
      %dma_start3A_35 = tpu.memref_squeeze %dma_start3A_34 : memref<1x32x128xi32, #tpu.memory_space<hbm>> -> memref<32x128xi32, #tpu.memory_space<hbm>>
      tpu.enqueue_dma source(%dma_start3A_35 : memref<32x128xi32, #tpu.memory_space<hbm>>) target(%arg5 : memref<32x128xi32, #tpu.memory_space<vmem>>) target_semaphore(%run_scoped3A : memref<!tpu.dma_semaphore, #tpu.memory_space<semaphore_mem>>)
      %dma_wait3A = arith.constant 0 : i32
      %dma_wait3A_36 = arith.constant 0 : i32
      %dma_wait3A_37 = tpu.memref_slice %arg3[%add3A, %dma_wait3A, %dma_wait3A_36] : memref<32x32x128xi32, #tpu.memory_space<hbm>> -> memref<1x32x128xi32, #tpu.memory_space<hbm>>
      %dma_wait3A_38 = tpu.memref_squeeze %dma_wait3A_37 : memref<1x32x128xi32, #tpu.memory_space<hbm>> -> memref<32x128xi32, #tpu.memory_space<hbm>>
      %dma_wait3A_39 = arith.constant 0 : i32
      %dma_wait3A_40 = arith.constant 0 : i32
      %dma_wait3A_41 = tpu.memref_slice %arg3[%add3A, %dma_wait3A_39, %dma_wait3A_40] : memref<32x32x128xi32, #tpu.memory_space<hbm>> -> memref<1x32x128xi32, #tpu.memory_space<hbm>>
      %dma_wait3A_42 = tpu.memref_squeeze %dma_wait3A_41 : memref<1x32x128xi32, #tpu.memory_space<hbm>> -> memref<32x128xi32, #tpu.memory_space<hbm>>
      tpu.wait_dma2 semaphore(%run_scoped3A : memref<!tpu.dma_semaphore, #tpu.memory_space<semaphore_mem>>) src(%dma_wait3A_42 : memref<32x128xi32, #tpu.memory_space<hbm>>) dst(%arg5 : memref<32x128xi32, #tpu.memory_space<vmem>>)
      tpu.yield
    }) : () -> ()
    %mul3A_1 = arith.constant 32 : i32
    %mul3A_2 = arith.muli %add3A, %mul3A_1 : i32
    %dma_start3A = arith.constant 0 : i32
    %dma_start3A_3 = arith.constant 0 : i32
    %dma_start3A_4 = tpu.memref_slice %arg5[%dma_start3A, %dma_start3A_3] : memref<32x128xi32, #tpu.memory_space<vmem>> -> memref<1x128xi32, #tpu.memory_space<vmem>>
    %dma_start3A_5 = tpu.memref_squeeze %dma_start3A_4 : memref<1x128xi32, #tpu.memory_space<vmem>> -> memref<128xi32, #tpu.memory_space<vmem>>
    %dma_start3A_6 = arith.constant 0 : i32
    %dma_start3A_7 = arith.constant 0 : i32
    %dma_start3A_8 = tpu.memref_slice %arg2[%dma_start3A_6, %dma_start3A_7] : memref<1000000x128xf32, #tpu.memory_space<hbm>> -> memref<1000000x128xf32, #tpu.memory_space<hbm>>
    tpu.enqueue_indirect_dma source(%dma_start3A_8 : memref<1000000x128xf32, #tpu.memory_space<hbm>>) target(%arg6 : memref<128x128xf32, #tpu.memory_space<vmem>>) offsets(%dma_start3A_5 : memref<128xi32, #tpu.memory_space<vmem>>) semaphore(%arg10 : memref<!tpu.dma_semaphore, #tpu.memory_space<semaphore_mem>>)
    %dma_start3A_9 = arith.constant 1 : i32
    %dma_start3A_10 = arith.constant 0 : i32
    %dma_start3A_11 = tpu.memref_slice %arg5[%dma_start3A_9, %dma_start3A_10] : memref<32x128xi32, #tpu.memory_space<vmem>> -> memref<1x128xi32, #tpu.memory_space<vmem>>
    %dma_start3A_12 = tpu.memref_squeeze %dma_start3A_11 : memref<1x128xi32, #tpu.memory_space<vmem>> -> memref<128xi32, #tpu.memory_space<vmem>>
    %dma_start3A_13 = arith.constant 0 : i32
    %dma_start3A_14 = arith.constant 0 : i32
    %dma_start3A_15 = tpu.memref_slice %arg2[%dma_start3A_13, %dma_start3A_14] : memref<1000000x128xf32, #tpu.memory_space<hbm>> -> memref<1000000x128xf32, #tpu.memory_space<hbm>>
    tpu.enqueue_indirect_dma source(%dma_start3A_15 : memref<1000000x128xf32, #tpu.memory_space<hbm>>) target(%arg7 : memref<128x128xf32, #tpu.memory_space<vmem>>) offsets(%dma_start3A_12 : memref<128xi32, #tpu.memory_space<vmem>>) semaphore(%arg11 : memref<!tpu.dma_semaphore, #tpu.memory_space<semaphore_mem>>)
    %dma_start3A_16 = arith.constant 2 : i32
    %dma_start3A_17 = arith.constant 0 : i32
    %dma_start3A_18 = tpu.memref_slice %arg5[%dma_start3A_16, %dma_start3A_17] : memref<32x128xi32, #tpu.memory_space<vmem>> -> memref<1x128xi32, #tpu.memory_space<vmem>>
    %dma_start3A_19 = tpu.memref_squeeze %dma_start3A_18 : memref<1x128xi32, #tpu.memory_space<vmem>> -> memref<128xi32, #tpu.memory_space<vmem>>
    %dma_start3A_20 = arith.constant 0 : i32
    %dma_start3A_21 = arith.constant 0 : i32
    %dma_start3A_22 = tpu.memref_slice %arg2[%dma_start3A_20, %dma_start3A_21] : memref<1000000x128xf32, #tpu.memory_space<hbm>> -> memref<1000000x128xf32, #tpu.memory_space<hbm>>
    tpu.enqueue_indirect_dma source(%dma_start3A_22 : memref<1000000x128xf32, #tpu.memory_space<hbm>>) target(%arg8 : memref<128x128xf32, #tpu.memory_space<vmem>>) offsets(%dma_start3A_19 : memref<128xi32, #tpu.memory_space<vmem>>) semaphore(%arg12 : memref<!tpu.dma_semaphore, #tpu.memory_space<semaphore_mem>>)
    %scan3A = arith.constant 0 : i32
    %scan3A_23 = arith.constant 0 : i32
    %scan3A_24 = arith.constant 8 : i32
    %scan3A_25 = arith.addi %scan3A_23, %scan3A_24 : i32
    %scan3A_26 = arith.constant 1 : i32
    scf.for %scan3A_28 = %scan3A_23 to %scan3A_25 step %scan3A_26  : i32 {
      %mul3A_29 = arith.constant 4 : i32
      %mul3A_30 = arith.muli %scan3A_28, %mul3A_29 : i32
      %add3A_31 = arith.constant 0 : i32
      %add3A_32 = arith.addi %mul3A_30, %add3A_31 : i32
      %add3A_33 = arith.constant 3 : i32
      %add3A_34 = arith.addi %add3A_32, %add3A_33 : i32
      %lt3A = arith.constant 32 : i32
      %lt3A_35 = arith.cmpi slt, %add3A_34, %lt3A : i32
      %convert_element_type3A = arith.extui %lt3A_35 : i1 to i32
      %cond3A = arith.constant 0 : i32
      %cond3A_36 = arith.cmpi ne, %convert_element_type3A, %cond3A : i32
      scf.if %cond3A_36 {
        %add3A_91 = arith.constant 3 : i32
        %add3A_92 = arith.addi %add3A_32, %add3A_91 : i32
        %dma_start3A_93 = arith.constant 0 : i32
        %dma_start3A_94 = tpu.memref_slice %arg5[%add3A_92, %dma_start3A_93] : memref<32x128xi32, #tpu.memory_space<vmem>> -> memref<1x128xi32, #tpu.memory_space<vmem>>
        %dma_start3A_95 = tpu.memref_squeeze %dma_start3A_94 : memref<1x128xi32, #tpu.memory_space<vmem>> -> memref<128xi32, #tpu.memory_space<vmem>>
        %dma_start3A_96 = arith.constant 0 : i32
        %dma_start3A_97 = arith.constant 0 : i32
        %dma_start3A_98 = tpu.memref_slice %arg2[%dma_start3A_96, %dma_start3A_97] : memref<1000000x128xf32, #tpu.memory_space<hbm>> -> memref<1000000x128xf32, #tpu.memory_space<hbm>>
        tpu.enqueue_indirect_dma source(%dma_start3A_98 : memref<1000000x128xf32, #tpu.memory_space<hbm>>) target(%arg9 : memref<128x128xf32, #tpu.memory_space<vmem>>) offsets(%dma_start3A_95 : memref<128xi32, #tpu.memory_space<vmem>>) semaphore(%arg13 : memref<!tpu.dma_semaphore, #tpu.memory_space<semaphore_mem>>)
      } else {
      }
      %dma_wait3A = arith.constant 0 : i32
      %dma_wait3A_37 = tpu.memref_slice %arg5[%add3A_32, %dma_wait3A] : memref<32x128xi32, #tpu.memory_space<vmem>> -> memref<1x128xi32, #tpu.memory_space<vmem>>
      %dma_wait3A_38 = tpu.memref_squeeze %dma_wait3A_37 : memref<1x128xi32, #tpu.memory_space<vmem>> -> memref<128xi32, #tpu.memory_space<vmem>>
      %dma_wait3A_39 = arith.constant 0 : i32
      %dma_wait3A_40 = arith.constant 0 : i32
      %dma_wait3A_41 = tpu.memref_slice %arg2[%dma_wait3A_39, %dma_wait3A_40] : memref<1000000x128xf32, #tpu.memory_space<hbm>> -> memref<1000000x128xf32, #tpu.memory_space<hbm>>
      tpu.wait_indirect_dma semaphore(%arg10 : memref<!tpu.dma_semaphore, #tpu.memory_space<semaphore_mem>>) src(%dma_wait3A_41 : memref<1000000x128xf32, #tpu.memory_space<hbm>>) dst(%arg6 : memref<128x128xf32, #tpu.memory_space<vmem>>)
      %add3A_42 = arith.addi %mul3A_2, %add3A_32 : i32
      "tpu.region"() ({
        %run_scoped3A = tpu.sem_alloc : memref<!tpu.dma_semaphore, #tpu.memory_space<semaphore_mem>>
        %dma_start3A_91 = arith.constant 0 : i32
        %dma_start3A_92 = arith.constant 0 : i32
        %dma_start3A_93 = tpu.memref_slice %arg4[%add3A_42, %dma_start3A_91, %dma_start3A_92] : memref<1024x128x128xf32, #tpu.memory_space<hbm>> -> memref<1x128x128xf32, #tpu.memory_space<hbm>>
        %dma_start3A_94 = tpu.memref_squeeze %dma_start3A_93 : memref<1x128x128xf32, #tpu.memory_space<hbm>> -> memref<128x128xf32, #tpu.memory_space<hbm>>
        %dma_start3A_95 = arith.constant 0 : i32
        %dma_start3A_96 = arith.constant 0 : i32
        %dma_start3A_97 = tpu.memref_slice %arg4[%add3A_42, %dma_start3A_95, %dma_start3A_96] : memref<1024x128x128xf32, #tpu.memory_space<hbm>> -> memref<1x128x128xf32, #tpu.memory_space<hbm>>
        %dma_start3A_98 = tpu.memref_squeeze %dma_start3A_97 : memref<1x128x128xf32, #tpu.memory_space<hbm>> -> memref<128x128xf32, #tpu.memory_space<hbm>>
        tpu.enqueue_dma source(%arg6 : memref<128x128xf32, #tpu.memory_space<vmem>>) target(%dma_start3A_98 : memref<128x128xf32, #tpu.memory_space<hbm>>) target_semaphore(%run_scoped3A : memref<!tpu.dma_semaphore, #tpu.memory_space<semaphore_mem>>)
        %dma_wait3A_99 = arith.constant 0 : i32
        %dma_wait3A_100 = arith.constant 0 : i32
        %dma_wait3A_101 = tpu.memref_slice %arg4[%add3A_42, %dma_wait3A_99, %dma_wait3A_100] : memref<1024x128x128xf32, #tpu.memory_space<hbm>> -> memref<1x128x128xf32, #tpu.memory_space<hbm>>
        %dma_wait3A_102 = tpu.memref_squeeze %dma_wait3A_101 : memref<1x128x128xf32, #tpu.memory_space<hbm>> -> memref<128x128xf32, #tpu.memory_space<hbm>>
        %dma_wait3A_103 = arith.constant 0 : i32
        %dma_wait3A_104 = arith.constant 0 : i32
        %dma_wait3A_105 = tpu.memref_slice %arg4[%add3A_42, %dma_wait3A_103, %dma_wait3A_104] : memref<1024x128x128xf32, #tpu.memory_space<hbm>> -> memref<1x128x128xf32, #tpu.memory_space<hbm>>
        %dma_wait3A_106 = tpu.memref_squeeze %dma_wait3A_105 : memref<1x128x128xf32, #tpu.memory_space<hbm>> -> memref<128x128xf32, #tpu.memory_space<hbm>>
        tpu.wait_dma2 semaphore(%run_scoped3A : memref<!tpu.dma_semaphore, #tpu.memory_space<semaphore_mem>>) src(%arg6 : memref<128x128xf32, #tpu.memory_space<vmem>>) dst(%dma_wait3A_106 : memref<128x128xf32, #tpu.memory_space<hbm>>)
        tpu.yield
      }) : () -> ()
      %add3A_43 = arith.constant 1 : i32
      %add3A_44 = arith.addi %mul3A_30, %add3A_43 : i32
      %add3A_45 = arith.constant 3 : i32
      %add3A_46 = arith.addi %add3A_44, %add3A_45 : i32
      %lt3A_47 = arith.constant 32 : i32
      %lt3A_48 = arith.cmpi slt, %add3A_46, %lt3A_47 : i32
      %convert_element_type3A_49 = arith.extui %lt3A_48 : i1 to i32
      %cond3A_50 = arith.constant 0 : i32
      %cond3A_51 = arith.cmpi ne, %convert_element_type3A_49, %cond3A_50 : i32
      scf.if %cond3A_51 {
        %add3A_91 = arith.constant 3 : i32
        %add3A_92 = arith.addi %add3A_44, %add3A_91 : i32
        %dma_start3A_93 = arith.constant 0 : i32
        %dma_start3A_94 = tpu.memref_slice %arg5[%add3A_92, %dma_start3A_93] : memref<32x128xi32, #tpu.memory_space<vmem>> -> memref<1x128xi32, #tpu.memory_space<vmem>>
        %dma_start3A_95 = tpu.memref_squeeze %dma_start3A_94 : memref<1x128xi32, #tpu.memory_space<vmem>> -> memref<128xi32, #tpu.memory_space<vmem>>
        %dma_start3A_96 = arith.constant 0 : i32
        %dma_start3A_97 = arith.constant 0 : i32
        %dma_start3A_98 = tpu.memref_slice %arg2[%dma_start3A_96, %dma_start3A_97] : memref<1000000x128xf32, #tpu.memory_space<hbm>> -> memref<1000000x128xf32, #tpu.memory_space<hbm>>
        tpu.enqueue_indirect_dma source(%dma_start3A_98 : memref<1000000x128xf32, #tpu.memory_space<hbm>>) target(%arg6 : memref<128x128xf32, #tpu.memory_space<vmem>>) offsets(%dma_start3A_95 : memref<128xi32, #tpu.memory_space<vmem>>) semaphore(%arg10 : memref<!tpu.dma_semaphore, #tpu.memory_space<semaphore_mem>>)
      } else {
      }
      %dma_wait3A_52 = arith.constant 0 : i32
      %dma_wait3A_53 = tpu.memref_slice %arg5[%add3A_44, %dma_wait3A_52] : memref<32x128xi32, #tpu.memory_space<vmem>> -> memref<1x128xi32, #tpu.memory_space<vmem>>
      %dma_wait3A_54 = tpu.memref_squeeze %dma_wait3A_53 : memref<1x128xi32, #tpu.memory_space<vmem>> -> memref<128xi32, #tpu.memory_space<vmem>>
      %dma_wait3A_55 = arith.constant 0 : i32
      %dma_wait3A_56 = arith.constant 0 : i32
      %dma_wait3A_57 = tpu.memref_slice %arg2[%dma_wait3A_55, %dma_wait3A_56] : memref<1000000x128xf32, #tpu.memory_space<hbm>> -> memref<1000000x128xf32, #tpu.memory_space<hbm>>
      tpu.wait_indirect_dma semaphore(%arg11 : memref<!tpu.dma_semaphore, #tpu.memory_space<semaphore_mem>>) src(%dma_wait3A_57 : memref<1000000x128xf32, #tpu.memory_space<hbm>>) dst(%arg7 : memref<128x128xf32, #tpu.memory_space<vmem>>)
      %add3A_58 = arith.addi %mul3A_2, %add3A_44 : i32
      "tpu.region"() ({
        %run_scoped3A = tpu.sem_alloc : memref<!tpu.dma_semaphore, #tpu.memory_space<semaphore_mem>>
        %dma_start3A_91 = arith.constant 0 : i32
        %dma_start3A_92 = arith.constant 0 : i32
        %dma_start3A_93 = tpu.memref_slice %arg4[%add3A_58, %dma_start3A_91, %dma_start3A_92] : memref<1024x128x128xf32, #tpu.memory_space<hbm>> -> memref<1x128x128xf32, #tpu.memory_space<hbm>>
        %dma_start3A_94 = tpu.memref_squeeze %dma_start3A_93 : memref<1x128x128xf32, #tpu.memory_space<hbm>> -> memref<128x128xf32, #tpu.memory_space<hbm>>
        %dma_start3A_95 = arith.constant 0 : i32
        %dma_start3A_96 = arith.constant 0 : i32
        %dma_start3A_97 = tpu.memref_slice %arg4[%add3A_58, %dma_start3A_95, %dma_start3A_96] : memref<1024x128x128xf32, #tpu.memory_space<hbm>> -> memref<1x128x128xf32, #tpu.memory_space<hbm>>
        %dma_start3A_98 = tpu.memref_squeeze %dma_start3A_97 : memref<1x128x128xf32, #tpu.memory_space<hbm>> -> memref<128x128xf32, #tpu.memory_space<hbm>>
        tpu.enqueue_dma source(%arg7 : memref<128x128xf32, #tpu.memory_space<vmem>>) target(%dma_start3A_98 : memref<128x128xf32, #tpu.memory_space<hbm>>) target_semaphore(%run_scoped3A : memref<!tpu.dma_semaphore, #tpu.memory_space<semaphore_mem>>)
        %dma_wait3A_99 = arith.constant 0 : i32
        %dma_wait3A_100 = arith.constant 0 : i32
        %dma_wait3A_101 = tpu.memref_slice %arg4[%add3A_58, %dma_wait3A_99, %dma_wait3A_100] : memref<1024x128x128xf32, #tpu.memory_space<hbm>> -> memref<1x128x128xf32, #tpu.memory_space<hbm>>
        %dma_wait3A_102 = tpu.memref_squeeze %dma_wait3A_101 : memref<1x128x128xf32, #tpu.memory_space<hbm>> -> memref<128x128xf32, #tpu.memory_space<hbm>>
        %dma_wait3A_103 = arith.constant 0 : i32
        %dma_wait3A_104 = arith.constant 0 : i32
        %dma_wait3A_105 = tpu.memref_slice %arg4[%add3A_58, %dma_wait3A_103, %dma_wait3A_104] : memref<1024x128x128xf32, #tpu.memory_space<hbm>> -> memref<1x128x128xf32, #tpu.memory_space<hbm>>
        %dma_wait3A_106 = tpu.memref_squeeze %dma_wait3A_105 : memref<1x128x128xf32, #tpu.memory_space<hbm>> -> memref<128x128xf32, #tpu.memory_space<hbm>>
        tpu.wait_dma2 semaphore(%run_scoped3A : memref<!tpu.dma_semaphore, #tpu.memory_space<semaphore_mem>>) src(%arg7 : memref<128x128xf32, #tpu.memory_space<vmem>>) dst(%dma_wait3A_106 : memref<128x128xf32, #tpu.memory_space<hbm>>)
        tpu.yield
      }) : () -> ()
      %add3A_59 = arith.constant 2 : i32
      %add3A_60 = arith.addi %mul3A_30, %add3A_59 : i32
      %add3A_61 = arith.constant 3 : i32
      %add3A_62 = arith.addi %add3A_60, %add3A_61 : i32
      %lt3A_63 = arith.constant 32 : i32
      %lt3A_64 = arith.cmpi slt, %add3A_62, %lt3A_63 : i32
      %convert_element_type3A_65 = arith.extui %lt3A_64 : i1 to i32
      %cond3A_66 = arith.constant 0 : i32
      %cond3A_67 = arith.cmpi ne, %convert_element_type3A_65, %cond3A_66 : i32
      scf.if %cond3A_67 {
        %add3A_91 = arith.constant 3 : i32
        %add3A_92 = arith.addi %add3A_60, %add3A_91 : i32
        %dma_start3A_93 = arith.constant 0 : i32
        %dma_start3A_94 = tpu.memref_slice %arg5[%add3A_92, %dma_start3A_93] : memref<32x128xi32, #tpu.memory_space<vmem>> -> memref<1x128xi32, #tpu.memory_space<vmem>>
        %dma_start3A_95 = tpu.memref_squeeze %dma_start3A_94 : memref<1x128xi32, #tpu.memory_space<vmem>> -> memref<128xi32, #tpu.memory_space<vmem>>
        %dma_start3A_96 = arith.constant 0 : i32
        %dma_start3A_97 = arith.constant 0 : i32
        %dma_start3A_98 = tpu.memref_slice %arg2[%dma_start3A_96, %dma_start3A_97] : memref<1000000x128xf32, #tpu.memory_space<hbm>> -> memref<1000000x128xf32, #tpu.memory_space<hbm>>
        tpu.enqueue_indirect_dma source(%dma_start3A_98 : memref<1000000x128xf32, #tpu.memory_space<hbm>>) target(%arg7 : memref<128x128xf32, #tpu.memory_space<vmem>>) offsets(%dma_start3A_95 : memref<128xi32, #tpu.memory_space<vmem>>) semaphore(%arg11 : memref<!tpu.dma_semaphore, #tpu.memory_space<semaphore_mem>>)
      } else {
      }
      %dma_wait3A_68 = arith.constant 0 : i32
      %dma_wait3A_69 = tpu.memref_slice %arg5[%add3A_60, %dma_wait3A_68] : memref<32x128xi32, #tpu.memory_space<vmem>> -> memref<1x128xi32, #tpu.memory_space<vmem>>
      %dma_wait3A_70 = tpu.memref_squeeze %dma_wait3A_69 : memref<1x128xi32, #tpu.memory_space<vmem>> -> memref<128xi32, #tpu.memory_space<vmem>>
      %dma_wait3A_71 = arith.constant 0 : i32
      %dma_wait3A_72 = arith.constant 0 : i32
      %dma_wait3A_73 = tpu.memref_slice %arg2[%dma_wait3A_71, %dma_wait3A_72] : memref<1000000x128xf32, #tpu.memory_space<hbm>> -> memref<1000000x128xf32, #tpu.memory_space<hbm>>
      tpu.wait_indirect_dma semaphore(%arg12 : memref<!tpu.dma_semaphore, #tpu.memory_space<semaphore_mem>>) src(%dma_wait3A_73 : memref<1000000x128xf32, #tpu.memory_space<hbm>>) dst(%arg8 : memref<128x128xf32, #tpu.memory_space<vmem>>)
      %add3A_74 = arith.addi %mul3A_2, %add3A_60 : i32
      "tpu.region"() ({
        %run_scoped3A = tpu.sem_alloc : memref<!tpu.dma_semaphore, #tpu.memory_space<semaphore_mem>>
        %dma_start3A_91 = arith.constant 0 : i32
        %dma_start3A_92 = arith.constant 0 : i32
        %dma_start3A_93 = tpu.memref_slice %arg4[%add3A_74, %dma_start3A_91, %dma_start3A_92] : memref<1024x128x128xf32, #tpu.memory_space<hbm>> -> memref<1x128x128xf32, #tpu.memory_space<hbm>>
        %dma_start3A_94 = tpu.memref_squeeze %dma_start3A_93 : memref<1x128x128xf32, #tpu.memory_space<hbm>> -> memref<128x128xf32, #tpu.memory_space<hbm>>
        %dma_start3A_95 = arith.constant 0 : i32
        %dma_start3A_96 = arith.constant 0 : i32
        %dma_start3A_97 = tpu.memref_slice %arg4[%add3A_74, %dma_start3A_95, %dma_start3A_96] : memref<1024x128x128xf32, #tpu.memory_space<hbm>> -> memref<1x128x128xf32, #tpu.memory_space<hbm>>
        %dma_start3A_98 = tpu.memref_squeeze %dma_start3A_97 : memref<1x128x128xf32, #tpu.memory_space<hbm>> -> memref<128x128xf32, #tpu.memory_space<hbm>>
        tpu.enqueue_dma source(%arg8 : memref<128x128xf32, #tpu.memory_space<vmem>>) target(%dma_start3A_98 : memref<128x128xf32, #tpu.memory_space<hbm>>) target_semaphore(%run_scoped3A : memref<!tpu.dma_semaphore, #tpu.memory_space<semaphore_mem>>)
        %dma_wait3A_99 = arith.constant 0 : i32
        %dma_wait3A_100 = arith.constant 0 : i32
        %dma_wait3A_101 = tpu.memref_slice %arg4[%add3A_74, %dma_wait3A_99, %dma_wait3A_100] : memref<1024x128x128xf32, #tpu.memory_space<hbm>> -> memref<1x128x128xf32, #tpu.memory_space<hbm>>
        %dma_wait3A_102 = tpu.memref_squeeze %dma_wait3A_101 : memref<1x128x128xf32, #tpu.memory_space<hbm>> -> memref<128x128xf32, #tpu.memory_space<hbm>>
        %dma_wait3A_103 = arith.constant 0 : i32
        %dma_wait3A_104 = arith.constant 0 : i32
        %dma_wait3A_105 = tpu.memref_slice %arg4[%add3A_74, %dma_wait3A_103, %dma_wait3A_104] : memref<1024x128x128xf32, #tpu.memory_space<hbm>> -> memref<1x128x128xf32, #tpu.memory_space<hbm>>
        %dma_wait3A_106 = tpu.memref_squeeze %dma_wait3A_105 : memref<1x128x128xf32, #tpu.memory_space<hbm>> -> memref<128x128xf32, #tpu.memory_space<hbm>>
        tpu.wait_dma2 semaphore(%run_scoped3A : memref<!tpu.dma_semaphore, #tpu.memory_space<semaphore_mem>>) src(%arg8 : memref<128x128xf32, #tpu.memory_space<vmem>>) dst(%dma_wait3A_106 : memref<128x128xf32, #tpu.memory_space<hbm>>)
        tpu.yield
      }) : () -> ()
      %add3A_75 = arith.constant 3 : i32
      %add3A_76 = arith.addi %mul3A_30, %add3A_75 : i32
      %add3A_77 = arith.constant 3 : i32
      %add3A_78 = arith.addi %add3A_76, %add3A_77 : i32
      %lt3A_79 = arith.constant 32 : i32
      %lt3A_80 = arith.cmpi slt, %add3A_78, %lt3A_79 : i32
      %convert_element_type3A_81 = arith.extui %lt3A_80 : i1 to i32
      %cond3A_82 = arith.constant 0 : i32
      %cond3A_83 = arith.cmpi ne, %convert_element_type3A_81, %cond3A_82 : i32
      scf.if %cond3A_83 {
        %add3A_91 = arith.constant 3 : i32
        %add3A_92 = arith.addi %add3A_76, %add3A_91 : i32
        %dma_start3A_93 = arith.constant 0 : i32
        %dma_start3A_94 = tpu.memref_slice %arg5[%add3A_92, %dma_start3A_93] : memref<32x128xi32, #tpu.memory_space<vmem>> -> memref<1x128xi32, #tpu.memory_space<vmem>>
        %dma_start3A_95 = tpu.memref_squeeze %dma_start3A_94 : memref<1x128xi32, #tpu.memory_space<vmem>> -> memref<128xi32, #tpu.memory_space<vmem>>
        %dma_start3A_96 = arith.constant 0 : i32
        %dma_start3A_97 = arith.constant 0 : i32
        %dma_start3A_98 = tpu.memref_slice %arg2[%dma_start3A_96, %dma_start3A_97] : memref<1000000x128xf32, #tpu.memory_space<hbm>> -> memref<1000000x128xf32, #tpu.memory_space<hbm>>
        tpu.enqueue_indirect_dma source(%dma_start3A_98 : memref<1000000x128xf32, #tpu.memory_space<hbm>>) target(%arg8 : memref<128x128xf32, #tpu.memory_space<vmem>>) offsets(%dma_start3A_95 : memref<128xi32, #tpu.memory_space<vmem>>) semaphore(%arg12 : memref<!tpu.dma_semaphore, #tpu.memory_space<semaphore_mem>>)
      } else {
      }
      %dma_wait3A_84 = arith.constant 0 : i32
      %dma_wait3A_85 = tpu.memref_slice %arg5[%add3A_76, %dma_wait3A_84] : memref<32x128xi32, #tpu.memory_space<vmem>> -> memref<1x128xi32, #tpu.memory_space<vmem>>
      %dma_wait3A_86 = tpu.memref_squeeze %dma_wait3A_85 : memref<1x128xi32, #tpu.memory_space<vmem>> -> memref<128xi32, #tpu.memory_space<vmem>>
      %dma_wait3A_87 = arith.constant 0 : i32
      %dma_wait3A_88 = arith.constant 0 : i32
      %dma_wait3A_89 = tpu.memref_slice %arg2[%dma_wait3A_87, %dma_wait3A_88] : memref<1000000x128xf32, #tpu.memory_space<hbm>> -> memref<1000000x128xf32, #tpu.memory_space<hbm>>
      tpu.wait_indirect_dma semaphore(%arg13 : memref<!tpu.dma_semaphore, #tpu.memory_space<semaphore_mem>>) src(%dma_wait3A_89 : memref<1000000x128xf32, #tpu.memory_space<hbm>>) dst(%arg9 : memref<128x128xf32, #tpu.memory_space<vmem>>)
      %add3A_90 = arith.addi %mul3A_2, %add3A_76 : i32
      "tpu.region"() ({
        %run_scoped3A = tpu.sem_alloc : memref<!tpu.dma_semaphore, #tpu.memory_space<semaphore_mem>>
        %dma_start3A_91 = arith.constant 0 : i32
        %dma_start3A_92 = arith.constant 0 : i32
        %dma_start3A_93 = tpu.memref_slice %arg4[%add3A_90, %dma_start3A_91, %dma_start3A_92] : memref<1024x128x128xf32, #tpu.memory_space<hbm>> -> memref<1x128x128xf32, #tpu.memory_space<hbm>>
        %dma_start3A_94 = tpu.memref_squeeze %dma_start3A_93 : memref<1x128x128xf32, #tpu.memory_space<hbm>> -> memref<128x128xf32, #tpu.memory_space<hbm>>
        %dma_start3A_95 = arith.constant 0 : i32
        %dma_start3A_96 = arith.constant 0 : i32
        %dma_start3A_97 = tpu.memref_slice %arg4[%add3A_90, %dma_start3A_95, %dma_start3A_96] : memref<1024x128x128xf32, #tpu.memory_space<hbm>> -> memref<1x128x128xf32, #tpu.memory_space<hbm>>
        %dma_start3A_98 = tpu.memref_squeeze %dma_start3A_97 : memref<1x128x128xf32, #tpu.memory_space<hbm>> -> memref<128x128xf32, #tpu.memory_space<hbm>>
        tpu.enqueue_dma source(%arg9 : memref<128x128xf32, #tpu.memory_space<vmem>>) target(%dma_start3A_98 : memref<128x128xf32, #tpu.memory_space<hbm>>) target_semaphore(%run_scoped3A : memref<!tpu.dma_semaphore, #tpu.memory_space<semaphore_mem>>)
        %dma_wait3A_99 = arith.constant 0 : i32
        %dma_wait3A_100 = arith.constant 0 : i32
        %dma_wait3A_101 = tpu.memref_slice %arg4[%add3A_90, %dma_wait3A_99, %dma_wait3A_100] : memref<1024x128x128xf32, #tpu.memory_space<hbm>> -> memref<1x128x128xf32, #tpu.memory_space<hbm>>
        %dma_wait3A_102 = tpu.memref_squeeze %dma_wait3A_101 : memref<1x128x128xf32, #tpu.memory_space<hbm>> -> memref<128x128xf32, #tpu.memory_space<hbm>>
        %dma_wait3A_103 = arith.constant 0 : i32
        %dma_wait3A_104 = arith.constant 0 : i32
        %dma_wait3A_105 = tpu.memref_slice %arg4[%add3A_90, %dma_wait3A_103, %dma_wait3A_104] : memref<1024x128x128xf32, #tpu.memory_space<hbm>> -> memref<1x128x128xf32, #tpu.memory_space<hbm>>
        %dma_wait3A_106 = tpu.memref_squeeze %dma_wait3A_105 : memref<1x128x128xf32, #tpu.memory_space<hbm>> -> memref<128x128xf32, #tpu.memory_space<hbm>>
        tpu.wait_dma2 semaphore(%run_scoped3A : memref<!tpu.dma_semaphore, #tpu.memory_space<semaphore_mem>>) src(%arg9 : memref<128x128xf32, #tpu.memory_space<vmem>>) dst(%dma_wait3A_106 : memref<128x128xf32, #tpu.memory_space<hbm>>)
        tpu.yield
      }) : () -> ()
    }
    %scan3A_27 = arith.constant 8 : i32
    return
  }
}

#map = affine_map<(d0, d1) -> (0, 0)>
#map1 = affine_map<(d0, d1) -> (0, 0, 0)>
module attributes {stable_mosaic.version = 14 : i64} {
  func.func @body(%arg0: i32, %arg1: i32, %arg2: memref<1000000x128xf32, #tpu.memory_space<hbm>>, %arg3: memref<32x32x128xi32, #tpu.memory_space<hbm>>, %arg4: memref<1024x128x128xf32, #tpu.memory_space<hbm>>, %arg5: memref<32x128xi32, #tpu.memory_space<vmem>>, %arg6: memref<128x128xf32, #tpu.memory_space<vmem>>, %arg7: memref<128x128xf32, #tpu.memory_space<vmem>>, %arg8: memref<128x128xf32, #tpu.memory_space<vmem>>, %arg9: memref<128x128xf32, #tpu.memory_space<vmem>>, %arg10: memref<!tpu.dma_semaphore, #tpu.memory_space<semaphore_mem>>, %arg11: memref<!tpu.dma_semaphore, #tpu.memory_space<semaphore_mem>>, %arg12: memref<!tpu.dma_semaphore, #tpu.memory_space<semaphore_mem>>, %arg13: memref<!tpu.dma_semaphore, #tpu.memory_space<semaphore_mem>>) attributes {dimension_semantics = [#tpu.dimension_semantics<core_parallel>, #tpu.dimension_semantics<subcore_parallel>], iteration_bounds = array<i64: 2, 16>, scalar_prefetch = 0 : i64, scratch_operands = 9 : i64, tpu.core_type = #tpu.core_type<sc_vector_subcore>, window_params = [{transform_indices = #map}, {transform_indices = #map1}, {transform_indices = #map1}]} {
    %mul3A = arith.constant 2 : i32
    %mul3A_0 = arith.muli %arg1, %mul3A : i32
    %add3A = arith.addi %mul3A_0, %arg0 : i32
    "tpu.region"() ({
      %run_scoped3A = tpu.sem_alloc : memref<!tpu.dma_semaphore, #tpu.memory_space<semaphore_mem>>
      %dma_start3A_28 = arith.constant 0 : i32
      %dma_start3A_29 = arith.constant 0 : i32
      %dma_start3A_30 = tpu.memref_slice %arg3[%add3A, %dma_start3A_28, %dma_start3A_29] : memref<32x32x128xi32, #tpu.memory_space<hbm>> -> memref<1x32x128xi32, #tpu.memory_space<hbm>>
      %dma_start3A_31 = tpu.memref_squeeze %dma_start3A_30 : memref<1x32x128xi32, #tpu.memory_space<hbm>> -> memref<32x128xi32, #tpu.memory_space<hbm>>
      %dma_start3A_32 = arith.constant 0 : i32
      %dma_start3A_33 = arith.constant 0 : i32
      %dma_start3A_34 = tpu.memref_slice %arg3[%add3A, %dma_start3A_32, %dma_start3A_33] : memref<32x32x128xi32, #tpu.memory_space<hbm>> -> memref<1x32x128xi32, #tpu.memory_space<hbm>>
      %dma_start3A_35 = tpu.memref_squeeze %dma_start3A_34 : memref<1x32x128xi32, #tpu.memory_space<hbm>> -> memref<32x128xi32, #tpu.memory_space<hbm>>
      tpu.enqueue_dma source(%dma_start3A_35 : memref<32x128xi32, #tpu.memory_space<hbm>>) target(%arg5 : memref<32x128xi32, #tpu.memory_space<vmem>>) target_semaphore(%run_scoped3A : memref<!tpu.dma_semaphore, #tpu.memory_space<semaphore_mem>>)
      %dma_wait3A = arith.constant 0 : i32
      %dma_wait3A_36 = arith.constant 0 : i32
      %dma_wait3A_37 = tpu.memref_slice %arg3[%add3A, %dma_wait3A, %dma_wait3A_36] : memref<32x32x128xi32, #tpu.memory_space<hbm>> -> memref<1x32x128xi32, #tpu.memory_space<hbm>>
      %dma_wait3A_38 = tpu.memref_squeeze %dma_wait3A_37 : memref<1x32x128xi32, #tpu.memory_space<hbm>> -> memref<32x128xi32, #tpu.memory_space<hbm>>
      %dma_wait3A_39 = arith.constant 0 : i32
      %dma_wait3A_40 = arith.constant 0 : i32
      %dma_wait3A_41 = tpu.memref_slice %arg3[%add3A, %dma_wait3A_39, %dma_wait3A_40] : memref<32x32x128xi32, #tpu.memory_space<hbm>> -> memref<1x32x128xi32, #tpu.memory_space<hbm>>
      %dma_wait3A_42 = tpu.memref_squeeze %dma_wait3A_41 : memref<1x32x128xi32, #tpu.memory_space<hbm>> -> memref<32x128xi32, #tpu.memory_space<hbm>>
      tpu.wait_dma2 semaphore(%run_scoped3A : memref<!tpu.dma_semaphore, #tpu.memory_space<semaphore_mem>>) src(%dma_wait3A_42 : memref<32x128xi32, #tpu.memory_space<hbm>>) dst(%arg5 : memref<32x128xi32, #tpu.memory_space<vmem>>)
      tpu.yield
    }) : () -> ()
    %mul3A_1 = arith.constant 32 : i32
    %mul3A_2 = arith.muli %add3A, %mul3A_1 : i32
    %dma_start3A = arith.constant 0 : i32
    %dma_start3A_3 = arith.constant 0 : i32
    %dma_start3A_4 = tpu.memref_slice %arg5[%dma_start3A, %dma_start3A_3] : memref<32x128xi32, #tpu.memory_space<vmem>> -> memref<1x128xi32, #tpu.memory_space<vmem>>
    %dma_start3A_5 = tpu.memref_squeeze %dma_start3A_4 : memref<1x128xi32, #tpu.memory_space<vmem>> -> memref<128xi32, #tpu.memory_space<vmem>>
    %dma_start3A_6 = arith.constant 0 : i32
    %dma_start3A_7 = arith.constant 0 : i32
    %dma_start3A_8 = tpu.memref_slice %arg2[%dma_start3A_6, %dma_start3A_7] : memref<1000000x128xf32, #tpu.memory_space<hbm>> -> memref<1000000x128xf32, #tpu.memory_space<hbm>>
    tpu.enqueue_indirect_dma source(%dma_start3A_8 : memref<1000000x128xf32, #tpu.memory_space<hbm>>) target(%arg6 : memref<128x128xf32, #tpu.memory_space<vmem>>) offsets(%dma_start3A_5 : memref<128xi32, #tpu.memory_space<vmem>>) semaphore(%arg10 : memref<!tpu.dma_semaphore, #tpu.memory_space<semaphore_mem>>)
    %dma_start3A_9 = arith.constant 1 : i32
    %dma_start3A_10 = arith.constant 0 : i32
    %dma_start3A_11 = tpu.memref_slice %arg5[%dma_start3A_9, %dma_start3A_10] : memref<32x128xi32, #tpu.memory_space<vmem>> -> memref<1x128xi32, #tpu.memory_space<vmem>>
    %dma_start3A_12 = tpu.memref_squeeze %dma_start3A_11 : memref<1x128xi32, #tpu.memory_space<vmem>> -> memref<128xi32, #tpu.memory_space<vmem>>
    %dma_start3A_13 = arith.constant 0 : i32
    %dma_start3A_14 = arith.constant 0 : i32
    %dma_start3A_15 = tpu.memref_slice %arg2[%dma_start3A_13, %dma_start3A_14] : memref<1000000x128xf32, #tpu.memory_space<hbm>> -> memref<1000000x128xf32, #tpu.memory_space<hbm>>
    tpu.enqueue_indirect_dma source(%dma_start3A_15 : memref<1000000x128xf32, #tpu.memory_space<hbm>>) target(%arg7 : memref<128x128xf32, #tpu.memory_space<vmem>>) offsets(%dma_start3A_12 : memref<128xi32, #tpu.memory_space<vmem>>) semaphore(%arg11 : memref<!tpu.dma_semaphore, #tpu.memory_space<semaphore_mem>>)
    %dma_start3A_16 = arith.constant 2 : i32
    %dma_start3A_17 = arith.constant 0 : i32
    %dma_start3A_18 = tpu.memref_slice %arg5[%dma_start3A_16, %dma_start3A_17] : memref<32x128xi32, #tpu.memory_space<vmem>> -> memref<1x128xi32, #tpu.memory_space<vmem>>
    %dma_start3A_19 = tpu.memref_squeeze %dma_start3A_18 : memref<1x128xi32, #tpu.memory_space<vmem>> -> memref<128xi32, #tpu.memory_space<vmem>>
    %dma_start3A_20 = arith.constant 0 : i32
    %dma_start3A_21 = arith.constant 0 : i32
    %dma_start3A_22 = tpu.memref_slice %arg2[%dma_start3A_20, %dma_start3A_21] : memref<1000000x128xf32, #tpu.memory_space<hbm>> -> memref<1000000x128xf32, #tpu.memory_space<hbm>>
    tpu.enqueue_indirect_dma source(%dma_start3A_22 : memref<1000000x128xf32, #tpu.memory_space<hbm>>) target(%arg8 : memref<128x128xf32, #tpu.memory_space<vmem>>) offsets(%dma_start3A_19 : memref<128xi32, #tpu.memory_space<vmem>>) semaphore(%arg12 : memref<!tpu.dma_semaphore, #tpu.memory_space<semaphore_mem>>)
    %scan3A = arith.constant 0 : i32
    %scan3A_23 = arith.constant 0 : i32
    %scan3A_24 = arith.constant 8 : i32
    %scan3A_25 = arith.addi %scan3A_23, %scan3A_24 : i32
    %scan3A_26 = arith.constant 1 : i32
    scf.for %scan3A_28 = %scan3A_23 to %scan3A_25 step %scan3A_26  : i32 {
      %mul3A_29 = arith.constant 4 : i32
      %mul3A_30 = arith.muli %scan3A_28, %mul3A_29 : i32
      %add3A_31 = arith.constant 0 : i32
      %add3A_32 = arith.addi %mul3A_30, %add3A_31 : i32
      %add3A_33 = arith.constant 3 : i32
      %add3A_34 = arith.addi %add3A_32, %add3A_33 : i32
      %lt3A = arith.constant 32 : i32
      %lt3A_35 = arith.cmpi slt, %add3A_34, %lt3A : i32
      %convert_element_type3A = arith.extui %lt3A_35 : i1 to i32
      %cond3A = arith.constant 0 : i32
      %cond3A_36 = arith.cmpi ne, %convert_element_type3A, %cond3A : i32
      scf.if %cond3A_36 {
        %add3A_91 = arith.constant 3 : i32
        %add3A_92 = arith.addi %add3A_32, %add3A_91 : i32
        %dma_start3A_93 = arith.constant 0 : i32
        %dma_start3A_94 = tpu.memref_slice %arg5[%add3A_92, %dma_start3A_93] : memref<32x128xi32, #tpu.memory_space<vmem>> -> memref<1x128xi32, #tpu.memory_space<vmem>>
        %dma_start3A_95 = tpu.memref_squeeze %dma_start3A_94 : memref<1x128xi32, #tpu.memory_space<vmem>> -> memref<128xi32, #tpu.memory_space<vmem>>
        %dma_start3A_96 = arith.constant 0 : i32
        %dma_start3A_97 = arith.constant 0 : i32
        %dma_start3A_98 = tpu.memref_slice %arg2[%dma_start3A_96, %dma_start3A_97] : memref<1000000x128xf32, #tpu.memory_space<hbm>> -> memref<1000000x128xf32, #tpu.memory_space<hbm>>
        tpu.enqueue_indirect_dma source(%dma_start3A_98 : memref<1000000x128xf32, #tpu.memory_space<hbm>>) target(%arg9 : memref<128x128xf32, #tpu.memory_space<vmem>>) offsets(%dma_start3A_95 : memref<128xi32, #tpu.memory_space<vmem>>) semaphore(%arg13 : memref<!tpu.dma_semaphore, #tpu.memory_space<semaphore_mem>>)
      } else {
      }
      %dma_wait3A = arith.constant 0 : i32
      %dma_wait3A_37 = tpu.memref_slice %arg5[%add3A_32, %dma_wait3A] : memref<32x128xi32, #tpu.memory_space<vmem>> -> memref<1x128xi32, #tpu.memory_space<vmem>>
      %dma_wait3A_38 = tpu.memref_squeeze %dma_wait3A_37 : memref<1x128xi32, #tpu.memory_space<vmem>> -> memref<128xi32, #tpu.memory_space<vmem>>
      %dma_wait3A_39 = arith.constant 0 : i32
      %dma_wait3A_40 = arith.constant 0 : i32
      %dma_wait3A_41 = tpu.memref_slice %arg2[%dma_wait3A_39, %dma_wait3A_40] : memref<1000000x128xf32, #tpu.memory_space<hbm>> -> memref<1000000x128xf32, #tpu.memory_space<hbm>>
      tpu.wait_indirect_dma semaphore(%arg10 : memref<!tpu.dma_semaphore, #tpu.memory_space<semaphore_mem>>) src(%dma_wait3A_41 : memref<1000000x128xf32, #tpu.memory_space<hbm>>) dst(%arg6 : memref<128x128xf32, #tpu.memory_space<vmem>>)
      %add3A_42 = arith.addi %mul3A_2, %add3A_32 : i32
      "tpu.region"() ({
        %run_scoped3A = tpu.sem_alloc : memref<!tpu.dma_semaphore, #tpu.memory_space<semaphore_mem>>
        %dma_start3A_91 = arith.constant 0 : i32
        %dma_start3A_92 = arith.constant 0 : i32
        %dma_start3A_93 = tpu.memref_slice %arg4[%add3A_42, %dma_start3A_91, %dma_start3A_92] : memref<1024x128x128xf32, #tpu.memory_space<hbm>> -> memref<1x128x128xf32, #tpu.memory_space<hbm>>
        %dma_start3A_94 = tpu.memref_squeeze %dma_start3A_93 : memref<1x128x128xf32, #tpu.memory_space<hbm>> -> memref<128x128xf32, #tpu.memory_space<hbm>>
        %dma_start3A_95 = arith.constant 0 : i32
        %dma_start3A_96 = arith.constant 0 : i32
        %dma_start3A_97 = tpu.memref_slice %arg4[%add3A_42, %dma_start3A_95, %dma_start3A_96] : memref<1024x128x128xf32, #tpu.memory_space<hbm>> -> memref<1x128x128xf32, #tpu.memory_space<hbm>>
        %dma_start3A_98 = tpu.memref_squeeze %dma_start3A_97 : memref<1x128x128xf32, #tpu.memory_space<hbm>> -> memref<128x128xf32, #tpu.memory_space<hbm>>
        tpu.enqueue_dma source(%arg6 : memref<128x128xf32, #tpu.memory_space<vmem>>) target(%dma_start3A_98 : memref<128x128xf32, #tpu.memory_space<hbm>>) target_semaphore(%run_scoped3A : memref<!tpu.dma_semaphore, #tpu.memory_space<semaphore_mem>>)
        %dma_wait3A_99 = arith.constant 0 : i32
        %dma_wait3A_100 = arith.constant 0 : i32
        %dma_wait3A_101 = tpu.memref_slice %arg4[%add3A_42, %dma_wait3A_99, %dma_wait3A_100] : memref<1024x128x128xf32, #tpu.memory_space<hbm>> -> memref<1x128x128xf32, #tpu.memory_space<hbm>>
        %dma_wait3A_102 = tpu.memref_squeeze %dma_wait3A_101 : memref<1x128x128xf32, #tpu.memory_space<hbm>> -> memref<128x128xf32, #tpu.memory_space<hbm>>
        %dma_wait3A_103 = arith.constant 0 : i32
        %dma_wait3A_104 = arith.constant 0 : i32
        %dma_wait3A_105 = tpu.memref_slice %arg4[%add3A_42, %dma_wait3A_103, %dma_wait3A_104] : memref<1024x128x128xf32, #tpu.memory_space<hbm>> -> memref<1x128x128xf32, #tpu.memory_space<hbm>>
        %dma_wait3A_106 = tpu.memref_squeeze %dma_wait3A_105 : memref<1x128x128xf32, #tpu.memory_space<hbm>> -> memref<128x128xf32, #tpu.memory_space<hbm>>
        tpu.wait_dma2 semaphore(%run_scoped3A : memref<!tpu.dma_semaphore, #tpu.memory_space<semaphore_mem>>) src(%arg6 : memref<128x128xf32, #tpu.memory_space<vmem>>) dst(%dma_wait3A_106 : memref<128x128xf32, #tpu.memory_space<hbm>>)
        tpu.yield
      }) : () -> ()
      %add3A_43 = arith.constant 1 : i32
      %add3A_44 = arith.addi %mul3A_30, %add3A_43 : i32
      %add3A_45 = arith.constant 3 : i32
      %add3A_46 = arith.addi %add3A_44, %add3A_45 : i32
      %lt3A_47 = arith.constant 32 : i32
      %lt3A_48 = arith.cmpi slt, %add3A_46, %lt3A_47 : i32
      %convert_element_type3A_49 = arith.extui %lt3A_48 : i1 to i32
      %cond3A_50 = arith.constant 0 : i32
      %cond3A_51 = arith.cmpi ne, %convert_element_type3A_49, %cond3A_50 : i32
      scf.if %cond3A_51 {
        %add3A_91 = arith.constant 3 : i32
        %add3A_92 = arith.addi %add3A_44, %add3A_91 : i32
        %dma_start3A_93 = arith.constant 0 : i32
        %dma_start3A_94 = tpu.memref_slice %arg5[%add3A_92, %dma_start3A_93] : memref<32x128xi32, #tpu.memory_space<vmem>> -> memref<1x128xi32, #tpu.memory_space<vmem>>
        %dma_start3A_95 = tpu.memref_squeeze %dma_start3A_94 : memref<1x128xi32, #tpu.memory_space<vmem>> -> memref<128xi32, #tpu.memory_space<vmem>>
        %dma_start3A_96 = arith.constant 0 : i32
        %dma_start3A_97 = arith.constant 0 : i32
        %dma_start3A_98 = tpu.memref_slice %arg2[%dma_start3A_96, %dma_start3A_97] : memref<1000000x128xf32, #tpu.memory_space<hbm>> -> memref<1000000x128xf32, #tpu.memory_space<hbm>>
        tpu.enqueue_indirect_dma source(%dma_start3A_98 : memref<1000000x128xf32, #tpu.memory_space<hbm>>) target(%arg6 : memref<128x128xf32, #tpu.memory_space<vmem>>) offsets(%dma_start3A_95 : memref<128xi32, #tpu.memory_space<vmem>>) semaphore(%arg10 : memref<!tpu.dma_semaphore, #tpu.memory_space<semaphore_mem>>)
      } else {
      }
      %dma_wait3A_52 = arith.constant 0 : i32
      %dma_wait3A_53 = tpu.memref_slice %arg5[%add3A_44, %dma_wait3A_52] : memref<32x128xi32, #tpu.memory_space<vmem>> -> memref<1x128xi32, #tpu.memory_space<vmem>>
      %dma_wait3A_54 = tpu.memref_squeeze %dma_wait3A_53 : memref<1x128xi32, #tpu.memory_space<vmem>> -> memref<128xi32, #tpu.memory_space<vmem>>
      %dma_wait3A_55 = arith.constant 0 : i32
      %dma_wait3A_56 = arith.constant 0 : i32
      %dma_wait3A_57 = tpu.memref_slice %arg2[%dma_wait3A_55, %dma_wait3A_56] : memref<1000000x128xf32, #tpu.memory_space<hbm>> -> memref<1000000x128xf32, #tpu.memory_space<hbm>>
      tpu.wait_indirect_dma semaphore(%arg11 : memref<!tpu.dma_semaphore, #tpu.memory_space<semaphore_mem>>) src(%dma_wait3A_57 : memref<1000000x128xf32, #tpu.memory_space<hbm>>) dst(%arg7 : memref<128x128xf32, #tpu.memory_space<vmem>>)
      %add3A_58 = arith.addi %mul3A_2, %add3A_44 : i32
      "tpu.region"() ({
        %run_scoped3A = tpu.sem_alloc : memref<!tpu.dma_semaphore, #tpu.memory_space<semaphore_mem>>
        %dma_start3A_91 = arith.constant 0 : i32
        %dma_start3A_92 = arith.constant 0 : i32
        %dma_start3A_93 = tpu.memref_slice %arg4[%add3A_58, %dma_start3A_91, %dma_start3A_92] : memref<1024x128x128xf32, #tpu.memory_space<hbm>> -> memref<1x128x128xf32, #tpu.memory_space<hbm>>
        %dma_start3A_94 = tpu.memref_squeeze %dma_start3A_93 : memref<1x128x128xf32, #tpu.memory_space<hbm>> -> memref<128x128xf32, #tpu.memory_space<hbm>>
        %dma_start3A_95 = arith.constant 0 : i32
        %dma_start3A_96 = arith.constant 0 : i32
        %dma_start3A_97 = tpu.memref_slice %arg4[%add3A_58, %dma_start3A_95, %dma_start3A_96] : memref<1024x128x128xf32, #tpu.memory_space<hbm>> -> memref<1x128x128xf32, #tpu.memory_space<hbm>>
        %dma_start3A_98 = tpu.memref_squeeze %dma_start3A_97 : memref<1x128x128xf32, #tpu.memory_space<hbm>> -> memref<128x128xf32, #tpu.memory_space<hbm>>
        tpu.enqueue_dma source(%arg7 : memref<128x128xf32, #tpu.memory_space<vmem>>) target(%dma_start3A_98 : memref<128x128xf32, #tpu.memory_space<hbm>>) target_semaphore(%run_scoped3A : memref<!tpu.dma_semaphore, #tpu.memory_space<semaphore_mem>>)
        %dma_wait3A_99 = arith.constant 0 : i32
        %dma_wait3A_100 = arith.constant 0 : i32
        %dma_wait3A_101 = tpu.memref_slice %arg4[%add3A_58, %dma_wait3A_99, %dma_wait3A_100] : memref<1024x128x128xf32, #tpu.memory_space<hbm>> -> memref<1x128x128xf32, #tpu.memory_space<hbm>>
        %dma_wait3A_102 = tpu.memref_squeeze %dma_wait3A_101 : memref<1x128x128xf32, #tpu.memory_space<hbm>> -> memref<128x128xf32, #tpu.memory_space<hbm>>
        %dma_wait3A_103 = arith.constant 0 : i32
        %dma_wait3A_104 = arith.constant 0 : i32
        %dma_wait3A_105 = tpu.memref_slice %arg4[%add3A_58, %dma_wait3A_103, %dma_wait3A_104] : memref<1024x128x128xf32, #tpu.memory_space<hbm>> -> memref<1x128x128xf32, #tpu.memory_space<hbm>>
        %dma_wait3A_106 = tpu.memref_squeeze %dma_wait3A_105 : memref<1x128x128xf32, #tpu.memory_space<hbm>> -> memref<128x128xf32, #tpu.memory_space<hbm>>
        tpu.wait_dma2 semaphore(%run_scoped3A : memref<!tpu.dma_semaphore, #tpu.memory_space<semaphore_mem>>) src(%arg7 : memref<128x128xf32, #tpu.memory_space<vmem>>) dst(%dma_wait3A_106 : memref<128x128xf32, #tpu.memory_space<hbm>>)
        tpu.yield
      }) : () -> ()
      %add3A_59 = arith.constant 2 : i32
      %add3A_60 = arith.addi %mul3A_30, %add3A_59 : i32
      %add3A_61 = arith.constant 3 : i32
      %add3A_62 = arith.addi %add3A_60, %add3A_61 : i32
      %lt3A_63 = arith.constant 32 : i32
      %lt3A_64 = arith.cmpi slt, %add3A_62, %lt3A_63 : i32
      %convert_element_type3A_65 = arith.extui %lt3A_64 : i1 to i32
      %cond3A_66 = arith.constant 0 : i32
      %cond3A_67 = arith.cmpi ne, %convert_element_type3A_65, %cond3A_66 : i32
      scf.if %cond3A_67 {
        %add3A_91 = arith.constant 3 : i32
        %add3A_92 = arith.addi %add3A_60, %add3A_91 : i32
        %dma_start3A_93 = arith.constant 0 : i32
        %dma_start3A_94 = tpu.memref_slice %arg5[%add3A_92, %dma_start3A_93] : memref<32x128xi32, #tpu.memory_space<vmem>> -> memref<1x128xi32, #tpu.memory_space<vmem>>
        %dma_start3A_95 = tpu.memref_squeeze %dma_start3A_94 : memref<1x128xi32, #tpu.memory_space<vmem>> -> memref<128xi32, #tpu.memory_space<vmem>>
        %dma_start3A_96 = arith.constant 0 : i32
        %dma_start3A_97 = arith.constant 0 : i32
        %dma_start3A_98 = tpu.memref_slice %arg2[%dma_start3A_96, %dma_start3A_97] : memref<1000000x128xf32, #tpu.memory_space<hbm>> -> memref<1000000x128xf32, #tpu.memory_space<hbm>>
        tpu.enqueue_indirect_dma source(%dma_start3A_98 : memref<1000000x128xf32, #tpu.memory_space<hbm>>) target(%arg7 : memref<128x128xf32, #tpu.memory_space<vmem>>) offsets(%dma_start3A_95 : memref<128xi32, #tpu.memory_space<vmem>>) semaphore(%arg11 : memref<!tpu.dma_semaphore, #tpu.memory_space<semaphore_mem>>)
      } else {
      }
      %dma_wait3A_68 = arith.constant 0 : i32
      %dma_wait3A_69 = tpu.memref_slice %arg5[%add3A_60, %dma_wait3A_68] : memref<32x128xi32, #tpu.memory_space<vmem>> -> memref<1x128xi32, #tpu.memory_space<vmem>>
      %dma_wait3A_70 = tpu.memref_squeeze %dma_wait3A_69 : memref<1x128xi32, #tpu.memory_space<vmem>> -> memref<128xi32, #tpu.memory_space<vmem>>
      %dma_wait3A_71 = arith.constant 0 : i32
      %dma_wait3A_72 = arith.constant 0 : i32
      %dma_wait3A_73 = tpu.memref_slice %arg2[%dma_wait3A_71, %dma_wait3A_72] : memref<1000000x128xf32, #tpu.memory_space<hbm>> -> memref<1000000x128xf32, #tpu.memory_space<hbm>>
      tpu.wait_indirect_dma semaphore(%arg12 : memref<!tpu.dma_semaphore, #tpu.memory_space<semaphore_mem>>) src(%dma_wait3A_73 : memref<1000000x128xf32, #tpu.memory_space<hbm>>) dst(%arg8 : memref<128x128xf32, #tpu.memory_space<vmem>>)
      %add3A_74 = arith.addi %mul3A_2, %add3A_60 : i32
      "tpu.region"() ({
        %run_scoped3A = tpu.sem_alloc : memref<!tpu.dma_semaphore, #tpu.memory_space<semaphore_mem>>
        %dma_start3A_91 = arith.constant 0 : i32
        %dma_start3A_92 = arith.constant 0 : i32
        %dma_start3A_93 = tpu.memref_slice %arg4[%add3A_74, %dma_start3A_91, %dma_start3A_92] : memref<1024x128x128xf32, #tpu.memory_space<hbm>> -> memref<1x128x128xf32, #tpu.memory_space<hbm>>
        %dma_start3A_94 = tpu.memref_squeeze %dma_start3A_93 : memref<1x128x128xf32, #tpu.memory_space<hbm>> -> memref<128x128xf32, #tpu.memory_space<hbm>>
        %dma_start3A_95 = arith.constant 0 : i32
        %dma_start3A_96 = arith.constant 0 : i32
        %dma_start3A_97 = tpu.memref_slice %arg4[%add3A_74, %dma_start3A_95, %dma_start3A_96] : memref<1024x128x128xf32, #tpu.memory_space<hbm>> -> memref<1x128x128xf32, #tpu.memory_space<hbm>>
        %dma_start3A_98 = tpu.memref_squeeze %dma_start3A_97 : memref<1x128x128xf32, #tpu.memory_space<hbm>> -> memref<128x128xf32, #tpu.memory_space<hbm>>
        tpu.enqueue_dma source(%arg8 : memref<128x128xf32, #tpu.memory_space<vmem>>) target(%dma_start3A_98 : memref<128x128xf32, #tpu.memory_space<hbm>>) target_semaphore(%run_scoped3A : memref<!tpu.dma_semaphore, #tpu.memory_space<semaphore_mem>>)
        %dma_wait3A_99 = arith.constant 0 : i32
        %dma_wait3A_100 = arith.constant 0 : i32
        %dma_wait3A_101 = tpu.memref_slice %arg4[%add3A_74, %dma_wait3A_99, %dma_wait3A_100] : memref<1024x128x128xf32, #tpu.memory_space<hbm>> -> memref<1x128x128xf32, #tpu.memory_space<hbm>>
        %dma_wait3A_102 = tpu.memref_squeeze %dma_wait3A_101 : memref<1x128x128xf32, #tpu.memory_space<hbm>> -> memref<128x128xf32, #tpu.memory_space<hbm>>
        %dma_wait3A_103 = arith.constant 0 : i32
        %dma_wait3A_104 = arith.constant 0 : i32
        %dma_wait3A_105 = tpu.memref_slice %arg4[%add3A_74, %dma_wait3A_103, %dma_wait3A_104] : memref<1024x128x128xf32, #tpu.memory_space<hbm>> -> memref<1x128x128xf32, #tpu.memory_space<hbm>>
        %dma_wait3A_106 = tpu.memref_squeeze %dma_wait3A_105 : memref<1x128x128xf32, #tpu.memory_space<hbm>> -> memref<128x128xf32, #tpu.memory_space<hbm>>
        tpu.wait_dma2 semaphore(%run_scoped3A : memref<!tpu.dma_semaphore, #tpu.memory_space<semaphore_mem>>) src(%arg8 : memref<128x128xf32, #tpu.memory_space<vmem>>) dst(%dma_wait3A_106 : memref<128x128xf32, #tpu.memory_space<hbm>>)
        tpu.yield
      }) : () -> ()
      %add3A_75 = arith.constant 3 : i32
      %add3A_76 = arith.addi %mul3A_30, %add3A_75 : i32
      %add3A_77 = arith.constant 3 : i32
      %add3A_78 = arith.addi %add3A_76, %add3A_77 : i32
      %lt3A_79 = arith.constant 32 : i32
      %lt3A_80 = arith.cmpi slt, %add3A_78, %lt3A_79 : i32
      %convert_element_type3A_81 = arith.extui %lt3A_80 : i1 to i32
      %cond3A_82 = arith.constant 0 : i32
      %cond3A_83 = arith.cmpi ne, %convert_element_type3A_81, %cond3A_82 : i32
      scf.if %cond3A_83 {
        %add3A_91 = arith.constant 3 : i32
        %add3A_92 = arith.addi %add3A_76, %add3A_91 : i32
        %dma_start3A_93 = arith.constant 0 : i32
        %dma_start3A_94 = tpu.memref_slice %arg5[%add3A_92, %dma_start3A_93] : memref<32x128xi32, #tpu.memory_space<vmem>> -> memref<1x128xi32, #tpu.memory_space<vmem>>
        %dma_start3A_95 = tpu.memref_squeeze %dma_start3A_94 : memref<1x128xi32, #tpu.memory_space<vmem>> -> memref<128xi32, #tpu.memory_space<vmem>>
        %dma_start3A_96 = arith.constant 0 : i32
        %dma_start3A_97 = arith.constant 0 : i32
        %dma_start3A_98 = tpu.memref_slice %arg2[%dma_start3A_96, %dma_start3A_97] : memref<1000000x128xf32, #tpu.memory_space<hbm>> -> memref<1000000x128xf32, #tpu.memory_space<hbm>>
        tpu.enqueue_indirect_dma source(%dma_start3A_98 : memref<1000000x128xf32, #tpu.memory_space<hbm>>) target(%arg8 : memref<128x128xf32, #tpu.memory_space<vmem>>) offsets(%dma_start3A_95 : memref<128xi32, #tpu.memory_space<vmem>>) semaphore(%arg12 : memref<!tpu.dma_semaphore, #tpu.memory_space<semaphore_mem>>)
      } else {
      }
      %dma_wait3A_84 = arith.constant 0 : i32
      %dma_wait3A_85 = tpu.memref_slice %arg5[%add3A_76, %dma_wait3A_84] : memref<32x128xi32, #tpu.memory_space<vmem>> -> memref<1x128xi32, #tpu.memory_space<vmem>>
      %dma_wait3A_86 = tpu.memref_squeeze %dma_wait3A_85 : memref<1x128xi32, #tpu.memory_space<vmem>> -> memref<128xi32, #tpu.memory_space<vmem>>
      %dma_wait3A_87 = arith.constant 0 : i32
      %dma_wait3A_88 = arith.constant 0 : i32
      %dma_wait3A_89 = tpu.memref_slice %arg2[%dma_wait3A_87, %dma_wait3A_88] : memref<1000000x128xf32, #tpu.memory_space<hbm>> -> memref<1000000x128xf32, #tpu.memory_space<hbm>>
      tpu.wait_indirect_dma semaphore(%arg13 : memref<!tpu.dma_semaphore, #tpu.memory_space<semaphore_mem>>) src(%dma_wait3A_89 : memref<1000000x128xf32, #tpu.memory_space<hbm>>) dst(%arg9 : memref<128x128xf32, #tpu.memory_space<vmem>>)
      %add3A_90 = arith.addi %mul3A_2, %add3A_76 : i32
      "tpu.region"() ({
        %run_scoped3A = tpu.sem_alloc : memref<!tpu.dma_semaphore, #tpu.memory_space<semaphore_mem>>
        %dma_start3A_91 = arith.constant 0 : i32
        %dma_start3A_92 = arith.constant 0 : i32
        %dma_start3A_93 = tpu.memref_slice %arg4[%add3A_90, %dma_start3A_91, %dma_start3A_92] : memref<1024x128x128xf32, #tpu.memory_space<hbm>> -> memref<1x128x128xf32, #tpu.memory_space<hbm>>
        %dma_start3A_94 = tpu.memref_squeeze %dma_start3A_93 : memref<1x128x128xf32, #tpu.memory_space<hbm>> -> memref<128x128xf32, #tpu.memory_space<hbm>>
        %dma_start3A_95 = arith.constant 0 : i32
        %dma_start3A_96 = arith.constant 0 : i32
        %dma_start3A_97 = tpu.memref_slice %arg4[%add3A_90, %dma_start3A_95, %dma_start3A_96] : memref<1024x128x128xf32, #tpu.memory_space<hbm>> -> memref<1x128x128xf32, #tpu.memory_space<hbm>>
        %dma_start3A_98 = tpu.memref_squeeze %dma_start3A_97 : memref<1x128x128xf32, #tpu.memory_space<hbm>> -> memref<128x128xf32, #tpu.memory_space<hbm>>
        tpu.enqueue_dma source(%arg9 : memref<128x128xf32, #tpu.memory_space<vmem>>) target(%dma_start3A_98 : memref<128x128xf32, #tpu.memory_space<hbm>>) target_semaphore(%run_scoped3A : memref<!tpu.dma_semaphore, #tpu.memory_space<semaphore_mem>>)
        %dma_wait3A_99 = arith.constant 0 : i32
        %dma_wait3A_100 = arith.constant 0 : i32
        %dma_wait3A_101 = tpu.memref_slice %arg4[%add3A_90, %dma_wait3A_99, %dma_wait3A_100] : memref<1024x128x128xf32, #tpu.memory_space<hbm>> -> memref<1x128x128xf32, #tpu.memory_space<hbm>>
        %dma_wait3A_102 = tpu.memref_squeeze %dma_wait3A_101 : memref<1x128x128xf32, #tpu.memory_space<hbm>> -> memref<128x128xf32, #tpu.memory_space<hbm>>
        %dma_wait3A_103 = arith.constant 0 : i32
        %dma_wait3A_104 = arith.constant 0 : i32
        %dma_wait3A_105 = tpu.memref_slice %arg4[%add3A_90, %dma_wait3A_103, %dma_wait3A_104] : memref<1024x128x128xf32, #tpu.memory_space<hbm>> -> memref<1x128x128xf32, #tpu.memory_space<hbm>>
        %dma_wait3A_106 = tpu.memref_squeeze %dma_wait3A_105 : memref<1x128x128xf32, #tpu.memory_space<hbm>> -> memref<128x128xf32, #tpu.memory_space<hbm>>
        tpu.wait_dma2 semaphore(%run_scoped3A : memref<!tpu.dma_semaphore, #tpu.memory_space<semaphore_mem>>) src(%arg9 : memref<128x128xf32, #tpu.memory_space<vmem>>) dst(%dma_wait3A_106 : memref<128x128xf32, #tpu.memory_space<hbm>>)
        tpu.yield
      }) : () -> ()
    }
    %scan3A_27 = arith.constant 8 : i32
    return
  }
}

module attributes {stable_mosaic.version = 14 : i64} {
  func.func @_tc_body(%arg0: i32, %arg1: memref<512x13xf32, #tpu.memory_space<vmem>>, %arg2: memref<128x128x128xf32, #tpu.memory_space<vmem>>, %arg3: memref<13x512xf32, #tpu.memory_space<vmem>>, %arg4: memref<1x512xf32, #tpu.memory_space<vmem>>, %arg5: memref<512x256xf32, #tpu.memory_space<vmem>>, %arg6: memref<1x256xf32, #tpu.memory_space<vmem>>, %arg7: memref<256x128xf32, #tpu.memory_space<vmem>>, %arg8: memref<1x128xf32, #tpu.memory_space<vmem>>, %arg9: memref<128x1024xf32, #tpu.memory_space<vmem>>, %arg10: memref<1024x1024xf32, #tpu.memory_space<vmem>>, %arg11: memref<1x1024xf32, #tpu.memory_space<vmem>>, %arg12: memref<1024x1024xf32, #tpu.memory_space<vmem>>, %arg13: memref<1x1024xf32, #tpu.memory_space<vmem>>, %arg14: memref<1024x512xf32, #tpu.memory_space<vmem>>, %arg15: memref<1x512xf32, #tpu.memory_space<vmem>>, %arg16: memref<512x256xf32, #tpu.memory_space<vmem>>, %arg17: memref<1x256xf32, #tpu.memory_space<vmem>>, %arg18: memref<256x1xf32, #tpu.memory_space<vmem>>, %arg19: memref<1x1xf32, #tpu.memory_space<vmem>>, %arg20: memref<512x1xf32, #tpu.memory_space<vmem>>) attributes {dimension_semantics = [#tpu.dimension_semantics<arbitrary>], iteration_bounds = array<i64: 8>, scalar_prefetch = 0 : i64, scratch_operands = 0 : i64, tpu.core_type = #tpu.core_type<tc>, window_params = [{transform_indices = @transform_0, window_bounds = array<i64: 512, 13>}, {transform_indices = @transform_1, window_bounds = array<i64: 128, 128, 128>}, {pipeline_mode = #tpu.pipeline_mode<synchronous>, transform_indices = @transform_2, window_bounds = array<i64: 13, 512>}, {pipeline_mode = #tpu.pipeline_mode<synchronous>, transform_indices = @transform_3, window_bounds = array<i64: 1, 512>}, {pipeline_mode = #tpu.pipeline_mode<synchronous>, transform_indices = @transform_4, window_bounds = array<i64: 512, 256>}, {pipeline_mode = #tpu.pipeline_mode<synchronous>, transform_indices = @transform_5, window_bounds = array<i64: 1, 256>}, {pipeline_mode = #tpu.pipeline_mode<synchronous>, transform_indices = @transform_6, window_bounds = array<i64: 256, 128>}, {pipeline_mode = #tpu.pipeline_mode<synchronous>, transform_indices = @transform_7, window_bounds = array<i64: 1, 128>}, {pipeline_mode = #tpu.pipeline_mode<synchronous>, transform_indices = @transform_8, window_bounds = array<i64: 128, 1024>}, {pipeline_mode = #tpu.pipeline_mode<synchronous>, transform_indices = @transform_9, window_bounds = array<i64: 1024, 1024>}, {pipeline_mode = #tpu.pipeline_mode<synchronous>, transform_indices = @transform_10, window_bounds = array<i64: 1, 1024>}, {pipeline_mode = #tpu.pipeline_mode<synchronous>, transform_indices = @transform_11, window_bounds = array<i64: 1024, 1024>}, {pipeline_mode = #tpu.pipeline_mode<synchronous>, transform_indices = @transform_12, window_bounds = array<i64: 1, 1024>}, {pipeline_mode = #tpu.pipeline_mode<synchronous>, transform_indices = @transform_13, window_bounds = array<i64: 1024, 512>}, {pipeline_mode = #tpu.pipeline_mode<synchronous>, transform_indices = @transform_14, window_bounds = array<i64: 1, 512>}, {pipeline_mode = #tpu.pipeline_mode<synchronous>, transform_indices = @transform_15, window_bounds = array<i64: 512, 256>}, {pipeline_mode = #tpu.pipeline_mode<synchronous>, transform_indices = @transform_16, window_bounds = array<i64: 1, 256>}, {pipeline_mode = #tpu.pipeline_mode<synchronous>, transform_indices = @transform_17, window_bounds = array<i64: 256, 1>}, {pipeline_mode = #tpu.pipeline_mode<synchronous>, transform_indices = @transform_18, window_bounds = array<i64: 1, 1>}, {transform_indices = @transform_19, window_bounds = array<i64: 512, 1>}]} {
    %get3A = arith.constant 0 : index
    %get3A_0 = arith.constant 0 : index
    %get3A_1 = vector.load %arg1[%get3A, %get3A_0] : memref<512x13xf32, #tpu.memory_space<vmem>>, vector<512x13xf32>
    %get3A_2 = arith.constant 0 : index
    %get3A_3 = arith.constant 0 : index
    %get3A_4 = vector.load %arg3[%get3A_2, %get3A_3] : memref<13x512xf32, #tpu.memory_space<vmem>>, vector<13x512xf32>
    %dot_general3A = arith.constant dense<0.000000e+00> : vector<512x512xf32>
    %dot_general3A_5 = tpu.matmul %get3A_1, %get3A_4, %dot_general3A {dimension_numbers = #tpu.dot_dimension_numbers<[1], [0], [0], [1], [0, 0, 1, 1], [], []>, transpose_lhs_hint = false} : vector<512x13xf32>, vector<13x512xf32>, vector<512x512xf32> -> vector<512x512xf32>
    %get3A_6 = arith.constant 0 : index
    %get3A_7 = arith.constant 0 : index
    %get3A_8 = vector.load %arg4[%get3A_6, %get3A_7] : memref<1x512xf32, #tpu.memory_space<vmem>>, vector<1x512xf32>
    %add3A = vector.broadcast %get3A_8 : vector<1x512xf32> to vector<512x512xf32>
    %add3A_9 = arith.addf %dot_general3A_5, %add3A : vector<512x512xf32>
    %max3A = arith.constant 0.000000e+00 : f32
    %max3A_10 = vector.broadcast %max3A : f32 to vector<512x512xf32>
    %max3A_11 = arith.maximumf %add3A_9, %max3A_10 : vector<512x512xf32>
    %get3A_12 = arith.constant 0 : index
    %get3A_13 = arith.constant 0 : index
    %get3A_14 = vector.load %arg5[%get3A_12, %get3A_13] : memref<512x256xf32, #tpu.memory_space<vmem>>, vector<512x256xf32>
    %dot_general3A_15 = arith.constant dense<0.000000e+00> : vector<512x256xf32>
    %dot_general3A_16 = tpu.matmul %max3A_11, %get3A_14, %dot_general3A_15 {dimension_numbers = #tpu.dot_dimension_numbers<[1], [0], [0], [1], [0, 0, 1, 1], [], []>, transpose_lhs_hint = false} : vector<512x512xf32>, vector<512x256xf32>, vector<512x256xf32> -> vector<512x256xf32>
    %get3A_17 = arith.constant 0 : index
    %get3A_18 = arith.constant 0 : index
    %get3A_19 = vector.load %arg6[%get3A_17, %get3A_18] : memref<1x256xf32, #tpu.memory_space<vmem>>, vector<1x256xf32>
    %add3A_20 = vector.broadcast %get3A_19 : vector<1x256xf32> to vector<512x256xf32>
    %add3A_21 = arith.addf %dot_general3A_16, %add3A_20 : vector<512x256xf32>
    %max3A_22 = arith.constant 0.000000e+00 : f32
    %max3A_23 = vector.broadcast %max3A_22 : f32 to vector<512x256xf32>
    %max3A_24 = arith.maximumf %add3A_21, %max3A_23 : vector<512x256xf32>
    %get3A_25 = arith.constant 0 : index
    %get3A_26 = arith.constant 0 : index
    %get3A_27 = vector.load %arg7[%get3A_25, %get3A_26] : memref<256x128xf32, #tpu.memory_space<vmem>>, vector<256x128xf32>
    %dot_general3A_28 = arith.constant dense<0.000000e+00> : vector<512x128xf32>
    %dot_general3A_29 = tpu.matmul %max3A_24, %get3A_27, %dot_general3A_28 {dimension_numbers = #tpu.dot_dimension_numbers<[1], [0], [0], [1], [0, 0, 1, 1], [], []>, transpose_lhs_hint = false} : vector<512x256xf32>, vector<256x128xf32>, vector<512x128xf32> -> vector<512x128xf32>
    %get3A_30 = arith.constant 0 : index
    %get3A_31 = arith.constant 0 : index
    %get3A_32 = vector.load %arg8[%get3A_30, %get3A_31] : memref<1x128xf32, #tpu.memory_space<vmem>>, vector<1x128xf32>
    %add3A_33 = vector.broadcast %get3A_32 : vector<1x128xf32> to vector<512x128xf32>
    %add3A_34 = arith.addf %dot_general3A_29, %add3A_33 : vector<512x128xf32>
    %max3A_35 = arith.constant 0.000000e+00 : f32
    %max3A_36 = vector.broadcast %max3A_35 : f32 to vector<512x128xf32>
    %max3A_37 = arith.maximumf %add3A_34, %max3A_36 : vector<512x128xf32>
    %get3A_38 = arith.constant 0 : index
    %get3A_39 = arith.constant 0 : index
    %get3A_40 = arith.constant 0 : index
    %get3A_41 = vector.load %arg2[%get3A_38, %get3A_39, %get3A_40] : memref<128x128x128xf32, #tpu.memory_space<vmem>>, vector<128x128x128xf32>
    %reshape3A = vector.shape_cast %get3A_41 : vector<128x128x128xf32> to vector<16384x128xf32>
    %reshape3A_42 = vector.shape_cast %reshape3A : vector<16384x128xf32> to vector<512x32x128xf32>
    %iota3A = tpu.iota {dimensions = array<i32: 1>} : vector<512x32x128xi32>
    %eq3A = arith.constant 26 : i32
    %eq3A_43 = vector.broadcast %eq3A : i32 to vector<512x32x128xi32>
    %eq3A_44 = arith.cmpi eq, %iota3A, %eq3A_43 : vector<512x32x128xi32>
    %reshape3A_45 = vector.shape_cast %max3A_37 : vector<512x128xf32> to vector<512x1x128xf32>
    %broadcast_in_dim3A = vector.shape_cast %reshape3A_45 : vector<512x1x128xf32> to vector<512x1x128xf32>
    %broadcast_in_dim3A_46 = vector.broadcast %broadcast_in_dim3A : vector<512x1x128xf32> to vector<512x32x128xf32>
    %select_n3A = arith.select %eq3A_44, %broadcast_in_dim3A_46, %reshape3A_42 : vector<512x32x128xi1>, vector<512x32x128xf32>
    %dot_general3A_47 = arith.constant dense<0.000000e+00> : vector<512x32x32xf32>
    %dot_general3A_48 = tpu.matmul %select_n3A, %select_n3A, %dot_general3A_47 {dimension_numbers = #tpu.dot_dimension_numbers<[2], [2], [1], [1], [0, 0, 0, 1, 1, 1], [0], [0]>, transpose_lhs_hint = false} : vector<512x32x128xf32>, vector<512x32x128xf32>, vector<512x32x32xf32> -> vector<512x32x32xf32>
    %reshape3A_49 = vector.shape_cast %dot_general3A_48 : vector<512x32x32xf32> to vector<512x1024xf32>
    %get3A_50 = arith.constant 0 : index
    %get3A_51 = arith.constant 0 : index
    %get3A_52 = vector.load %arg9[%get3A_50, %get3A_51] : memref<128x1024xf32, #tpu.memory_space<vmem>>, vector<128x1024xf32>
    %dot_general3A_53 = arith.constant dense<0.000000e+00> : vector<512x1024xf32>
    %dot_general3A_54 = tpu.matmul %max3A_37, %get3A_52, %dot_general3A_53 {dimension_numbers = #tpu.dot_dimension_numbers<[1], [0], [0], [1], [0, 0, 1, 1], [], []>, transpose_lhs_hint = false} : vector<512x128xf32>, vector<128x1024xf32>, vector<512x1024xf32> -> vector<512x1024xf32>
    %get3A_55 = arith.constant 0 : index
    %get3A_56 = arith.constant 0 : index
    %get3A_57 = vector.load %arg10[%get3A_55, %get3A_56] : memref<1024x1024xf32, #tpu.memory_space<vmem>>, vector<1024x1024xf32>
    %dot_general3A_58 = arith.constant dense<0.000000e+00> : vector<512x1024xf32>
    %dot_general3A_59 = tpu.matmul %reshape3A_49, %get3A_57, %dot_general3A_58 {dimension_numbers = #tpu.dot_dimension_numbers<[1], [0], [0], [1], [0, 0, 1, 1], [], []>, transpose_lhs_hint = false} : vector<512x1024xf32>, vector<1024x1024xf32>, vector<512x1024xf32> -> vector<512x1024xf32>
    %add3A_60 = arith.addf %dot_general3A_54, %dot_general3A_59 : vector<512x1024xf32>
    %get3A_61 = arith.constant 0 : index
    %get3A_62 = arith.constant 0 : index
    %get3A_63 = vector.load %arg11[%get3A_61, %get3A_62] : memref<1x1024xf32, #tpu.memory_space<vmem>>, vector<1x1024xf32>
    %add3A_64 = vector.broadcast %get3A_63 : vector<1x1024xf32> to vector<512x1024xf32>
    %add3A_65 = arith.addf %add3A_60, %add3A_64 : vector<512x1024xf32>
    %max3A_66 = arith.constant 0.000000e+00 : f32
    %max3A_67 = vector.broadcast %max3A_66 : f32 to vector<512x1024xf32>
    %max3A_68 = arith.maximumf %add3A_65, %max3A_67 : vector<512x1024xf32>
    %get3A_69 = arith.constant 0 : index
    %get3A_70 = arith.constant 0 : index
    %get3A_71 = vector.load %arg12[%get3A_69, %get3A_70] : memref<1024x1024xf32, #tpu.memory_space<vmem>>, vector<1024x1024xf32>
    %dot_general3A_72 = arith.constant dense<0.000000e+00> : vector<512x1024xf32>
    %dot_general3A_73 = tpu.matmul %max3A_68, %get3A_71, %dot_general3A_72 {dimension_numbers = #tpu.dot_dimension_numbers<[1], [0], [0], [1], [0, 0, 1, 1], [], []>, transpose_lhs_hint = false} : vector<512x1024xf32>, vector<1024x1024xf32>, vector<512x1024xf32> -> vector<512x1024xf32>
    %get3A_74 = arith.constant 0 : index
    %get3A_75 = arith.constant 0 : index
    %get3A_76 = vector.load %arg13[%get3A_74, %get3A_75] : memref<1x1024xf32, #tpu.memory_space<vmem>>, vector<1x1024xf32>
    %add3A_77 = vector.broadcast %get3A_76 : vector<1x1024xf32> to vector<512x1024xf32>
    %add3A_78 = arith.addf %dot_general3A_73, %add3A_77 : vector<512x1024xf32>
    %max3A_79 = arith.constant 0.000000e+00 : f32
    %max3A_80 = vector.broadcast %max3A_79 : f32 to vector<512x1024xf32>
    %max3A_81 = arith.maximumf %add3A_78, %max3A_80 : vector<512x1024xf32>
    %get3A_82 = arith.constant 0 : index
    %get3A_83 = arith.constant 0 : index
    %get3A_84 = vector.load %arg14[%get3A_82, %get3A_83] : memref<1024x512xf32, #tpu.memory_space<vmem>>, vector<1024x512xf32>
    %dot_general3A_85 = arith.constant dense<0.000000e+00> : vector<512x512xf32>
    %dot_general3A_86 = tpu.matmul %max3A_81, %get3A_84, %dot_general3A_85 {dimension_numbers = #tpu.dot_dimension_numbers<[1], [0], [0], [1], [0, 0, 1, 1], [], []>, transpose_lhs_hint = false} : vector<512x1024xf32>, vector<1024x512xf32>, vector<512x512xf32> -> vector<512x512xf32>
    %get3A_87 = arith.constant 0 : index
    %get3A_88 = arith.constant 0 : index
    %get3A_89 = vector.load %arg15[%get3A_87, %get3A_88] : memref<1x512xf32, #tpu.memory_space<vmem>>, vector<1x512xf32>
    %add3A_90 = vector.broadcast %get3A_89 : vector<1x512xf32> to vector<512x512xf32>
    %add3A_91 = arith.addf %dot_general3A_86, %add3A_90 : vector<512x512xf32>
    %max3A_92 = arith.constant 0.000000e+00 : f32
    %max3A_93 = vector.broadcast %max3A_92 : f32 to vector<512x512xf32>
    %max3A_94 = arith.maximumf %add3A_91, %max3A_93 : vector<512x512xf32>
    %get3A_95 = arith.constant 0 : index
    %get3A_96 = arith.constant 0 : index
    %get3A_97 = vector.load %arg16[%get3A_95, %get3A_96] : memref<512x256xf32, #tpu.memory_space<vmem>>, vector<512x256xf32>
    %dot_general3A_98 = arith.constant dense<0.000000e+00> : vector<512x256xf32>
    %dot_general3A_99 = tpu.matmul %max3A_94, %get3A_97, %dot_general3A_98 {dimension_numbers = #tpu.dot_dimension_numbers<[1], [0], [0], [1], [0, 0, 1, 1], [], []>, transpose_lhs_hint = false} : vector<512x512xf32>, vector<512x256xf32>, vector<512x256xf32> -> vector<512x256xf32>
    %get3A_100 = arith.constant 0 : index
    %get3A_101 = arith.constant 0 : index
    %get3A_102 = vector.load %arg17[%get3A_100, %get3A_101] : memref<1x256xf32, #tpu.memory_space<vmem>>, vector<1x256xf32>
    %add3A_103 = vector.broadcast %get3A_102 : vector<1x256xf32> to vector<512x256xf32>
    %add3A_104 = arith.addf %dot_general3A_99, %add3A_103 : vector<512x256xf32>
    %max3A_105 = arith.constant 0.000000e+00 : f32
    %max3A_106 = vector.broadcast %max3A_105 : f32 to vector<512x256xf32>
    %max3A_107 = arith.maximumf %add3A_104, %max3A_106 : vector<512x256xf32>
    %get3A_108 = arith.constant 0 : index
    %get3A_109 = arith.constant 0 : index
    %get3A_110 = vector.load %arg18[%get3A_108, %get3A_109] : memref<256x1xf32, #tpu.memory_space<vmem>>, vector<256x1xf32>
    %dot_general3A_111 = arith.constant dense<0.000000e+00> : vector<512x1xf32>
    %dot_general3A_112 = tpu.matmul %max3A_107, %get3A_110, %dot_general3A_111 {dimension_numbers = #tpu.dot_dimension_numbers<[1], [0], [0], [1], [0, 0, 1, 1], [], []>, transpose_lhs_hint = false} : vector<512x256xf32>, vector<256x1xf32>, vector<512x1xf32> -> vector<512x1xf32>
    %get3A_113 = arith.constant 0 : index
    %get3A_114 = arith.constant 0 : index
    %get3A_115 = vector.load %arg19[%get3A_113, %get3A_114] : memref<1x1xf32, #tpu.memory_space<vmem>>, vector<1x1xf32>
    %add3A_116 = vector.broadcast %get3A_115 : vector<1x1xf32> to vector<512x1xf32>
    %add3A_117 = arith.addf %dot_general3A_112, %add3A_116 : vector<512x1xf32>
    %swap3A = arith.constant 0 : index
    %swap3A_118 = arith.constant 0 : index
    %swap3A_119 = vector.load %arg20[%swap3A, %swap3A_118] : memref<512x1xf32, #tpu.memory_space<vmem>>, vector<512x1xf32>
    tpu.vector_store %arg20[%swap3A, %swap3A_118], %add3A_117 {strides = array<i32>} : memref<512x1xf32, #tpu.memory_space<vmem>>, vector<512x1xf32>,
    return
  }
  func.func @transform_0(%arg0: i32) -> (i32, i32) {
    %c0_i32 = arith.constant 0 : i32
    %c0_i32_0 = arith.constant 0 : i32
    return %arg0, %c0_i32 : i32, i32
  }
  func.func @transform_1(%arg0: i32) -> (i32, i32, i32) {
    %c0_i32 = arith.constant 0 : i32
    %c0_i32_0 = arith.constant 0 : i32
    %c0_i32_1 = arith.constant 0 : i32
    return %arg0, %c0_i32, %c0_i32_0 : i32, i32, i32
  }
  func.func @transform_2(%arg0: i32) -> (i32, i32) {
    %c0_i32 = arith.constant 0 : i32
    %c0_i32_0 = arith.constant 0 : i32
    %c0_i32_1 = arith.constant 0 : i32
    return %c0_i32, %c0_i32_0 : i32, i32
  }
  func.func @transform_3(%arg0: i32) -> (i32, i32) {
    %c0_i32 = arith.constant 0 : i32
    %c0_i32_0 = arith.constant 0 : i32
    %c0_i32_1 = arith.constant 0 : i32
    return %c0_i32, %c0_i32_0 : i32, i32
  }
  func.func @transform_4(%arg0: i32) -> (i32, i32) {
    %c0_i32 = arith.constant 0 : i32
    %c0_i32_0 = arith.constant 0 : i32
    %c0_i32_1 = arith.constant 0 : i32
    return %c0_i32, %c0_i32_0 : i32, i32
  }
  func.func @transform_5(%arg0: i32) -> (i32, i32) {
    %c0_i32 = arith.constant 0 : i32
    %c0_i32_0 = arith.constant 0 : i32
    %c0_i32_1 = arith.constant 0 : i32
    return %c0_i32, %c0_i32_0 : i32, i32
  }
  func.func @transform_6(%arg0: i32) -> (i32, i32) {
    %c0_i32 = arith.constant 0 : i32
    %c0_i32_0 = arith.constant 0 : i32
    %c0_i32_1 = arith.constant 0 : i32
    return %c0_i32, %c0_i32_0 : i32, i32
  }
  func.func @transform_7(%arg0: i32) -> (i32, i32) {
    %c0_i32 = arith.constant 0 : i32
    %c0_i32_0 = arith.constant 0 : i32
    %c0_i32_1 = arith.constant 0 : i32
    return %c0_i32, %c0_i32_0 : i32, i32
  }
  func.func @transform_8(%arg0: i32) -> (i32, i32) {
    %c0_i32 = arith.constant 0 : i32
    %c0_i32_0 = arith.constant 0 : i32
    %c0_i32_1 = arith.constant 0 : i32
    return %c0_i32, %c0_i32_0 : i32, i32
  }
  func.func @transform_9(%arg0: i32) -> (i32, i32) {
    %c0_i32 = arith.constant 0 : i32
    %c0_i32_0 = arith.constant 0 : i32
    %c0_i32_1 = arith.constant 0 : i32
    return %c0_i32, %c0_i32_0 : i32, i32
  }
  func.func @transform_10(%arg0: i32) -> (i32, i32) {
    %c0_i32 = arith.constant 0 : i32
    %c0_i32_0 = arith.constant 0 : i32
    %c0_i32_1 = arith.constant 0 : i32
    return %c0_i32, %c0_i32_0 : i32, i32
  }
  func.func @transform_11(%arg0: i32) -> (i32, i32) {
    %c0_i32 = arith.constant 0 : i32
    %c0_i32_0 = arith.constant 0 : i32
    %c0_i32_1 = arith.constant 0 : i32
    return %c0_i32, %c0_i32_0 : i32, i32
  }
  func.func @transform_12(%arg0: i32) -> (i32, i32) {
    %c0_i32 = arith.constant 0 : i32
    %c0_i32_0 = arith.constant 0 : i32
    %c0_i32_1 = arith.constant 0 : i32
    return %c0_i32, %c0_i32_0 : i32, i32
  }
  func.func @transform_13(%arg0: i32) -> (i32, i32) {
    %c0_i32 = arith.constant 0 : i32
    %c0_i32_0 = arith.constant 0 : i32
    %c0_i32_1 = arith.constant 0 : i32
    return %c0_i32, %c0_i32_0 : i32, i32
  }
  func.func @transform_14(%arg0: i32) -> (i32, i32) {
    %c0_i32 = arith.constant 0 : i32
    %c0_i32_0 = arith.constant 0 : i32
    %c0_i32_1 = arith.constant 0 : i32
    return %c0_i32, %c0_i32_0 : i32, i32
  }
  func.func @transform_15(%arg0: i32) -> (i32, i32) {
    %c0_i32 = arith.constant 0 : i32
    %c0_i32_0 = arith.constant 0 : i32
    %c0_i32_1 = arith.constant 0 : i32
    return %c0_i32, %c0_i32_0 : i32, i32
  }
  func.func @transform_16(%arg0: i32) -> (i32, i32) {
    %c0_i32 = arith.constant 0 : i32
    %c0_i32_0 = arith.constant 0 : i32
    %c0_i32_1 = arith.constant 0 : i32
    return %c0_i32, %c0_i32_0 : i32, i32
  }
  func.func @transform_17(%arg0: i32) -> (i32, i32) {
    %c0_i32 = arith.constant 0 : i32
    %c0_i32_0 = arith.constant 0 : i32
    %c0_i32_1 = arith.constant 0 : i32
    return %c0_i32, %c0_i32_0 : i32, i32
  }
  func.func @transform_18(%arg0: i32) -> (i32, i32) {
    %c0_i32 = arith.constant 0 : i32
    %c0_i32_0 = arith.constant 0 : i32
    %c0_i32_1 = arith.constant 0 : i32
    return %c0_i32, %c0_i32_0 : i32, i32
  }
  func.func @transform_19(%arg0: i32) -> (i32, i32) {
    %c0_i32 = arith.constant 0 : i32
    %c0_i32_0 = arith.constant 0 : i32
    return %arg0, %c0_i32 : i32, i32
  }
}

</mosaic_0001>

<sc_bundles>
// kernel: kernel.10.cloned.1.call-start
scs
__scs_entry_jumppad:
0x0: {  	(pc) =	sbr.rel $0x88, $3  }
0x1: {  	(tag) =	ssettag $0x0;
	lr =	simm.s32 $0x1  }
0x2: {  	[smem:$0x3F8F] =	sst lr;
	_ =	strace $0xD0000000  }
0x3: {  	_ = 	snop  }
0x4: {  	_ = 	snop  }
0x5: {  	_ = 	snop  }
0x6: {  	_ = 	snop  }
0x7: {  	_ = 	snop  }
__scs_overlays_trampoline_lowered:
0x8: {  	[smem:$0x3F9E] =	sst s0  }
0x9: {  	[smem:$0x3F9F] =	sst s1  }
0xa: {  	[smem:$0x3FA0] =	sst s2  }
0xb: {  	[smem:$0x3FA1] =	sst s3  }
0xc: {  	[smem:$0x3FA2] =	sst s4  }
0xd: {  	[smem:$0x3FA3] =	sst s5  }
0xe: {  	[smem:$0x3FA4] =	sst s6  }
0xf: {  	[smem:$0x3FA5] =	sst s7  }
0x10: {  	[smem:$0x3FA6] =	sst s8  }
0x11: {  	[smem:$0x3FA7] =	sst s9;
	s0 =	simm.s32 @!p0 $0x0  }
0x12: {  	s1 =	sld [smem:$0x3F8D];
	s0 =	simm.s32 @p0 $0x1  }
0x13: {  	[smem:$0x3FA8] =	sst s0;
	s0 =	simm.s32 @!p1 $0x0  }
0x14: {  	s2 =	sld [smem:$0x3F8C];
	s0 =	simm.s32 @p1 $0x1  }
0x15: {  	[smem:$0x3FA9] =	sst s0;
	s0 =	simm.s32 @!p2 $0x0  }
0x16: {  	s3 =	sld [smem:$0x3FDB];
	s0 =	simm.s32 @p2 $0x1  }
0x17: {  	s4 =	simm.s32 $0x1BF5;
	[smem:$0x3FAB] =	sst s0  }
0x18: {  	s0 =	sld [smem:$0x3F8E];
	_ =	swait.ge [sflag:s4], $0x0  }
0x19: {  	s7 =	sld [smem:$0x3F8F]  }
0x1a: {  	s8 =	sadd.s32 $0xFFFFE003, lr  }
0x1b: {  	s9 =	sadd.s32 $0xFFFFFEF7, lr;
	s5 =	simm.s32 $0xFFFFFFFF;
	p2 =	slt.u32 s8, $0xFFFFF086  }
0x1c: {  	p1 =	slt.u32 s9, $0xF7A;
	s5 =	simm.s32 @!p2 $0x0  }
0x1d: {  	s5 =	simm.s32 @p1 $0x1;
	p0 =	seq.s32 s7, s2  }
0x1e: {  	s7 =	smul.u32 @!p0 $0xF7A, s2;
	p2 =	seq.s32 @!p0 s5, $0x0  }
0x1f: {  	s9 =	smul.u32 $0xF7A, s1;
	s8 =	simm.s32 @!p0 $0x1BF5;
	p2 =	por !p2, p0  }
0x20: {  	[sflag:s8] =	ssyncset.s32 @!p0 $0xFFFFF086;
	s6 =	sadd.s32 @!p0 s3, s7;
	s7 =	simm.s32 @!p0 $0x108  }
0x21: {  	s3 =	sadd.s32 s3, s9;
	s6 =	sadd.s32 @!p0 $0x88, s6;
	s7 =	simm.s32 @p2 $0x1082  }
0x22: {  	[simem:s7], [sflag:s8] =	dma.local @!p0 [hbm:s6], $0xF7A  }
0x23: {  	s9 =	sor.u32 $0xD0000000, s2;
	s6 =	simm.s32 $0x108;
	_ =	swait.ge @!p0 [sflag:s8], $0x0  }
0x24: {  	s3 =	sadd.s32 $0x88, s3;
	s6 =	simm.s32 @!p1 $0x1082;
	[sflag:s4] =	ssyncset.s32 $0xFFFFF086  }
0x25: {  	[simem:s6], [sflag:s4] =	dma.local [hbm:s3], $0xF7A  }
0x26: {  	[smem:$0x3F8F] =	sst s1;
	(tag) =	ssettag s2;
	_ =	strace s9  }
0x27: {  	s1 =	sld [smem:$0x3F9F]  }
0x28: {  	s2 =	sld [smem:$0x3FA0]  }
0x29: {  	s4 =	sld [smem:$0x3FA2]  }
0x2a: {  	p0 =	seq.s32 s5, $0x0;
	s5 =	sld [smem:$0x3FA3]  }
0x2b: {  	s6 =	sld [smem:$0x3FA4]  }
0x2c: {  	s7 =	sld [smem:$0x3FA5]  }
0x2d: {  	s3 =	simm.s32 $0x108;
	s8 =	sld [smem:$0x3FA6]  }
0x2e: {  	s3 =	simm.s32 @!p0 $0x1082;
	s9 =	sld [smem:$0x3FA7]  }
0x2f: {  	lr =	sadd.s32 s0, s3;
	s0 =	sld [smem:$0x3F9E]  }
0x30: {  	s3 =	sld [smem:$0x3FA1]  }
0x31: {  	[smem:$0x3FAA] =	sst s10  }
0x32: {  	s10 =	sld [smem:$0x3FA8];
	_ =	sdelay $0x3  }
0x33: {  	p0 =	seq.s32 s10, $0x1;
	s10 =	sld [smem:$0x3FAA];
	_ =	sdelay $0x3  }
0x34: {  	[smem:$0x3FAA] =	sst s10  }
0x35: {  	s10 =	sld [smem:$0x3FA9];
	_ =	sdelay $0x3  }
0x36: {  	p1 =	seq.s32 s10, $0x1;
	s10 =	sld [smem:$0x3FAA];
	_ =	sdelay $0x3  }
0x37: {  	[smem:$0x3FAA] =	sst s10  }
0x38: {  	s10 =	sld [smem:$0x3FAB]  }
0x39: {  	_ = 	snop;
	(pc) =	sbr.ind lr, $3  }
0x3a: {  	_ = 	snop  }
0x3b: {  	_ = 	snop  }
0x3c: {  	p2 =	seq.s32 s10, $0x1;
	s10 =	sld [smem:$0x3FAA]  }
0x3d: {  	_ =	shalt  }
0x3e: {  	_ =	shalt  }
0x3f: {  	_ =	shalt  }
0x40: {  	_ =	shalt  }
0x41: {  	_ =	shalt  }
0x42: {  	_ =	shalt  }
0x43: {  	_ =	shalt  }
0x44: {  	_ =	shalt  }
0x45: {  	_ =	shalt  }
0x46: {  	_ =	shalt  }
0x47: {  	_ =	shalt  }
0x48: {  	_ =	shalt  }
0x49: {  	_ =	shalt  }
0x4a: {  	_ =	shalt  }
0x4b: {  	_ =	shalt  }
0x4c: {  	_ =	shalt  }
0x4d: {  	_ =	shalt  }
0x4e: {  	_ =	shalt  }
0x4f: {  	_ =	shalt  }
0x50: {  	_ =	shalt  }
0x51: {  	_ =	shalt  }
0x52: {  	_ =	shalt  }
0x53: {  	_ =	shalt  }
0x54: {  	_ =	shalt  }
0x55: {  	_ =	shalt  }
0x56: {  	_ =	shalt  }
0x57: {  	_ =	shalt  }
0x58: {  	_ =	shalt  }
0x59: {  	_ =	shalt  }
0x5a: {  	_ =	shalt  }
0x5b: {  	_ =	shalt  }
0x5c: {  	_ =	shalt  }
0x5d: {  	_ =	shalt  }
0x5e: {  	_ =	shalt  }
0x5f: {  	_ =	shalt  }
0x60: {  	_ =	shalt  }
0x61: {  	_ =	shalt  }
0x62: {  	_ =	shalt  }
0x63: {  	_ =	shalt  }
0x64: {  	_ =	shalt  }
0x65: {  	_ =	shalt  }
0x66: {  	_ =	shalt  }
0x67: {  	_ =	shalt  }
0x68: {  	_ =	shalt  }
0x69: {  	_ =	shalt  }
0x6a: {  	_ =	shalt  }
0x6b: {  	_ =	shalt  }
0x6c: {  	_ =	shalt  }
0x6d: {  	_ =	shalt  }
0x6e: {  	_ =	shalt  }
0x6f: {  	_ =	shalt  }
0x70: {  	_ =	shalt  }
0x71: {  	_ =	shalt  }
0x72: {  	_ =	shalt  }
0x73: {  	_ =	shalt  }
0x74: {  	_ =	shalt  }
0x75: {  	_ =	shalt  }
0x76: {  	_ =	shalt  }
0x77: {  	_ =	shalt  }
0x78: {  	_ =	shalt  }
0x79: {  	_ =	shalt  }
0x7a: {  	_ =	shalt  }
0x7b: {  	_ =	shalt  }
0x7c: {  	_ =	shalt  }
0x7d: {  	_ =	shalt  }
0x7e: {  	_ =	shalt  }
0x7f: {  	_ =	shalt  }
0x80: {  	_ =	shalt  }
0x81: {  	_ =	shalt  }
0x82: {  	_ =	shalt  }
0x83: {  	_ =	shalt  }
0x84: {  	_ =	shalt  }
0x85: {  	_ =	shalt  }
0x86: {  	_ =	shalt  }
0x87: {  	_ =	shalt  }
.Lfunc_end0:
.L_simem_size_0:
called_computation_lowered:
.L_overlay_start_0:
0x88: {  	s2 =	sld [smem:$0x3FD9]  }
0x89: {  	s3 =	sld [smem:$0x3FFE];
	_ =	sdelay $0x1  }
0x8a: {  	s1 =	srdreg.scid  }
0x8b: {  	s0 =	sand.u32 $0x1, s1  }
0x8c: {  	s17 =	sshll.u32 s0, $0xA;
	s2 =	sadd.s32 s3, s2  }
0x8d: {  	s2 =	sadd.s32 s2, s17  }
0x8e: {  	[smem:$0x3FB6] =	sst s2  }
0x8f: {  	_ = 	snop  }
0x90: {  	s2 =	sld [smem:$0x3FC8];
	(tm) =	ssettm $0x1  }
0x91: {  	s18 =	sld [smem:$0x3FFB];
	_ =	sdelay $0x3  }
0x92: {  	_ =	strace s18  }
0x93: {  	s3 =	sld [smem:$0x3FFC];
	_ =	sdelay $0x3  }
0x94: {  	_ =	strace s3  }
0x95: {  	s3 =	sld [smem:$0x3FFD];
	_ =	sdelay $0x3  }
0x96: {  	_ =	strace s3  }
0x97: {  	_ =	strace $0x8FFFFFFF  }
0x98: {  	s19 =	sld [smem:$0x3FDB];
	_ =	sdelay $0x1  }
0x99: {  	s4 =	simm.s32 $_scs_section_size  }
0x9a: {  	s5 =	simm.s32 $_size__tile_overlayer_lowered;
	s6 =	simm.s32 $_tile_overlayer_lowered  }
0x9b: {  	s22 =	simm.s32 $0x1BFF;
	s21 =	sshll.u32 s6, $0x1;
	s3 =	sadd.s32 s4, s19  }
0x9c: {  	s7 =	simm.s32 $0x0;
	s20 =	sshll.u32 s5, $0x1;
	s5 =	sadd.s32 s21, s3  }
0x9d: {  	[timem:s7], [sflag:s22] =	dma.local [hbm:s5], s20  }
0x9e: {  	_ =	swait.ge [sflag:s22], s20  }
0x9f: {  	s4 =	ssub.s32 $0x0, s20;
	[sflag:s22] =	ssyncset.done $0x0  }
0xa0: {  	[sflag:s22] =	ssyncadd.s32 s4;
	_ =	sdelay $0x1  }
0xa1: {  	s23 =	simm.s32 $0x1B8B  }
0xa2: {  	_ =	swait.ge [sflag:s23], $0x1  }
0xa3: {  	[sflag:s23] =	ssyncset.done $0x0  }
0xa4: {  	s25 =	simm.s32 $0x1B8E;
	s24 =	sld [smem:$0x3FFE];
	[sflag:s23] =	ssyncadd.s32 $0xFFFFFFFF  }
0xa5: {  	s26 =	simm.s32 $execute0_lowered;
	[smem:$0x3FD2] =	sst s25  }
0xa6: {  	s5 =	sshll.u32 s26, $0x1;
	_ =	strace $0x80000046;
	[dreg:$0x1] =	wrdreg $0xFFFFFFFF  }
0xa7: {  	s28 =	simm.s32 $_size_execute0_lowered;
	s3 =	sadd.s32 s3, s5;
	[dreg:$0x0] =	wrdreg $0x0  }
0xa8: {  	s5 =	sshll.u32 s28, $0x1;
	[dreg:$0x2] =	wrdreg s3  }
0xa9: {  	[dreg:$0x3] =	wrdreg s5  }
0xaa: {  	[dreg:$0x4] =	wrdreg $0xC0  }
0xab: {  	_ =	task [dreg:s7], $0x5FFFF  }
0xac: {  	[dreg:$0x1] =	wrdreg $0xFFFFFFFF  }
0xad: {  	[dreg:$0x0] =	wrdreg $0x60  }
0xae: {  	[dreg:$0x2] =	wrdreg s2  }
0xaf: {  	[dreg:$0x3] =	wrdreg s24  }
0xb0: {  	[dreg:$0x4] =	wrdreg $0x9  }
0xb1: {  	_ =	task.clear_ibuf [dreg:s7], $0x5FFFF;
	_ =	strace $0x90000046  }
0xb2: {  	s29 =	simm.s32 $0x9;
	_ =	strace $0x80000048  }
0xb3: {  	_ =	swait.ge [sflag:s29], $0x1  }
0xb4: {  	[sflag:s29] =	ssyncadd.s32 $0xFFFFFFFF  }
0xb5: {  	_ =	strace $0x90000048  }
0xb6: {  	_ =	sfence  }
0xb7: {  	s30 =	sld [smem:$0x0];
	_ =	sdelay $0x2  }
0xb8: {  	s31 =	sshll.u32 s1, $0xD;
	s1 =	sshrl.u32 s1, $0x2  }
0xb9: {  	s3 =	sand.u32 $0x4000, s31;
	s1 =	sadd.s32 s1, s30  }
0xba: {  	s0 =	sor.u32 s3, s0;
	s1 =	sshll.u32 s1, $0x11  }
0xbb: {  	s0 =	sor.u32 s1, s0  }
0xbc: {  	s0 =	sadd.s32 $0x8F2B, s0  }
0xbd: {  	[sflag:s0] =	ssyncadd.remote.s32 $0x1  }
0xbe: {  	_ =	sfence.sel $0xFFFF  }
0xbf: {  	[dreg:$0x0] =	wrdreg $0xFFFFFFFF;
	(pc) =	sbr.abs _section_cstart, $3  }
0xc0: {  	[dreg:$0x1] =	wrdreg $0xFFFFFFFF  }
0xc1: {  	_ =	task.clear_ibuf [dreg:s7], $0x2FFFF;
	_ =	strace $0x9FFFFFFF  }
0xc2: {  	(tm) =	ssettm $0x7FFFFFFF  }
0xc3: {  	_ =	shalt  }
tec
execute0_lowered:
.L_overlay_start_1:
0x0: {  	(tag) =	ssettag $0x1  }
0x1: {  	s1 =	rddreg [dreg:$0x0]  }
0x2: {  	s4 =	rddreg [dreg:$0x1]  }
0x3: {  	s0 =	rddreg [dreg:$0x2]  }
0x4: {  	s5 =	srdreg.scid;
	s3 =	simm.s32 $0x0;
	s2 =	stileid.u32  }
0x5: {  	s11 =	simm.s32 $0x1000;
	s12 =	simm.s32 $0x5000;
	s13 =	simm.s32 $0x100  }
0x6: {  	s14 =	simm.s32 $0x9000;
	s15 =	simm.s32 $0xD000;
	s16 =	simm.s32 $0x1  }
0x7: {  	s17 =	simm.s32 $0x2;
	s18 =	simm.s32 $0x3;
	s19 =	simm.s32 $0x4  }
0x8: {  	s20 =	simm.s32 $0x0;
	s5 =	sand.u32 $0x1, s5;
	[smem:$0x7FF] =	sst s3  }
0x9: {  	s6 =	sshll.u32 s2, $0xA;
	s25 =	sadd.s32 $0x13800, s4;
	s9 =	sshll.u32 s2, $0x11  }
0xa: {  	s7 =	sshll.u32 s5, $0x9;
	_ =	strace $0x80000047;
	s26 =	ssub.s32 $0x2, s5  }
0xb: {  	s10 =	sshll.u32 s5, $0x10;
	s30 =	sadd.s32 s9, s25;
	s6 =	sor.u32 s7, s6  }
0xc: {  	s8 =	sshrl.u32 s26, $0x1;
	s29 =	sor.u32 s10, s9;
	s9 =	simm.s32 $0x5  }
0xd: {  	s6 =	sadd.s32 s6, s4;
	s28 =	ssub.s32 s26, s8;
	s31 =	sadd.s32 s29, s25  }
0xe: {  	s4 =	sadd.s32 $0xF800, s6;
	s5 =	smax.u32 s28, $0x1;
	s6 =	sadd.s32 s10, s30  }
0xf: {  	s7 =	sadd.s32 $0x1000, s31;
	s8 =	sadd.s32 $0x1800, s31;
	s10 =	simm.s32 $0x80  }
.LBB2_1:
0x10: {  	[tilespmem:s3], [sflag:$0x5] =	stream.linear.gather [hbm4b:s4+s3], $0x1000, $0x38;
	[tilespmem:$0x11000] =	vst v63  }
0x11: {  	_ =	swait.ge [sflag:s9], $0x1000  }
0x12: {  	[sflag:s9] =	ssyncset.done $0x0  }
0x13: {  	[sflag:s9] =	ssyncadd.s32 $0xFFFFF000  }
0x14: {  	[tilespmem:s11], [sflag:$0x1] =	stream.indirect.gather [hbm4b:s1+s10], $0x80, s3, s10, $0xb8;
	[tilespmem:$0x11000] =	vst v63  }
0x15: {  	_ = 	snop  }
0x16: {  	[tilespmem:s12], [sflag:$0x2] =	stream.indirect.gather [hbm4b:s1+s10], $0x80, s10, s10, $0xb8;
	[tilespmem:$0x11000] =	vst v63  }
0x17: {  	_ = 	snop  }
0x18: {  	[tilespmem:s14], [sflag:$0x3] =	stream.indirect.gather [hbm4b:s1+s10], $0x80, s13, s10, $0xb8;
	[tilespmem:$0x11000] =	vst v63  }
0x19: {  	s21 =	simm.s32 $0x180  }
0x1a: {  	[tilespmem:s15], [sflag:$0x4] =	stream.indirect.gather [hbm4b:s1+s10], $0x80, s21, s10, $0xb8;
	[tilespmem:$0x11000] =	vst v63  }
0x1b: {  	_ =	swait.ge [sflag:s16], $0x4000  }
0x1c: {  	[sflag:s16] =	ssyncset.done $0x0  }
0x1d: {  	[sflag:s16] =	ssyncadd.s32 $0xFFFFC000  }
0x1e: {  	[hbm4b:s6+s3] =	stream.linear.scatter [tilespmem:s11], [sflag:$0x5], $0x4000, $0x38;
	[tilespmem:$0x11000] =	vst v63  }
0x1f: {  	p0 =	por $0x0, $0x0;
	_ =	swait.ge [sflag:s9], $0x4000  }
0x20: {  	s22 =	simm.s32 @!p0 $0x200;
	[sflag:s9] =	ssyncset.done $0x0  }
0x21: {  	s23 =	simm.s32 @!p0 $0x80;
	s21 =	simm.s32 @!p0 $0x1000;
	[sflag:s9] =	ssyncadd.s32 $0xFFFFC000  }
0x22: {  	[tilespmem:s21], [sflag:$0x1] =	stream.indirect.gather @!p0 [hbm4b:s1+s23], $0x80, s22, s23, $0xb8;
	[tilespmem:$0x11000] =	vst v63  }
0x23: {  	_ =	swait.ge [sflag:s17], $0x4000  }
0x24: {  	[sflag:s17] =	ssyncset.done $0x0  }
0x25: {  	s31 =	sadd.s32 $0xFFFFF000, s8;
	[sflag:s17] =	ssyncadd.s32 $0xFFFFC000  }
0x26: {  	[hbm4b:s31+s3] =	stream.linear.scatter [tilespmem:s12], [sflag:$0x5], $0x4000, $0x38;
	[tilespmem:$0x11000] =	vst v63  }
0x27: {  	_ =	swait.ge [sflag:s9], $0x4000  }
0x28: {  	[sflag:s9] =	ssyncset.done $0x0  }
0x29: {  	s21 =	simm.s32 @!p0 $0x280;
	s22 =	simm.s32 @!p0 $0x5000;
	[sflag:s9] =	ssyncadd.s32 $0xFFFFC000  }
0x2a: {  	[tilespmem:s22], [sflag:$0x2] =	stream.indirect.gather @!p0 [hbm4b:s1+s23], $0x80, s21, s23, $0xb8;
	[tilespmem:$0x11000] =	vst v63  }
0x2b: {  	_ =	swait.ge [sflag:s18], $0x4000  }
0x2c: {  	[sflag:s18] =	ssyncset.done $0x0  }
0x2d: {  	[sflag:s18] =	ssyncadd.s32 $0xFFFFC000  }
0x2e: {  	[hbm4b:s7+s3] =	stream.linear.scatter [tilespmem:s14], [sflag:$0x5], $0x4000, $0x38;
	[tilespmem:$0x11000] =	vst v63  }
0x2f: {  	_ =	swait.ge [sflag:s9], $0x4000  }
0x30: {  	[sflag:s9] =	ssyncset.done $0x0  }
0x31: {  	s21 =	simm.s32 @!p0 $0x300;
	s22 =	simm.s32 @!p0 $0x9000;
	[sflag:s9] =	ssyncadd.s32 $0xFFFFC000  }
0x32: {  	[tilespmem:s22], [sflag:$0x3] =	stream.indirect.gather @!p0 [hbm4b:s1+s23], $0x80, s21, s23, $0xb8;
	[tilespmem:$0x11000] =	vst v63  }
0x33: {  	_ =	swait.ge [sflag:s19], $0x4000  }
0x34: {  	[sflag:s19] =	ssyncset.done $0x0  }
0x35: {  	s25 =	simm.s32 $0x800;
	s26 =	simm.s32 $0x200;
	[sflag:s19] =	ssyncadd.s32 $0xFFFFC000  }
0x36: {  	[hbm4b:s8+s3] =	stream.linear.scatter [tilespmem:s15], [sflag:$0x5], $0x4000, $0x38;
	[tilespmem:$0x11000] =	vst v63  }
0x37: {  	s24 =	sadd.s32 $0x2000, s6;
	s23 =	simm.s32 $0x1000;
	_ =	swait.ge [sflag:s9], $0x4000  }
0x38: {  	s22 =	sadd.s32 $0x2000, s7;
	s21 =	sadd.s32 $0x2000, s8;
	[sflag:s9] =	ssyncset.done $0x0  }
.LBB2_2:
0x39: {  	s26 =	sadd.s32 $0x180, s26  }
0x3a: {  	[sflag:s9] =	ssyncadd.s32 $0xFFFFC000;
	s28 =	smov.u32 s23;
	s23 =	sadd.s32 $0x800, s23  }
0x3b: {  	[tilespmem:s15], [sflag:$0x4] =	stream.indirect.gather [hbm4b:s1+s10], $0x80, s26, s10, $0xb8;
	[tilespmem:$0x11000] =	vst v63  }
0x3c: {  	p0 =	sne.s32 s23, $0x4000;
	_ =	swait.ge [sflag:s16], $0x4000  }
0x3d: {  	[sflag:s16] =	ssyncset.done $0x0  }
0x3e: {  	[sflag:s16] =	ssyncadd.s32 $0xFFFFC000  }
0x3f: {  	[hbm4b:s24+s3] =	stream.linear.scatter [tilespmem:s11], [sflag:$0x5], $0x4000, $0x38;
	[tilespmem:$0x11000] =	vst v63  }
0x40: {  	p1 =	seq.s32 s25, $0x3800;
	_ =	swait.ge [sflag:s9], $0x4000  }
0x41: {  	s25 =	sshra.s32 @!p1 s25, $0x2;
	s26 =	simm.s32 @!p1 $0x1000;
	[sflag:s9] =	ssyncset.done $0x0  }
0x42: {  	s30 =	simm.s32 @!p1 $0x80;
	s29 =	sadd.s32 @!p1 $0x200, s25;
	[sflag:s9] =	ssyncadd.s32 $0xFFFFC000  }
0x43: {  	[tilespmem:s26], [sflag:$0x1] =	stream.indirect.gather @!p1 [hbm4b:s1+s30], $0x80, s29, s30, $0xb8;
	[tilespmem:$0x11000] =	vst v63  }
0x44: {  	s26 =	sadd.s32 @!p1 $0x280, s25;
	s29 =	sadd.s32 @!p1 $0x300, s25;
	_ =	swait.ge [sflag:s17], $0x4000  }
0x45: {  	s25 =	smov.u32 s28;
	[sflag:s17] =	ssyncset.done $0x0  }
0x46: {  	s28 =	sadd.s32 $0xFFFFF000, s21;
	[sflag:s17] =	ssyncadd.s32 $0xFFFFC000  }
0x47: {  	[hbm4b:s28+s3] =	stream.linear.scatter [tilespmem:s12], [sflag:$0x5], $0x4000, $0x38;
	[tilespmem:$0x11000] =	vst v63  }
0x48: {  	_ =	swait.ge [sflag:s9], $0x4000  }
0x49: {  	[sflag:s9] =	ssyncset.done $0x0  }
0x4a: {  	s28 =	simm.s32 @!p1 $0x5000;
	[sflag:s9] =	ssyncadd.s32 $0xFFFFC000  }
0x4b: {  	[tilespmem:s28], [sflag:$0x2] =	stream.indirect.gather @!p1 [hbm4b:s1+s30], $0x80, s26, s30, $0xb8;
	[tilespmem:$0x11000] =	vst v63  }
0x4c: {  	_ =	swait.ge [sflag:s18], $0x4000  }
0x4d: {  	[sflag:s18] =	ssyncset.done $0x0  }
0x4e: {  	[sflag:s18] =	ssyncadd.s32 $0xFFFFC000  }
0x4f: {  	[hbm4b:s22+s3] =	stream.linear.scatter [tilespmem:s14], [sflag:$0x5], $0x4000, $0x38;
	[tilespmem:$0x11000] =	vst v63  }
0x50: {  	_ =	swait.ge [sflag:s9], $0x4000  }
0x51: {  	[sflag:s9] =	ssyncset.done $0x0  }
0x52: {  	s26 =	simm.s32 @!p1 $0x9000;
	[sflag:s9] =	ssyncadd.s32 $0xFFFFC000  }
0x53: {  	[tilespmem:s26], [sflag:$0x3] =	stream.indirect.gather @!p1 [hbm4b:s1+s30], $0x80, s29, s30, $0xb8;
	[tilespmem:$0x11000] =	vst v63  }
0x54: {  	_ =	swait.ge [sflag:s19], $0x4000  }
.Ltmp0:
0x55: {  	[sflag:s19] =	ssyncset.done $0x0;
	(pc) =	sbr.rel @p0 .LBB2_2-.Ltmp0, $4  }
0x56: {  	[sflag:s19] =	ssyncadd.s32 $0xFFFFC000  }
0x57: {  	[hbm4b:s21+s3] =	stream.linear.scatter [tilespmem:s15], [sflag:$0x5], $0x4000, $0x38;
	[tilespmem:$0x11000] =	vst v63  }
0x58: {  	s22 =	sadd.s32 $0x2000, s22;
	s21 =	sadd.s32 $0x2000, s21;
	_ =	swait.ge [sflag:s9], $0x4000  }
0x59: {  	s24 =	sadd.s32 $0x2000, s24;
	s26 =	sshra.s32 s25, $0x2;
	[sflag:s9] =	ssyncset.done $0x0  }
0x5a: {  	s23 =	sadd.s32 $0x180, s26;
	[sflag:s9] =	ssyncadd.s32 $0xFFFFC000  }
0x5b: {  	[tilespmem:s15], [sflag:$0x4] =	stream.indirect.gather [hbm4b:s1+s10], $0x80, s23, s10, $0xb8;
	[tilespmem:$0x11000] =	vst v63  }
0x5c: {  	_ =	swait.ge [sflag:s16], $0x4000  }
0x5d: {  	[sflag:s16] =	ssyncset.done $0x0  }
0x5e: {  	[sflag:s16] =	ssyncadd.s32 $0xFFFFC000  }
0x5f: {  	[hbm4b:s24+s3] =	stream.linear.scatter [tilespmem:s11], [sflag:$0x5], $0x4000, $0x38;
	[tilespmem:$0x11000] =	vst v63  }
0x60: {  	p0 =	seq.s32 s25, $0x3800;
	_ =	swait.ge [sflag:s9], $0x4000  }
0x61: {  	s23 =	sshra.s32 @!p0 s25, $0x2;
	s26 =	simm.s32 @!p0 $0x80;
	[sflag:s9] =	ssyncset.done $0x0  }
0x62: {  	s25 =	sadd.s32 @!p0 $0x200, s23;
	s24 =	simm.s32 @!p0 $0x1000;
	[sflag:s9] =	ssyncadd.s32 $0xFFFFC000  }
0x63: {  	[tilespmem:s24], [sflag:$0x1] =	stream.indirect.gather @!p0 [hbm4b:s1+s26], $0x80, s25, s26, $0xb8;
	[tilespmem:$0x11000] =	vst v63  }
0x64: {  	_ =	swait.ge [sflag:s17], $0x4000  }
0x65: {  	[sflag:s17] =	ssyncset.done $0x0  }
0x66: {  	s31 =	sadd.s32 $0xFFFFF000, s21;
	[sflag:s17] =	ssyncadd.s32 $0xFFFFC000  }
0x67: {  	[hbm4b:s31+s3] =	stream.linear.scatter [tilespmem:s12], [sflag:$0x5], $0x4000, $0x38;
	[tilespmem:$0x11000] =	vst v63  }
0x68: {  	_ =	swait.ge [sflag:s9], $0x4000  }
0x69: {  	[sflag:s9] =	ssyncset.done $0x0  }
0x6a: {  	s24 =	sadd.s32 @!p0 $0x280, s23;
	s25 =	simm.s32 @!p0 $0x5000;
	[sflag:s9] =	ssyncadd.s32 $0xFFFFC000  }
0x6b: {  	[tilespmem:s25], [sflag:$0x2] =	stream.indirect.gather @!p0 [hbm4b:s1+s26], $0x80, s24, s26, $0xb8;
	[tilespmem:$0x11000] =	vst v63  }
0x6c: {  	_ =	swait.ge [sflag:s18], $0x4000  }
0x6d: {  	[sflag:s18] =	ssyncset.done $0x0  }
0x6e: {  	[sflag:s18] =	ssyncadd.s32 $0xFFFFC000  }
0x6f: {  	[hbm4b:s22+s3] =	stream.linear.scatter [tilespmem:s14], [sflag:$0x5], $0x4000, $0x38;
	[tilespmem:$0x11000] =	vst v63  }
0x70: {  	_ =	swait.ge [sflag:s9], $0x4000  }
0x71: {  	[sflag:s9] =	ssyncset.done $0x0  }
0x72: {  	s22 =	sadd.s32 @!p0 $0x300, s23;
	s23 =	simm.s32 @!p0 $0x9000;
	[sflag:s9] =	ssyncadd.s32 $0xFFFFC000  }
0x73: {  	[tilespmem:s23], [sflag:$0x3] =	stream.indirect.gather @!p0 [hbm4b:s1+s26], $0x80, s22, s26, $0xb8;
	[tilespmem:$0x11000] =	vst v63  }
0x74: {  	s20 =	sadd.s32 $0x1, s20;
	_ =	swait.ge [sflag:s19], $0x4000  }
0x75: {  	p0 =	sne.s32 s20, s5;
	[sflag:s19] =	ssyncset.done $0x0  }
.Ltmp1:
0x76: {  	[sflag:s19] =	ssyncadd.s32 $0xFFFFC000;
	(pc) =	sbr.rel @p0 .LBB2_1-.Ltmp1, $4  }
0x77: {  	[hbm4b:s21+s3] =	stream.linear.scatter [tilespmem:s15], [sflag:$0x5], $0x4000, $0x38;
	[tilespmem:$0x11000] =	vst v63  }
0x78: {  	_ =	swait.ge [sflag:s9], $0x4000  }
0x79: {  	[sflag:s9] =	ssyncset.done $0x0  }
0x7a: {  	[sflag:s9] =	ssyncadd.s32 $0xFFFFC000  }
0x7b: {  	_ =	sfence.sel $0x180000  }
0x7c: {  	[bflag:$0x0] =	sbarrier.arrive $0xFFFF  }
0x7d: {  	p0 =	sne.s32 s2, $0x0;
	_ =	strace $0x90000047  }
0x7e: {  	s0 =	sadd.s32 @!p0 $0x100000, s0;
	[bflag:$0x2] =	sbarrier.arrive $0xFFFF  }
0x7f: {  	[sflag:s0] =	ssyncadd.tile.s32 @!p0 $0x1;
	_ =	shalt  }
.Lfunc_end2:
_tile_overlayer_lowered:
.L_overlay_start_2:
0x80: {  	(tag) =	ssettag $0x2  }
0x81: {  	s0 =	rddreg [dreg:$0x0];
	s2 =	stileid.u32  }
0x82: {  	s1 =	rddreg [dreg:$0x1];
	p0 =	sne.s32 s2, $0x0  }
0x83: {  	s3 =	rddreg [dreg:$0x2];
	[bflag:$0x3] =	sbarrier.arrive $0xFFFF;
	s2 =	simm.s32 @!p0 $0x1C05  }
0x84: {  	[timem:s3], [sflag:s2] =	dma.local @!p0 [hbm:s0], s1  }
0x85: {  	s0 =	simm.s32 @!p0 $0x5  }
0x86: {  	_ =	swait.ge @!p0 [sflag:s0], s1  }
0x87: {  	s1 =	ssub.s32 @!p0 $0x0, s1;
	[sflag:s0] =	ssyncset.done @!p0 $0x0  }
0x88: {  	[sflag:s0] =	ssyncadd.s32 @!p0 s1  }
0x89: {  	[bflag:$0x3] =	sbarrier.arrive $0xFFFF  }
0x8a: {  	_ =	shalt  }

// kernel: kernel.13.cloned.1.call-start
scs
__scs_entry_jumppad:
0x0: {  	(pc) =	sbr.rel $0x88, $3  }
0x1: {  	(tag) =	ssettag $0x0;
	lr =	simm.s32 $0x1  }
0x2: {  	[smem:$0x3F8F] =	sst lr;
	_ =	strace $0xD0000000  }
0x3: {  	_ = 	snop  }
0x4: {  	_ = 	snop  }
0x5: {  	_ = 	snop  }
0x6: {  	_ = 	snop  }
0x7: {  	_ = 	snop  }
__scs_overlays_trampoline_lowered:
0x8: {  	[smem:$0x3F9E] =	sst s0  }
0x9: {  	[smem:$0x3F9F] =	sst s1  }
0xa: {  	[smem:$0x3FA0] =	sst s2  }
0xb: {  	[smem:$0x3FA1] =	sst s3  }
0xc: {  	[smem:$0x3FA2] =	sst s4  }
0xd: {  	[smem:$0x3FA3] =	sst s5  }
0xe: {  	[smem:$0x3FA4] =	sst s6  }
0xf: {  	[smem:$0x3FA5] =	sst s7  }
0x10: {  	[smem:$0x3FA6] =	sst s8  }
0x11: {  	[smem:$0x3FA7] =	sst s9;
	s0 =	simm.s32 @!p0 $0x0  }
0x12: {  	s1 =	sld [smem:$0x3F8D];
	s0 =	simm.s32 @p0 $0x1  }
0x13: {  	[smem:$0x3FA8] =	sst s0;
	s0 =	simm.s32 @!p1 $0x0  }
0x14: {  	s2 =	sld [smem:$0x3F8C];
	s0 =	simm.s32 @p1 $0x1  }
0x15: {  	[smem:$0x3FA9] =	sst s0;
	s0 =	simm.s32 @!p2 $0x0  }
0x16: {  	s3 =	sld [smem:$0x3FDB];
	s0 =	simm.s32 @p2 $0x1  }
0x17: {  	s4 =	simm.s32 $0x1BF5;
	[smem:$0x3FAB] =	sst s0  }
0x18: {  	s0 =	sld [smem:$0x3F8E];
	_ =	swait.ge [sflag:s4], $0x0  }
0x19: {  	s7 =	sld [smem:$0x3F8F]  }
0x1a: {  	s8 =	sadd.s32 $0xFFFFE003, lr  }
0x1b: {  	s9 =	sadd.s32 $0xFFFFFEF7, lr;
	s5 =	simm.s32 $0xFFFFFFFF;
	p2 =	slt.u32 s8, $0xFFFFF086  }
0x1c: {  	p1 =	slt.u32 s9, $0xF7A;
	s5 =	simm.s32 @!p2 $0x0  }
0x1d: {  	s5 =	simm.s32 @p1 $0x1;
	p0 =	seq.s32 s7, s2  }
0x1e: {  	s7 =	smul.u32 @!p0 $0xF7A, s2;
	p2 =	seq.s32 @!p0 s5, $0x0  }
0x1f: {  	s9 =	smul.u32 $0xF7A, s1;
	s8 =	simm.s32 @!p0 $0x1BF5;
	p2 =	por !p2, p0  }
0x20: {  	[sflag:s8] =	ssyncset.s32 @!p0 $0xFFFFF086;
	s6 =	sadd.s32 @!p0 s3, s7;
	s7 =	simm.s32 @!p0 $0x108  }
0x21: {  	s3 =	sadd.s32 s3, s9;
	s6 =	sadd.s32 @!p0 $0x88, s6;
	s7 =	simm.s32 @p2 $0x1082  }
0x22: {  	[simem:s7], [sflag:s8] =	dma.local @!p0 [hbm:s6], $0xF7A  }
0x23: {  	s9 =	sor.u32 $0xD0000000, s2;
	s6 =	simm.s32 $0x108;
	_ =	swait.ge @!p0 [sflag:s8], $0x0  }
0x24: {  	s3 =	sadd.s32 $0x88, s3;
	s6 =	simm.s32 @!p1 $0x1082;
	[sflag:s4] =	ssyncset.s32 $0xFFFFF086  }
0x25: {  	[simem:s6], [sflag:s4] =	dma.local [hbm:s3], $0xF7A  }
0x26: {  	[smem:$0x3F8F] =	sst s1;
	(tag) =	ssettag s2;
	_ =	strace s9  }
0x27: {  	s1 =	sld [smem:$0x3F9F]  }
0x28: {  	s2 =	sld [smem:$0x3FA0]  }
0x29: {  	s4 =	sld [smem:$0x3FA2]  }
0x2a: {  	p0 =	seq.s32 s5, $0x0;
	s5 =	sld [smem:$0x3FA3]  }
0x2b: {  	s6 =	sld [smem:$0x3FA4]  }
0x2c: {  	s7 =	sld [smem:$0x3FA5]  }
0x2d: {  	s3 =	simm.s32 $0x108;
	s8 =	sld [smem:$0x3FA6]  }
0x2e: {  	s3 =	simm.s32 @!p0 $0x1082;
	s9 =	sld [smem:$0x3FA7]  }
0x2f: {  	lr =	sadd.s32 s0, s3;
	s0 =	sld [smem:$0x3F9E]  }
0x30: {  	s3 =	sld [smem:$0x3FA1]  }
0x31: {  	[smem:$0x3FAA] =	sst s10  }
0x32: {  	s10 =	sld [smem:$0x3FA8];
	_ =	sdelay $0x3  }
0x33: {  	p0 =	seq.s32 s10, $0x1;
	s10 =	sld [smem:$0x3FAA];
	_ =	sdelay $0x3  }
0x34: {  	[smem:$0x3FAA] =	sst s10  }
0x35: {  	s10 =	sld [smem:$0x3FA9];
	_ =	sdelay $0x3  }
0x36: {  	p1 =	seq.s32 s10, $0x1;
	s10 =	sld [smem:$0x3FAA];
	_ =	sdelay $0x3  }
0x37: {  	[smem:$0x3FAA] =	sst s10  }
0x38: {  	s10 =	sld [smem:$0x3FAB]  }
0x39: {  	_ = 	snop;
	(pc) =	sbr.ind lr, $3  }
0x3a: {  	_ = 	snop  }
0x3b: {  	_ = 	snop  }
0x3c: {  	p2 =	seq.s32 s10, $0x1;
	s10 =	sld [smem:$0x3FAA]  }
0x3d: {  	_ =	shalt  }
0x3e: {  	_ =	shalt  }
0x3f: {  	_ =	shalt  }
0x40: {  	_ =	shalt  }
0x41: {  	_ =	shalt  }
0x42: {  	_ =	shalt  }
0x43: {  	_ =	shalt  }
0x44: {  	_ =	shalt  }
0x45: {  	_ =	shalt  }
0x46: {  	_ =	shalt  }
0x47: {  	_ =	shalt  }
0x48: {  	_ =	shalt  }
0x49: {  	_ =	shalt  }
0x4a: {  	_ =	shalt  }
0x4b: {  	_ =	shalt  }
0x4c: {  	_ =	shalt  }
0x4d: {  	_ =	shalt  }
0x4e: {  	_ =	shalt  }
0x4f: {  	_ =	shalt  }
0x50: {  	_ =	shalt  }
0x51: {  	_ =	shalt  }
0x52: {  	_ =	shalt  }
0x53: {  	_ =	shalt  }
0x54: {  	_ =	shalt  }
0x55: {  	_ =	shalt  }
0x56: {  	_ =	shalt  }
0x57: {  	_ =	shalt  }
0x58: {  	_ =	shalt  }
0x59: {  	_ =	shalt  }
0x5a: {  	_ =	shalt  }
0x5b: {  	_ =	shalt  }
0x5c: {  	_ =	shalt  }
0x5d: {  	_ =	shalt  }
0x5e: {  	_ =	shalt  }
0x5f: {  	_ =	shalt  }
0x60: {  	_ =	shalt  }
0x61: {  	_ =	shalt  }
0x62: {  	_ =	shalt  }
0x63: {  	_ =	shalt  }
0x64: {  	_ =	shalt  }
0x65: {  	_ =	shalt  }
0x66: {  	_ =	shalt  }
0x67: {  	_ =	shalt  }
0x68: {  	_ =	shalt  }
0x69: {  	_ =	shalt  }
0x6a: {  	_ =	shalt  }
0x6b: {  	_ =	shalt  }
0x6c: {  	_ =	shalt  }
0x6d: {  	_ =	shalt  }
0x6e: {  	_ =	shalt  }
0x6f: {  	_ =	shalt  }
0x70: {  	_ =	shalt  }
0x71: {  	_ =	shalt  }
0x72: {  	_ =	shalt  }
0x73: {  	_ =	shalt  }
0x74: {  	_ =	shalt  }
0x75: {  	_ =	shalt  }
0x76: {  	_ =	shalt  }
0x77: {  	_ =	shalt  }
0x78: {  	_ =	shalt  }
0x79: {  	_ =	shalt  }
0x7a: {  	_ =	shalt  }
0x7b: {  	_ =	shalt  }
0x7c: {  	_ =	shalt  }
0x7d: {  	_ =	shalt  }
0x7e: {  	_ =	shalt  }
0x7f: {  	_ =	shalt  }
0x80: {  	_ =	shalt  }
0x81: {  	_ =	shalt  }
0x82: {  	_ =	shalt  }
0x83: {  	_ =	shalt  }
0x84: {  	_ =	shalt  }
0x85: {  	_ =	shalt  }
0x86: {  	_ =	shalt  }
0x87: {  	_ =	shalt  }
.Lfunc_end0:
.L_simem_size_0:
called_computation.1_lowered:
.L_overlay_start_0:
0x88: {  	s2 =	sld [smem:$0x3FD9]  }
0x89: {  	s3 =	sld [smem:$0x3FFE];
	_ =	sdelay $0x1  }
0x8a: {  	s1 =	srdreg.scid  }
0x8b: {  	s0 =	sand.u32 $0x1, s1  }
0x8c: {  	s17 =	sshll.u32 s0, $0xA;
	s2 =	sadd.s32 s3, s2  }
0x8d: {  	s2 =	sadd.s32 s2, s17  }
0x8e: {  	[smem:$0x3FB6] =	sst s2  }
0x8f: {  	_ = 	snop  }
0x90: {  	s18 =	sld [smem:$0x3FC8];
	(tm) =	ssettm $0x1  }
0x91: {  	s19 =	sld [smem:$0x3FFB];
	_ =	sdelay $0x3  }
0x92: {  	_ =	strace s19  }
0x93: {  	s2 =	sld [smem:$0x3FFC];
	_ =	sdelay $0x3  }
0x94: {  	_ =	strace s2  }
0x95: {  	s2 =	sld [smem:$0x3FFD];
	_ =	sdelay $0x3  }
0x96: {  	_ =	strace s2  }
0x97: {  	_ =	strace $0x8FFFFFFF  }
0x98: {  	s20 =	sld [smem:$0x3FDB];
	_ =	sdelay $0x1  }
0x99: {  	s4 =	simm.s32 $_scs_section_size  }
0x9a: {  	s5 =	simm.s32 $_size__tile_overlayer_lowered;
	s6 =	simm.s32 $_tile_overlayer_lowered  }
0x9b: {  	s7 =	simm.s32 $0x1BFF;
	s21 =	sshll.u32 s6, $0x1;
	s4 =	sadd.s32 s4, s20  }
0x9c: {  	s22 =	simm.s32 $0x0;
	s5 =	sshll.u32 s5, $0x1;
	s6 =	sadd.s32 s21, s4  }
0x9d: {  	[timem:s22], [sflag:s7] =	dma.local [hbm:s6], s5  }
0x9e: {  	_ =	swait.ge [sflag:s7], s5  }
0x9f: {  	s5 =	ssub.s32 $0x0, s5;
	[sflag:s7] =	ssyncset.done $0x0  }
0xa0: {  	[sflag:s7] =	ssyncadd.s32 s5;
	_ =	sdelay $0x1  }
0xa1: {  	s23 =	simm.s32 $0x1B8B  }
0xa2: {  	_ =	swait.ge [sflag:s23], $0x1  }
0xa3: {  	[sflag:s23] =	ssyncset.done $0x0  }
0xa4: {  	[sflag:s23] =	ssyncadd.s32 $0xFFFFFFFF  }
0xa5: {  	s5 =	sld [smem:$0x0]  }
0xa6: {  	s6 =	sand.u32 $0xFFFFFFFE, s1  }
0xa7: {  	p0 =	sne.s32 s1, s6  }
0xa8: {  	s6 =	sshll.u32 @p0 s6, $0xE  }
0xa9: {  	s6 =	sadd.s32 @p0 $0x11B8D, s6;
	s7 =	sshll.u32 @p0 s5, $0x11  }
0xaa: {  	s6 =	sor.u32 @p0 s7, s6  }
0xab: {  	[sflag:s6] =	ssyncadd.remote.s32 @p0 $0x1;
	_ =	sdelay $0x1  }
0xac: {  	s6 =	simm.s32 @p0 $0x1B8D  }
0xad: {  	_ =	swait.eq @p0 [sflag:s6], $0x1  }
0xae: {  	[sflag:s6] =	ssyncadd.s32 @p0 $0xFFFFFFFF  }
0xaf: {  	s7 =	sshll.u32 @!p0 s1, $0xE  }
0xb0: {  	s7 =	sor.u32 @!p0 $0x4000, s7;
	s6 =	simm.s32 @!p0 $0x1B8D  }
0xb1: {  	s5 =	sshll.u32 @!p0 s5, $0x11;
	s7 =	sadd.s32 @!p0 $0x11B8D, s7;
	_ =	swait.eq @!p0 [sflag:s6], $0x1  }
0xb2: {  	s5 =	sor.u32 @!p0 s5, s7;
	[sflag:s6] =	ssyncadd.s32 @!p0 $0xFFFFFFFF  }
0xb3: {  	s25 =	simm.s32 $0x1B8E;
	s24 =	sld [smem:$0x3FFE];
	[sflag:s5] =	ssyncadd.remote.s32 @!p0 $0x1  }
0xb4: {  	s26 =	simm.s32 $execute0_lowered;
	[smem:$0x3FD2] =	sst s25  }
0xb5: {  	s6 =	sshll.u32 s26, $0x1;
	_ =	strace $0x80000049;
	[dreg:$0x1] =	wrdreg $0xFFFFFFFF  }
0xb6: {  	s28 =	simm.s32 $_size_execute0_lowered;
	s4 =	sadd.s32 s4, s6;
	[dreg:$0x0] =	wrdreg $0x0  }
0xb7: {  	s6 =	sshll.u32 s28, $0x1;
	[dreg:$0x2] =	wrdreg s4  }
0xb8: {  	[dreg:$0x3] =	wrdreg s6  }
0xb9: {  	[dreg:$0x4] =	wrdreg $0xC0  }
0xba: {  	_ =	task [dreg:s22], $0x5FFFF  }
0xbb: {  	[dreg:$0x1] =	wrdreg $0xFFFFFFFF  }
0xbc: {  	[dreg:$0x0] =	wrdreg $0x60  }
0xbd: {  	[dreg:$0x2] =	wrdreg s18  }
0xbe: {  	[dreg:$0x3] =	wrdreg s24  }
0xbf: {  	[dreg:$0x4] =	wrdreg $0xA  }
0xc0: {  	_ =	task.clear_ibuf [dreg:s22], $0x5FFFF;
	_ =	strace $0x90000049  }
0xc1: {  	s29 =	simm.s32 $0xA;
	_ =	strace $0x8000004B  }
0xc2: {  	_ =	swait.ge [sflag:s29], $0x1  }
0xc3: {  	[sflag:s29] =	ssyncadd.s32 $0xFFFFFFFF  }
0xc4: {  	_ =	strace $0x9000004B  }
0xc5: {  	_ =	sfence  }
0xc6: {  	s30 =	sld [smem:$0x0];
	_ =	sdelay $0x2  }
0xc7: {  	s31 =	sshll.u32 s1, $0xD;
	s1 =	sshrl.u32 s1, $0x2  }
0xc8: {  	s4 =	sand.u32 $0x4000, s31;
	s1 =	sadd.s32 s1, s30  }
0xc9: {  	s0 =	sor.u32 s4, s0;
	s1 =	sshll.u32 s1, $0x11  }
0xca: {  	s0 =	sor.u32 s1, s0  }
0xcb: {  	s0 =	sadd.s32 $0x8F2B, s0  }
0xcc: {  	[sflag:s0] =	ssyncadd.remote.s32 $0x1  }
0xcd: {  	_ =	sfence.sel $0xFFFF  }
0xce: {  	[dreg:$0x0] =	wrdreg $0xFFFFFFFF;
	(pc) =	sbr.abs _section_cstart, $3  }
0xcf: {  	[dreg:$0x1] =	wrdreg $0xFFFFFFFF  }
0xd0: {  	_ =	task.clear_ibuf [dreg:s22], $0x2FFFF;
	_ =	strace $0x9FFFFFFF  }
0xd1: {  	(tm) =	ssettm $0x7FFFFFFF  }
tec
execute0_lowered:
.L_overlay_start_1:
0x0: {  	(tag) =	ssettag $0x1  }
0x1: {  	s1 =	rddreg [dreg:$0x0]  }
0x2: {  	s4 =	rddreg [dreg:$0x1]  }
0x3: {  	s0 =	rddreg [dreg:$0x2]  }
0x4: {  	s5 =	srdreg.scid;
	s3 =	simm.s32 $0x0;
	s2 =	stileid.u32  }
0x5: {  	s11 =	simm.s32 $0x1000;
	s12 =	simm.s32 $0x5000;
	s13 =	simm.s32 $0x100  }
0x6: {  	s14 =	simm.s32 $0x9000;
	s15 =	simm.s32 $0xD000;
	s16 =	simm.s32 $0x1  }
0x7: {  	s17 =	simm.s32 $0x2;
	s18 =	simm.s32 $0x3;
	s19 =	simm.s32 $0x4  }
0x8: {  	s20 =	simm.s32 $0x0;
	s5 =	sand.u32 $0x1, s5;
	[smem:$0x7FF] =	sst s3  }
0x9: {  	s6 =	sshll.u32 s2, $0xA;
	s25 =	sadd.s32 $0x213800, s4;
	s9 =	sshll.u32 s2, $0x11  }
0xa: {  	s7 =	sshll.u32 s5, $0x9;
	_ =	strace $0x8000004A;
	s26 =	ssub.s32 $0x2, s5  }
0xb: {  	s10 =	sshll.u32 s5, $0x10;
	s30 =	sadd.s32 s9, s25;
	s6 =	sor.u32 s7, s6  }
0xc: {  	s8 =	sshrl.u32 s26, $0x1;
	s29 =	sor.u32 s10, s9;
	s9 =	simm.s32 $0x5  }
0xd: {  	s6 =	sadd.s32 s6, s4;
	s28 =	ssub.s32 s26, s8;
	s31 =	sadd.s32 s29, s25  }
0xe: {  	s4 =	sadd.s32 $0x3800, s6;
	s5 =	smax.u32 s28, $0x1;
	s6 =	sadd.s32 s10, s30  }
0xf: {  	s7 =	sadd.s32 $0x1000, s31;
	s8 =	sadd.s32 $0x1800, s31;
	s10 =	simm.s32 $0x80  }
.LBB2_1:
0x10: {  	[tilespmem:s3], [sflag:$0x5] =	stream.linear.gather [hbm4b:s4+s3], $0x1000, $0x38;
	[tilespmem:$0x11000] =	vst v63  }
0x11: {  	_ =	swait.ge [sflag:s9], $0x1000  }
0x12: {  	[sflag:s9] =	ssyncset.done $0x0  }
0x13: {  	[sflag:s9] =	ssyncadd.s32 $0xFFFFF000  }
0x14: {  	[tilespmem:s11], [sflag:$0x1] =	stream.indirect.gather [hbm4b:s1+s10], $0x80, s3, s10, $0xb8;
	[tilespmem:$0x11000] =	vst v63  }
0x15: {  	_ = 	snop  }
0x16: {  	[tilespmem:s12], [sflag:$0x2] =	stream.indirect.gather [hbm4b:s1+s10], $0x80, s10, s10, $0xb8;
	[tilespmem:$0x11000] =	vst v63  }
0x17: {  	_ = 	snop  }
0x18: {  	[tilespmem:s14], [sflag:$0x3] =	stream.indirect.gather [hbm4b:s1+s10], $0x80, s13, s10, $0xb8;
	[tilespmem:$0x11000] =	vst v63  }
0x19: {  	s21 =	simm.s32 $0x180  }
0x1a: {  	[tilespmem:s15], [sflag:$0x4] =	stream.indirect.gather [hbm4b:s1+s10], $0x80, s21, s10, $0xb8;
	[tilespmem:$0x11000] =	vst v63  }
0x1b: {  	_ =	swait.ge [sflag:s16], $0x4000  }
0x1c: {  	[sflag:s16] =	ssyncset.done $0x0  }
0x1d: {  	[sflag:s16] =	ssyncadd.s32 $0xFFFFC000  }
0x1e: {  	[hbm4b:s6+s3] =	stream.linear.scatter [tilespmem:s11], [sflag:$0x5], $0x4000, $0x38;
	[tilespmem:$0x11000] =	vst v63  }
0x1f: {  	p0 =	por $0x0, $0x0;
	_ =	swait.ge [sflag:s9], $0x4000  }
0x20: {  	s22 =	simm.s32 @!p0 $0x200;
	[sflag:s9] =	ssyncset.done $0x0  }
0x21: {  	s23 =	simm.s32 @!p0 $0x80;
	s21 =	simm.s32 @!p0 $0x1000;
	[sflag:s9] =	ssyncadd.s32 $0xFFFFC000  }
0x22: {  	[tilespmem:s21], [sflag:$0x1] =	stream.indirect.gather @!p0 [hbm4b:s1+s23], $0x80, s22, s23, $0xb8;
	[tilespmem:$0x11000] =	vst v63  }
0x23: {  	_ =	swait.ge [sflag:s17], $0x4000  }
0x24: {  	[sflag:s17] =	ssyncset.done $0x0  }
0x25: {  	s31 =	sadd.s32 $0xFFFFF000, s8;
	[sflag:s17] =	ssyncadd.s32 $0xFFFFC000  }
0x26: {  	[hbm4b:s31+s3] =	stream.linear.scatter [tilespmem:s12], [sflag:$0x5], $0x4000, $0x38;
	[tilespmem:$0x11000] =	vst v63  }
0x27: {  	_ =	swait.ge [sflag:s9], $0x4000  }
0x28: {  	[sflag:s9] =	ssyncset.done $0x0  }
0x29: {  	s21 =	simm.s32 @!p0 $0x280;
	s22 =	simm.s32 @!p0 $0x5000;
	[sflag:s9] =	ssyncadd.s32 $0xFFFFC000  }
0x2a: {  	[tilespmem:s22], [sflag:$0x2] =	stream.indirect.gather @!p0 [hbm4b:s1+s23], $0x80, s21, s23, $0xb8;
	[tilespmem:$0x11000] =	vst v63  }
0x2b: {  	_ =	swait.ge [sflag:s18], $0x4000  }
0x2c: {  	[sflag:s18] =	ssyncset.done $0x0  }
0x2d: {  	[sflag:s18] =	ssyncadd.s32 $0xFFFFC000  }
0x2e: {  	[hbm4b:s7+s3] =	stream.linear.scatter [tilespmem:s14], [sflag:$0x5], $0x4000, $0x38;
	[tilespmem:$0x11000] =	vst v63  }
0x2f: {  	_ =	swait.ge [sflag:s9], $0x4000  }
0x30: {  	[sflag:s9] =	ssyncset.done $0x0  }
0x31: {  	s21 =	simm.s32 @!p0 $0x300;
	s22 =	simm.s32 @!p0 $0x9000;
	[sflag:s9] =	ssyncadd.s32 $0xFFFFC000  }
0x32: {  	[tilespmem:s22], [sflag:$0x3] =	stream.indirect.gather @!p0 [hbm4b:s1+s23], $0x80, s21, s23, $0xb8;
	[tilespmem:$0x11000] =	vst v63  }
0x33: {  	_ =	swait.ge [sflag:s19], $0x4000  }
0x34: {  	[sflag:s19] =	ssyncset.done $0x0  }
0x35: {  	s25 =	simm.s32 $0x800;
	s26 =	simm.s32 $0x200;
	[sflag:s19] =	ssyncadd.s32 $0xFFFFC000  }
0x36: {  	[hbm4b:s8+s3] =	stream.linear.scatter [tilespmem:s15], [sflag:$0x5], $0x4000, $0x38;
	[tilespmem:$0x11000] =	vst v63  }
0x37: {  	s24 =	sadd.s32 $0x2000, s6;
	s23 =	simm.s32 $0x1000;
	_ =	swait.ge [sflag:s9], $0x4000  }
0x38: {  	s22 =	sadd.s32 $0x2000, s7;
	s21 =	sadd.s32 $0x2000, s8;
	[sflag:s9] =	ssyncset.done $0x0  }
.LBB2_2:
0x39: {  	s26 =	sadd.s32 $0x180, s26  }
0x3a: {  	[sflag:s9] =	ssyncadd.s32 $0xFFFFC000;
	s28 =	smov.u32 s23;
	s23 =	sadd.s32 $0x800, s23  }
0x3b: {  	[tilespmem:s15], [sflag:$0x4] =	stream.indirect.gather [hbm4b:s1+s10], $0x80, s26, s10, $0xb8;
	[tilespmem:$0x11000] =	vst v63  }
0x3c: {  	p0 =	sne.s32 s23, $0x4000;
	_ =	swait.ge [sflag:s16], $0x4000  }
0x3d: {  	[sflag:s16] =	ssyncset.done $0x0  }
0x3e: {  	[sflag:s16] =	ssyncadd.s32 $0xFFFFC000  }
0x3f: {  	[hbm4b:s24+s3] =	stream.linear.scatter [tilespmem:s11], [sflag:$0x5], $0x4000, $0x38;
	[tilespmem:$0x11000] =	vst v63  }
0x40: {  	p1 =	seq.s32 s25, $0x3800;
	_ =	swait.ge [sflag:s9], $0x4000  }
0x41: {  	s25 =	sshra.s32 @!p1 s25, $0x2;
	s26 =	simm.s32 @!p1 $0x1000;
	[sflag:s9] =	ssyncset.done $0x0  }
0x42: {  	s30 =	simm.s32 @!p1 $0x80;
	s29 =	sadd.s32 @!p1 $0x200, s25;
	[sflag:s9] =	ssyncadd.s32 $0xFFFFC000  }
0x43: {  	[tilespmem:s26], [sflag:$0x1] =	stream.indirect.gather @!p1 [hbm4b:s1+s30], $0x80, s29, s30, $0xb8;
	[tilespmem:$0x11000] =	vst v63  }
0x44: {  	s26 =	sadd.s32 @!p1 $0x280, s25;
	s29 =	sadd.s32 @!p1 $0x300, s25;
	_ =	swait.ge [sflag:s17], $0x4000  }
0x45: {  	s25 =	smov.u32 s28;
	[sflag:s17] =	ssyncset.done $0x0  }
0x46: {  	s28 =	sadd.s32 $0xFFFFF000, s21;
	[sflag:s17] =	ssyncadd.s32 $0xFFFFC000  }
0x47: {  	[hbm4b:s28+s3] =	stream.linear.scatter [tilespmem:s12], [sflag:$0x5], $0x4000, $0x38;
	[tilespmem:$0x11000] =	vst v63  }
0x48: {  	_ =	swait.ge [sflag:s9], $0x4000  }
0x49: {  	[sflag:s9] =	ssyncset.done $0x0  }
0x4a: {  	s28 =	simm.s32 @!p1 $0x5000;
	[sflag:s9] =	ssyncadd.s32 $0xFFFFC000  }
0x4b: {  	[tilespmem:s28], [sflag:$0x2] =	stream.indirect.gather @!p1 [hbm4b:s1+s30], $0x80, s26, s30, $0xb8;
	[tilespmem:$0x11000] =	vst v63  }
0x4c: {  	_ =	swait.ge [sflag:s18], $0x4000  }
0x4d: {  	[sflag:s18] =	ssyncset.done $0x0  }
0x4e: {  	[sflag:s18] =	ssyncadd.s32 $0xFFFFC000  }
0x4f: {  	[hbm4b:s22+s3] =	stream.linear.scatter [tilespmem:s14], [sflag:$0x5], $0x4000, $0x38;
	[tilespmem:$0x11000] =	vst v63  }
0x50: {  	_ =	swait.ge [sflag:s9], $0x4000  }
0x51: {  	[sflag:s9] =	ssyncset.done $0x0  }
0x52: {  	s26 =	simm.s32 @!p1 $0x9000;
	[sflag:s9] =	ssyncadd.s32 $0xFFFFC000  }
0x53: {  	[tilespmem:s26], [sflag:$0x3] =	stream.indirect.gather @!p1 [hbm4b:s1+s30], $0x80, s29, s30, $0xb8;
	[tilespmem:$0x11000] =	vst v63  }
0x54: {  	_ =	swait.ge [sflag:s19], $0x4000  }
.Ltmp0:
0x55: {  	[sflag:s19] =	ssyncset.done $0x0;
	(pc) =	sbr.rel @p0 .LBB2_2-.Ltmp0, $4  }
0x56: {  	[sflag:s19] =	ssyncadd.s32 $0xFFFFC000  }
0x57: {  	[hbm4b:s21+s3] =	stream.linear.scatter [tilespmem:s15], [sflag:$0x5], $0x4000, $0x38;
	[tilespmem:$0x11000] =	vst v63  }
0x58: {  	s22 =	sadd.s32 $0x2000, s22;
	s21 =	sadd.s32 $0x2000, s21;
	_ =	swait.ge [sflag:s9], $0x4000  }
0x59: {  	s24 =	sadd.s32 $0x2000, s24;
	s26 =	sshra.s32 s25, $0x2;
	[sflag:s9] =	ssyncset.done $0x0  }
0x5a: {  	s23 =	sadd.s32 $0x180, s26;
	[sflag:s9] =	ssyncadd.s32 $0xFFFFC000  }
0x5b: {  	[tilespmem:s15], [sflag:$0x4] =	stream.indirect.gather [hbm4b:s1+s10], $0x80, s23, s10, $0xb8;
	[tilespmem:$0x11000] =	vst v63  }
0x5c: {  	_ =	swait.ge [sflag:s16], $0x4000  }
0x5d: {  	[sflag:s16] =	ssyncset.done $0x0  }
0x5e: {  	[sflag:s16] =	ssyncadd.s32 $0xFFFFC000  }
0x5f: {  	[hbm4b:s24+s3] =	stream.linear.scatter [tilespmem:s11], [sflag:$0x5], $0x4000, $0x38;
	[tilespmem:$0x11000] =	vst v63  }
0x60: {  	p0 =	seq.s32 s25, $0x3800;
	_ =	swait.ge [sflag:s9], $0x4000  }
0x61: {  	s23 =	sshra.s32 @!p0 s25, $0x2;
	s26 =	simm.s32 @!p0 $0x80;
	[sflag:s9] =	ssyncset.done $0x0  }
0x62: {  	s25 =	sadd.s32 @!p0 $0x200, s23;
	s24 =	simm.s32 @!p0 $0x1000;
	[sflag:s9] =	ssyncadd.s32 $0xFFFFC000  }
0x63: {  	[tilespmem:s24], [sflag:$0x1] =	stream.indirect.gather @!p0 [hbm4b:s1+s26], $0x80, s25, s26, $0xb8;
	[tilespmem:$0x11000] =	vst v63  }
0x64: {  	_ =	swait.ge [sflag:s17], $0x4000  }
0x65: {  	[sflag:s17] =	ssyncset.done $0x0  }
0x66: {  	s31 =	sadd.s32 $0xFFFFF000, s21;
	[sflag:s17] =	ssyncadd.s32 $0xFFFFC000  }
0x67: {  	[hbm4b:s31+s3] =	stream.linear.scatter [tilespmem:s12], [sflag:$0x5], $0x4000, $0x38;
	[tilespmem:$0x11000] =	vst v63  }
0x68: {  	_ =	swait.ge [sflag:s9], $0x4000  }
0x69: {  	[sflag:s9] =	ssyncset.done $0x0  }
0x6a: {  	s24 =	sadd.s32 @!p0 $0x280, s23;
	s25 =	simm.s32 @!p0 $0x5000;
	[sflag:s9] =	ssyncadd.s32 $0xFFFFC000  }
0x6b: {  	[tilespmem:s25], [sflag:$0x2] =	stream.indirect.gather @!p0 [hbm4b:s1+s26], $0x80, s24, s26, $0xb8;
	[tilespmem:$0x11000] =	vst v63  }
0x6c: {  	_ =	swait.ge [sflag:s18], $0x4000  }
0x6d: {  	[sflag:s18] =	ssyncset.done $0x0  }
0x6e: {  	[sflag:s18] =	ssyncadd.s32 $0xFFFFC000  }
0x6f: {  	[hbm4b:s22+s3] =	stream.linear.scatter [tilespmem:s14], [sflag:$0x5], $0x4000, $0x38;
	[tilespmem:$0x11000] =	vst v63  }
0x70: {  	_ =	swait.ge [sflag:s9], $0x4000  }
0x71: {  	[sflag:s9] =	ssyncset.done $0x0  }
0x72: {  	s22 =	sadd.s32 @!p0 $0x300, s23;
	s23 =	simm.s32 @!p0 $0x9000;
	[sflag:s9] =	ssyncadd.s32 $0xFFFFC000  }
0x73: {  	[tilespmem:s23], [sflag:$0x3] =	stream.indirect.gather @!p0 [hbm4b:s1+s26], $0x80, s22, s26, $0xb8;
	[tilespmem:$0x11000] =	vst v63  }
0x74: {  	s20 =	sadd.s32 $0x1, s20;
	_ =	swait.ge [sflag:s19], $0x4000  }
0x75: {  	p0 =	sne.s32 s20, s5;
	[sflag:s19] =	ssyncset.done $0x0  }
.Ltmp1:
0x76: {  	[sflag:s19] =	ssyncadd.s32 $0xFFFFC000;
	(pc) =	sbr.rel @p0 .LBB2_1-.Ltmp1, $4  }
0x77: {  	[hbm4b:s21+s3] =	stream.linear.scatter [tilespmem:s15], [sflag:$0x5], $0x4000, $0x38;
	[tilespmem:$0x11000] =	vst v63  }
0x78: {  	_ =	swait.ge [sflag:s9], $0x4000  }
0x79: {  	[sflag:s9] =	ssyncset.done $0x0  }
0x7a: {  	[sflag:s9] =	ssyncadd.s32 $0xFFFFC000  }
0x7b: {  	_ =	sfence.sel $0x180000  }
0x7c: {  	[bflag:$0x0] =	sbarrier.arrive $0xFFFF  }
0x7d: {  	p0 =	sne.s32 s2, $0x0;
	_ =	strace $0x9000004A  }
0x7e: {  	s0 =	sadd.s32 @!p0 $0x100000, s0;
	[bflag:$0x2] =	sbarrier.arrive $0xFFFF  }
0x7f: {  	[sflag:s0] =	ssyncadd.tile.s32 @!p0 $0x1;
	_ =	shalt  }
.Lfunc_end2:
_tile_overlayer_lowered:
.L_overlay_start_2:
0x80: {  	(tag) =	ssettag $0x2  }
0x81: {  	s0 =	rddreg [dreg:$0x0];
	s2 =	stileid.u32  }
0x82: {  	s1 =	rddreg [dreg:$0x1];
	p0 =	sne.s32 s2, $0x0  }
0x83: {  	s3 =	rddreg [dreg:$0x2];
	[bflag:$0x3] =	sbarrier.arrive $0xFFFF;
	s2 =	simm.s32 @!p0 $0x1C05  }
0x84: {  	[timem:s3], [sflag:s2] =	dma.local @!p0 [hbm:s0], s1  }
0x85: {  	s0 =	simm.s32 @!p0 $0x5  }
0x86: {  	_ =	swait.ge @!p0 [sflag:s0], s1  }
0x87: {  	s1 =	ssub.s32 @!p0 $0x0, s1;
	[sflag:s0] =	ssyncset.done @!p0 $0x0  }
0x88: {  	[sflag:s0] =	ssyncadd.s32 @!p0 s1  }
0x89: {  	[bflag:$0x3] =	sbarrier.arrive $0xFFFF  }
0x8a: {  	_ =	shalt  }

// kernel: kernel.16.cloned.1.call-start
scs
__scs_entry_jumppad:
0x0: {  	(pc) =	sbr.rel $0x88, $3  }
0x1: {  	(tag) =	ssettag $0x0;
	lr =	simm.s32 $0x1  }
0x2: {  	[smem:$0x3F8F] =	sst lr;
	_ =	strace $0xD0000000  }
0x3: {  	_ = 	snop  }
0x4: {  	_ = 	snop  }
0x5: {  	_ = 	snop  }
0x6: {  	_ = 	snop  }
0x7: {  	_ = 	snop  }
__scs_overlays_trampoline_lowered:
0x8: {  	[smem:$0x3F9E] =	sst s0  }
0x9: {  	[smem:$0x3F9F] =	sst s1  }
0xa: {  	[smem:$0x3FA0] =	sst s2  }
0xb: {  	[smem:$0x3FA1] =	sst s3  }
0xc: {  	[smem:$0x3FA2] =	sst s4  }
0xd: {  	[smem:$0x3FA3] =	sst s5  }
0xe: {  	[smem:$0x3FA4] =	sst s6  }
0xf: {  	[smem:$0x3FA5] =	sst s7  }
0x10: {  	[smem:$0x3FA6] =	sst s8  }
0x11: {  	[smem:$0x3FA7] =	sst s9;
	s0 =	simm.s32 @!p0 $0x0  }
0x12: {  	s1 =	sld [smem:$0x3F8D];
	s0 =	simm.s32 @p0 $0x1  }
0x13: {  	[smem:$0x3FA8] =	sst s0;
	s0 =	simm.s32 @!p1 $0x0  }
0x14: {  	s2 =	sld [smem:$0x3F8C];
	s0 =	simm.s32 @p1 $0x1  }
0x15: {  	[smem:$0x3FA9] =	sst s0;
	s0 =	simm.s32 @!p2 $0x0  }
0x16: {  	s3 =	sld [smem:$0x3FDB];
	s0 =	simm.s32 @p2 $0x1  }
0x17: {  	s4 =	simm.s32 $0x1BF5;
	[smem:$0x3FAB] =	sst s0  }
0x18: {  	s0 =	sld [smem:$0x3F8E];
	_ =	swait.ge [sflag:s4], $0x0  }
0x19: {  	s7 =	sld [smem:$0x3F8F]  }
0x1a: {  	s8 =	sadd.s32 $0xFFFFE003, lr  }
0x1b: {  	s9 =	sadd.s32 $0xFFFFFEF7, lr;
	s5 =	simm.s32 $0xFFFFFFFF;
	p2 =	slt.u32 s8, $0xFFFFF086  }
0x1c: {  	p1 =	slt.u32 s9, $0xF7A;
	s5 =	simm.s32 @!p2 $0x0  }
0x1d: {  	s5 =	simm.s32 @p1 $0x1;
	p0 =	seq.s32 s7, s2  }
0x1e: {  	s7 =	smul.u32 @!p0 $0xF7A, s2;
	p2 =	seq.s32 @!p0 s5, $0x0  }
0x1f: {  	s9 =	smul.u32 $0xF7A, s1;
	s8 =	simm.s32 @!p0 $0x1BF5;
	p2 =	por !p2, p0  }
0x20: {  	[sflag:s8] =	ssyncset.s32 @!p0 $0xFFFFF086;
	s6 =	sadd.s32 @!p0 s3, s7;
	s7 =	simm.s32 @!p0 $0x108  }
0x21: {  	s3 =	sadd.s32 s3, s9;
	s6 =	sadd.s32 @!p0 $0x88, s6;
	s7 =	simm.s32 @p2 $0x1082  }
0x22: {  	[simem:s7], [sflag:s8] =	dma.local @!p0 [hbm:s6], $0xF7A  }
0x23: {  	s9 =	sor.u32 $0xD0000000, s2;
	s6 =	simm.s32 $0x108;
	_ =	swait.ge @!p0 [sflag:s8], $0x0  }
0x24: {  	s3 =	sadd.s32 $0x88, s3;
	s6 =	simm.s32 @!p1 $0x1082;
	[sflag:s4] =	ssyncset.s32 $0xFFFFF086  }
0x25: {  	[simem:s6], [sflag:s4] =	dma.local [hbm:s3], $0xF7A  }
0x26: {  	[smem:$0x3F8F] =	sst s1;
	(tag) =	ssettag s2;
	_ =	strace s9  }
0x27: {  	s1 =	sld [smem:$0x3F9F]  }
0x28: {  	s2 =	sld [smem:$0x3FA0]  }
0x29: {  	s4 =	sld [smem:$0x3FA2]  }
0x2a: {  	p0 =	seq.s32 s5, $0x0;
	s5 =	sld [smem:$0x3FA3]  }
0x2b: {  	s6 =	sld [smem:$0x3FA4]  }
0x2c: {  	s7 =	sld [smem:$0x3FA5]  }
0x2d: {  	s3 =	simm.s32 $0x108;
	s8 =	sld [smem:$0x3FA6]  }
0x2e: {  	s3 =	simm.s32 @!p0 $0x1082;
	s9 =	sld [smem:$0x3FA7]  }
0x2f: {  	lr =	sadd.s32 s0, s3;
	s0 =	sld [smem:$0x3F9E]  }
0x30: {  	s3 =	sld [smem:$0x3FA1]  }
0x31: {  	[smem:$0x3FAA] =	sst s10  }
0x32: {  	s10 =	sld [smem:$0x3FA8];
	_ =	sdelay $0x3  }
0x33: {  	p0 =	seq.s32 s10, $0x1;
	s10 =	sld [smem:$0x3FAA];
	_ =	sdelay $0x3  }
0x34: {  	[smem:$0x3FAA] =	sst s10  }
0x35: {  	s10 =	sld [smem:$0x3FA9];
	_ =	sdelay $0x3  }
0x36: {  	p1 =	seq.s32 s10, $0x1;
	s10 =	sld [smem:$0x3FAA];
	_ =	sdelay $0x3  }
0x37: {  	[smem:$0x3FAA] =	sst s10  }
0x38: {  	s10 =	sld [smem:$0x3FAB]  }
0x39: {  	_ = 	snop;
	(pc) =	sbr.ind lr, $3  }
0x3a: {  	_ = 	snop  }
0x3b: {  	_ = 	snop  }
0x3c: {  	p2 =	seq.s32 s10, $0x1;
	s10 =	sld [smem:$0x3FAA]  }
0x3d: {  	_ =	shalt  }
0x3e: {  	_ =	shalt  }
0x3f: {  	_ =	shalt  }
0x40: {  	_ =	shalt  }
0x41: {  	_ =	shalt  }
0x42: {  	_ =	shalt  }
0x43: {  	_ =	shalt  }
0x44: {  	_ =	shalt  }
0x45: {  	_ =	shalt  }
0x46: {  	_ =	shalt  }
0x47: {  	_ =	shalt  }
0x48: {  	_ =	shalt  }
0x49: {  	_ =	shalt  }
0x4a: {  	_ =	shalt  }
0x4b: {  	_ =	shalt  }
0x4c: {  	_ =	shalt  }
0x4d: {  	_ =	shalt  }
0x4e: {  	_ =	shalt  }
0x4f: {  	_ =	shalt  }
0x50: {  	_ =	shalt  }
0x51: {  	_ =	shalt  }
0x52: {  	_ =	shalt  }
0x53: {  	_ =	shalt  }
0x54: {  	_ =	shalt  }
0x55: {  	_ =	shalt  }
0x56: {  	_ =	shalt  }
0x57: {  	_ =	shalt  }
0x58: {  	_ =	shalt  }
0x59: {  	_ =	shalt  }
0x5a: {  	_ =	shalt  }
0x5b: {  	_ =	shalt  }
0x5c: {  	_ =	shalt  }
0x5d: {  	_ =	shalt  }
0x5e: {  	_ =	shalt  }
0x5f: {  	_ =	shalt  }
0x60: {  	_ =	shalt  }
0x61: {  	_ =	shalt  }
0x62: {  	_ =	shalt  }
0x63: {  	_ =	shalt  }
0x64: {  	_ =	shalt  }
0x65: {  	_ =	shalt  }
0x66: {  	_ =	shalt  }
0x67: {  	_ =	shalt  }
0x68: {  	_ =	shalt  }
0x69: {  	_ =	shalt  }
0x6a: {  	_ =	shalt  }
0x6b: {  	_ =	shalt  }
0x6c: {  	_ =	shalt  }
0x6d: {  	_ =	shalt  }
0x6e: {  	_ =	shalt  }
0x6f: {  	_ =	shalt  }
0x70: {  	_ =	shalt  }
0x71: {  	_ =	shalt  }
0x72: {  	_ =	shalt  }
0x73: {  	_ =	shalt  }
0x74: {  	_ =	shalt  }
0x75: {  	_ =	shalt  }
0x76: {  	_ =	shalt  }
0x77: {  	_ =	shalt  }
0x78: {  	_ =	shalt  }
0x79: {  	_ =	shalt  }
0x7a: {  	_ =	shalt  }
0x7b: {  	_ =	shalt  }
0x7c: {  	_ =	shalt  }
0x7d: {  	_ =	shalt  }
0x7e: {  	_ =	shalt  }
0x7f: {  	_ =	shalt  }
0x80: {  	_ =	shalt  }
0x81: {  	_ =	shalt  }
0x82: {  	_ =	shalt  }
0x83: {  	_ =	shalt  }
0x84: {  	_ =	shalt  }
0x85: {  	_ =	shalt  }
0x86: {  	_ =	shalt  }
0x87: {  	_ =	shalt  }
.Lfunc_end0:
.L_simem_size_0:
called_computation.2_lowered:
.L_overlay_start_0:
0x88: {  	s2 =	sld [smem:$0x3FD9]  }
0x89: {  	s3 =	sld [smem:$0x3FFE];
	_ =	sdelay $0x1  }
0x8a: {  	s1 =	srdreg.scid  }
0x8b: {  	s0 =	sand.u32 $0x1, s1  }
0x8c: {  	s17 =	sshll.u32 s0, $0xA;
	s2 =	sadd.s32 s3, s2  }
0x8d: {  	s2 =	sadd.s32 s2, s17  }
0x8e: {  	[smem:$0x3FB6] =	sst s2  }
0x8f: {  	_ = 	snop  }
0x90: {  	s18 =	sld [smem:$0x3FC8];
	(tm) =	ssettm $0x1  }
0x91: {  	s19 =	sld [smem:$0x3FFB];
	_ =	sdelay $0x3  }
0x92: {  	_ =	strace s19  }
0x93: {  	s2 =	sld [smem:$0x3FFC];
	_ =	sdelay $0x3  }
0x94: {  	_ =	strace s2  }
0x95: {  	s2 =	sld [smem:$0x3FFD];
	_ =	sdelay $0x3  }
0x96: {  	_ =	strace s2  }
0x97: {  	_ =	strace $0x8FFFFFFF  }
0x98: {  	s20 =	sld [smem:$0x3FDB];
	_ =	sdelay $0x1  }
0x99: {  	s4 =	simm.s32 $_scs_section_size  }
0x9a: {  	s5 =	simm.s32 $_size__tile_overlayer_lowered;
	s6 =	simm.s32 $_tile_overlayer_lowered  }
0x9b: {  	s7 =	simm.s32 $0x1BFF;
	s21 =	sshll.u32 s6, $0x1;
	s4 =	sadd.s32 s4, s20  }
0x9c: {  	s22 =	simm.s32 $0x0;
	s5 =	sshll.u32 s5, $0x1;
	s6 =	sadd.s32 s21, s4  }
0x9d: {  	[timem:s22], [sflag:s7] =	dma.local [hbm:s6], s5  }
0x9e: {  	_ =	swait.ge [sflag:s7], s5  }
0x9f: {  	s5 =	ssub.s32 $0x0, s5;
	[sflag:s7] =	ssyncset.done $0x0  }
0xa0: {  	[sflag:s7] =	ssyncadd.s32 s5;
	_ =	sdelay $0x1  }
0xa1: {  	s23 =	simm.s32 $0x1B8B  }
0xa2: {  	_ =	swait.ge [sflag:s23], $0x1  }
0xa3: {  	[sflag:s23] =	ssyncset.done $0x0  }
0xa4: {  	[sflag:s23] =	ssyncadd.s32 $0xFFFFFFFF  }
0xa5: {  	s5 =	sld [smem:$0x0]  }
0xa6: {  	s6 =	sand.u32 $0xFFFFFFFE, s1  }
0xa7: {  	p0 =	sne.s32 s1, s6  }
0xa8: {  	s6 =	sshll.u32 @p0 s6, $0xE  }
0xa9: {  	s6 =	sadd.s32 @p0 $0x11B8D, s6;
	s7 =	sshll.u32 @p0 s5, $0x11  }
0xaa: {  	s6 =	sor.u32 @p0 s7, s6  }
0xab: {  	[sflag:s6] =	ssyncadd.remote.s32 @p0 $0x1;
	_ =	sdelay $0x1  }
0xac: {  	s6 =	simm.s32 @p0 $0x1B8D  }
0xad: {  	_ =	swait.eq @p0 [sflag:s6], $0x1  }
0xae: {  	[sflag:s6] =	ssyncadd.s32 @p0 $0xFFFFFFFF  }
0xaf: {  	s7 =	sshll.u32 @!p0 s1, $0xE  }
0xb0: {  	s7 =	sor.u32 @!p0 $0x4000, s7;
	s6 =	simm.s32 @!p0 $0x1B8D  }
0xb1: {  	s5 =	sshll.u32 @!p0 s5, $0x11;
	s7 =	sadd.s32 @!p0 $0x11B8D, s7;
	_ =	swait.eq @!p0 [sflag:s6], $0x1  }
0xb2: {  	s5 =	sor.u32 @!p0 s5, s7;
	[sflag:s6] =	ssyncadd.s32 @!p0 $0xFFFFFFFF  }
0xb3: {  	s25 =	simm.s32 $0x1B8E;
	s24 =	sld [smem:$0x3FFE];
	[sflag:s5] =	ssyncadd.remote.s32 @!p0 $0x1  }
0xb4: {  	s26 =	simm.s32 $execute0_lowered;
	[smem:$0x3FD2] =	sst s25  }
0xb5: {  	s6 =	sshll.u32 s26, $0x1;
	_ =	strace $0x8000004C;
	[dreg:$0x1] =	wrdreg $0xFFFFFFFF  }
0xb6: {  	s28 =	simm.s32 $_size_execute0_lowered;
	s4 =	sadd.s32 s4, s6;
	[dreg:$0x0] =	wrdreg $0x0  }
0xb7: {  	s6 =	sshll.u32 s28, $0x1;
	[dreg:$0x2] =	wrdreg s4  }
0xb8: {  	[dreg:$0x3] =	wrdreg s6  }
0xb9: {  	[dreg:$0x4] =	wrdreg $0xC0  }
0xba: {  	_ =	task [dreg:s22], $0x5FFFF  }
0xbb: {  	[dreg:$0x1] =	wrdreg $0xFFFFFFFF  }
0xbc: {  	[dreg:$0x0] =	wrdreg $0x60  }
0xbd: {  	[dreg:$0x2] =	wrdreg s18  }
0xbe: {  	[dreg:$0x3] =	wrdreg s24  }
0xbf: {  	[dreg:$0x4] =	wrdreg $0xB  }
0xc0: {  	_ =	task.clear_ibuf [dreg:s22], $0x5FFFF;
	_ =	strace $0x9000004C  }
0xc1: {  	s29 =	simm.s32 $0xB;
	_ =	strace $0x8000004E  }
0xc2: {  	_ =	swait.ge [sflag:s29], $0x1  }
0xc3: {  	[sflag:s29] =	ssyncadd.s32 $0xFFFFFFFF  }
0xc4: {  	_ =	strace $0x9000004E  }
0xc5: {  	_ =	sfence  }
0xc6: {  	s30 =	sld [smem:$0x0];
	_ =	sdelay $0x2  }
0xc7: {  	s31 =	sshll.u32 s1, $0xD;
	s1 =	sshrl.u32 s1, $0x2  }
0xc8: {  	s4 =	sand.u32 $0x4000, s31;
	s1 =	sadd.s32 s1, s30  }
0xc9: {  	s0 =	sor.u32 s4, s0;
	s1 =	sshll.u32 s1, $0x11  }
0xca: {  	s0 =	sor.u32 s1, s0  }
0xcb: {  	s0 =	sadd.s32 $0x8F2B, s0  }
0xcc: {  	[sflag:s0] =	ssyncadd.remote.s32 $0x1  }
0xcd: {  	_ =	sfence.sel $0xFFFF  }
0xce: {  	[dreg:$0x0] =	wrdreg $0xFFFFFFFF;
	(pc) =	sbr.abs _section_cstart, $3  }
0xcf: {  	[dreg:$0x1] =	wrdreg $0xFFFFFFFF  }
0xd0: {  	_ =	task.clear_ibuf [dreg:s22], $0x2FFFF;
	_ =	strace $0x9FFFFFFF  }
0xd1: {  	(tm) =	ssettm $0x7FFFFFFF  }
tec
execute0_lowered:
.L_overlay_start_1:
0x0: {  	(tag) =	ssettag $0x1  }
0x1: {  	s1 =	rddreg [dreg:$0x0]  }
0x2: {  	s4 =	rddreg [dreg:$0x1]  }
0x3: {  	s0 =	rddreg [dreg:$0x2]  }
0x4: {  	s5 =	srdreg.scid;
	s3 =	simm.s32 $0x0;
	s2 =	stileid.u32  }
0x5: {  	s11 =	simm.s32 $0x1000;
	s12 =	simm.s32 $0x5000;
	s13 =	simm.s32 $0x100  }
0x6: {  	s14 =	simm.s32 $0x9000;
	s15 =	simm.s32 $0xD000;
	s16 =	simm.s32 $0x1  }
0x7: {  	s17 =	simm.s32 $0x2;
	s18 =	simm.s32 $0x3;
	s19 =	simm.s32 $0x4  }
0x8: {  	s20 =	simm.s32 $0x0;
	s5 =	sand.u32 $0x1, s5;
	[smem:$0x7FF] =	sst s3  }
0x9: {  	s6 =	sshll.u32 s2, $0xA;
	s25 =	sadd.s32 $0x413800, s4;
	s9 =	sshll.u32 s2, $0x11  }
0xa: {  	s7 =	sshll.u32 s5, $0x9;
	_ =	strace $0x8000004D;
	s26 =	ssub.s32 $0x2, s5  }
0xb: {  	s10 =	sshll.u32 s5, $0x10;
	s30 =	sadd.s32 s9, s25;
	s6 =	sor.u32 s7, s6  }
0xc: {  	s8 =	sshrl.u32 s26, $0x1;
	s29 =	sor.u32 s10, s9;
	s9 =	simm.s32 $0x5  }
0xd: {  	s6 =	sadd.s32 s6, s4;
	s28 =	ssub.s32 s26, s8;
	s31 =	sadd.s32 s29, s25  }
0xe: {  	s4 =	sadd.s32 $0x7800, s6;
	s5 =	smax.u32 s28, $0x1;
	s6 =	sadd.s32 s10, s30  }
0xf: {  	s7 =	sadd.s32 $0x1000, s31;
	s8 =	sadd.s32 $0x1800, s31;
	s10 =	simm.s32 $0x80  }
.LBB2_1:
0x10: {  	[tilespmem:s3], [sflag:$0x5] =	stream.linear.gather [hbm4b:s4+s3], $0x1000, $0x38;
	[tilespmem:$0x11000] =	vst v63  }
0x11: {  	_ =	swait.ge [sflag:s9], $0x1000  }
0x12: {  	[sflag:s9] =	ssyncset.done $0x0  }
0x13: {  	[sflag:s9] =	ssyncadd.s32 $0xFFFFF000  }
0x14: {  	[tilespmem:s11], [sflag:$0x1] =	stream.indirect.gather [hbm4b:s1+s10], $0x80, s3, s10, $0xb8;
	[tilespmem:$0x11000] =	vst v63  }
0x15: {  	_ = 	snop  }
0x16: {  	[tilespmem:s12], [sflag:$0x2] =	stream.indirect.gather [hbm4b:s1+s10], $0x80, s10, s10, $0xb8;
	[tilespmem:$0x11000] =	vst v63  }
0x17: {  	_ = 	snop  }
0x18: {  	[tilespmem:s14], [sflag:$0x3] =	stream.indirect.gather [hbm4b:s1+s10], $0x80, s13, s10, $0xb8;
	[tilespmem:$0x11000] =	vst v63  }
0x19: {  	s21 =	simm.s32 $0x180  }
0x1a: {  	[tilespmem:s15], [sflag:$0x4] =	stream.indirect.gather [hbm4b:s1+s10], $0x80, s21, s10, $0xb8;
	[tilespmem:$0x11000] =	vst v63  }
0x1b: {  	_ =	swait.ge [sflag:s16], $0x4000  }
0x1c: {  	[sflag:s16] =	ssyncset.done $0x0  }
0x1d: {  	[sflag:s16] =	ssyncadd.s32 $0xFFFFC000  }
0x1e: {  	[hbm4b:s6+s3] =	stream.linear.scatter [tilespmem:s11], [sflag:$0x5], $0x4000, $0x38;
	[tilespmem:$0x11000] =	vst v63  }
0x1f: {  	p0 =	por $0x0, $0x0;
	_ =	swait.ge [sflag:s9], $0x4000  }
0x20: {  	s22 =	simm.s32 @!p0 $0x200;
	[sflag:s9] =	ssyncset.done $0x0  }
0x21: {  	s23 =	simm.s32 @!p0 $0x80;
	s21 =	simm.s32 @!p0 $0x1000;
	[sflag:s9] =	ssyncadd.s32 $0xFFFFC000  }
0x22: {  	[tilespmem:s21], [sflag:$0x1] =	stream.indirect.gather @!p0 [hbm4b:s1+s23], $0x80, s22, s23, $0xb8;
	[tilespmem:$0x11000] =	vst v63  }
0x23: {  	_ =	swait.ge [sflag:s17], $0x4000  }
0x24: {  	[sflag:s17] =	ssyncset.done $0x0  }
0x25: {  	s31 =	sadd.s32 $0xFFFFF000, s8;
	[sflag:s17] =	ssyncadd.s32 $0xFFFFC000  }
0x26: {  	[hbm4b:s31+s3] =	stream.linear.scatter [tilespmem:s12], [sflag:$0x5], $0x4000, $0x38;
	[tilespmem:$0x11000] =	vst v63  }
0x27: {  	_ =	swait.ge [sflag:s9], $0x4000  }
0x28: {  	[sflag:s9] =	ssyncset.done $0x0  }
0x29: {  	s21 =	simm.s32 @!p0 $0x280;
	s22 =	simm.s32 @!p0 $0x5000;
	[sflag:s9] =	ssyncadd.s32 $0xFFFFC000  }
0x2a: {  	[tilespmem:s22], [sflag:$0x2] =	stream.indirect.gather @!p0 [hbm4b:s1+s23], $0x80, s21, s23, $0xb8;
	[tilespmem:$0x11000] =	vst v63  }
0x2b: {  	_ =	swait.ge [sflag:s18], $0x4000  }
0x2c: {  	[sflag:s18] =	ssyncset.done $0x0  }
0x2d: {  	[sflag:s18] =	ssyncadd.s32 $0xFFFFC000  }
0x2e: {  	[hbm4b:s7+s3] =	stream.linear.scatter [tilespmem:s14], [sflag:$0x5], $0x4000, $0x38;
	[tilespmem:$0x11000] =	vst v63  }
0x2f: {  	_ =	swait.ge [sflag:s9], $0x4000  }
0x30: {  	[sflag:s9] =	ssyncset.done $0x0  }
0x31: {  	s21 =	simm.s32 @!p0 $0x300;
	s22 =	simm.s32 @!p0 $0x9000;
	[sflag:s9] =	ssyncadd.s32 $0xFFFFC000  }
0x32: {  	[tilespmem:s22], [sflag:$0x3] =	stream.indirect.gather @!p0 [hbm4b:s1+s23], $0x80, s21, s23, $0xb8;
	[tilespmem:$0x11000] =	vst v63  }
0x33: {  	_ =	swait.ge [sflag:s19], $0x4000  }
0x34: {  	[sflag:s19] =	ssyncset.done $0x0  }
0x35: {  	s25 =	simm.s32 $0x800;
	s26 =	simm.s32 $0x200;
	[sflag:s19] =	ssyncadd.s32 $0xFFFFC000  }
0x36: {  	[hbm4b:s8+s3] =	stream.linear.scatter [tilespmem:s15], [sflag:$0x5], $0x4000, $0x38;
	[tilespmem:$0x11000] =	vst v63  }
0x37: {  	s24 =	sadd.s32 $0x2000, s6;
	s23 =	simm.s32 $0x1000;
	_ =	swait.ge [sflag:s9], $0x4000  }
0x38: {  	s22 =	sadd.s32 $0x2000, s7;
	s21 =	sadd.s32 $0x2000, s8;
	[sflag:s9] =	ssyncset.done $0x0  }
.LBB2_2:
0x39: {  	s26 =	sadd.s32 $0x180, s26  }
0x3a: {  	[sflag:s9] =	ssyncadd.s32 $0xFFFFC000;
	s28 =	smov.u32 s23;
	s23 =	sadd.s32 $0x800, s23  }
0x3b: {  	[tilespmem:s15], [sflag:$0x4] =	stream.indirect.gather [hbm4b:s1+s10], $0x80, s26, s10, $0xb8;
	[tilespmem:$0x11000] =	vst v63  }
0x3c: {  	p0 =	sne.s32 s23, $0x4000;
	_ =	swait.ge [sflag:s16], $0x4000  }
0x3d: {  	[sflag:s16] =	ssyncset.done $0x0  }
0x3e: {  	[sflag:s16] =	ssyncadd.s32 $0xFFFFC000  }
0x3f: {  	[hbm4b:s24+s3] =	stream.linear.scatter [tilespmem:s11], [sflag:$0x5], $0x4000, $0x38;
	[tilespmem:$0x11000] =	vst v63  }
0x40: {  	p1 =	seq.s32 s25, $0x3800;
	_ =	swait.ge [sflag:s9], $0x4000  }
0x41: {  	s25 =	sshra.s32 @!p1 s25, $0x2;
	s26 =	simm.s32 @!p1 $0x1000;
	[sflag:s9] =	ssyncset.done $0x0  }
0x42: {  	s30 =	simm.s32 @!p1 $0x80;
	s29 =	sadd.s32 @!p1 $0x200, s25;
	[sflag:s9] =	ssyncadd.s32 $0xFFFFC000  }
0x43: {  	[tilespmem:s26], [sflag:$0x1] =	stream.indirect.gather @!p1 [hbm4b:s1+s30], $0x80, s29, s30, $0xb8;
	[tilespmem:$0x11000] =	vst v63  }
0x44: {  	s26 =	sadd.s32 @!p1 $0x280, s25;
	s29 =	sadd.s32 @!p1 $0x300, s25;
	_ =	swait.ge [sflag:s17], $0x4000  }
0x45: {  	s25 =	smov.u32 s28;
	[sflag:s17] =	ssyncset.done $0x0  }
0x46: {  	s28 =	sadd.s32 $0xFFFFF000, s21;
	[sflag:s17] =	ssyncadd.s32 $0xFFFFC000  }
0x47: {  	[hbm4b:s28+s3] =	stream.linear.scatter [tilespmem:s12], [sflag:$0x5], $0x4000, $0x38;
	[tilespmem:$0x11000] =	vst v63  }
0x48: {  	_ =	swait.ge [sflag:s9], $0x4000  }
0x49: {  	[sflag:s9] =	ssyncset.done $0x0  }
0x4a: {  	s28 =	simm.s32 @!p1 $0x5000;
	[sflag:s9] =	ssyncadd.s32 $0xFFFFC000  }
0x4b: {  	[tilespmem:s28], [sflag:$0x2] =	stream.indirect.gather @!p1 [hbm4b:s1+s30], $0x80, s26, s30, $0xb8;
	[tilespmem:$0x11000] =	vst v63  }
0x4c: {  	_ =	swait.ge [sflag:s18], $0x4000  }
0x4d: {  	[sflag:s18] =	ssyncset.done $0x0  }
0x4e: {  	[sflag:s18] =	ssyncadd.s32 $0xFFFFC000  }
0x4f: {  	[hbm4b:s22+s3] =	stream.linear.scatter [tilespmem:s14], [sflag:$0x5], $0x4000, $0x38;
	[tilespmem:$0x11000] =	vst v63  }
0x50: {  	_ =	swait.ge [sflag:s9], $0x4000  }
0x51: {  	[sflag:s9] =	ssyncset.done $0x0  }
0x52: {  	s26 =	simm.s32 @!p1 $0x9000;
	[sflag:s9] =	ssyncadd.s32 $0xFFFFC000  }
0x53: {  	[tilespmem:s26], [sflag:$0x3] =	stream.indirect.gather @!p1 [hbm4b:s1+s30], $0x80, s29, s30, $0xb8;
	[tilespmem:$0x11000] =	vst v63  }
0x54: {  	_ =	swait.ge [sflag:s19], $0x4000  }
.Ltmp0:
0x55: {  	[sflag:s19] =	ssyncset.done $0x0;
	(pc) =	sbr.rel @p0 .LBB2_2-.Ltmp0, $4  }
0x56: {  	[sflag:s19] =	ssyncadd.s32 $0xFFFFC000  }
0x57: {  	[hbm4b:s21+s3] =	stream.linear.scatter [tilespmem:s15], [sflag:$0x5], $0x4000, $0x38;
	[tilespmem:$0x11000] =	vst v63  }
0x58: {  	s22 =	sadd.s32 $0x2000, s22;
	s21 =	sadd.s32 $0x2000, s21;
	_ =	swait.ge [sflag:s9], $0x4000  }
0x59: {  	s24 =	sadd.s32 $0x2000, s24;
	s26 =	sshra.s32 s25, $0x2;
	[sflag:s9] =	ssyncset.done $0x0  }
0x5a: {  	s23 =	sadd.s32 $0x180, s26;
	[sflag:s9] =	ssyncadd.s32 $0xFFFFC000  }
0x5b: {  	[tilespmem:s15], [sflag:$0x4] =	stream.indirect.gather [hbm4b:s1+s10], $0x80, s23, s10, $0xb8;
	[tilespmem:$0x11000] =	vst v63  }
0x5c: {  	_ =	swait.ge [sflag:s16], $0x4000  }
0x5d: {  	[sflag:s16] =	ssyncset.done $0x0  }
0x5e: {  	[sflag:s16] =	ssyncadd.s32 $0xFFFFC000  }
0x5f: {  	[hbm4b:s24+s3] =	stream.linear.scatter [tilespmem:s11], [sflag:$0x5], $0x4000, $0x38;
	[tilespmem:$0x11000] =	vst v63  }
0x60: {  	p0 =	seq.s32 s25, $0x3800;
	_ =	swait.ge [sflag:s9], $0x4000  }
0x61: {  	s23 =	sshra.s32 @!p0 s25, $0x2;
	s26 =	simm.s32 @!p0 $0x80;
	[sflag:s9] =	ssyncset.done $0x0  }
0x62: {  	s25 =	sadd.s32 @!p0 $0x200, s23;
	s24 =	simm.s32 @!p0 $0x1000;
	[sflag:s9] =	ssyncadd.s32 $0xFFFFC000  }
0x63: {  	[tilespmem:s24], [sflag:$0x1] =	stream.indirect.gather @!p0 [hbm4b:s1+s26], $0x80, s25, s26, $0xb8;
	[tilespmem:$0x11000] =	vst v63  }
0x64: {  	_ =	swait.ge [sflag:s17], $0x4000  }
0x65: {  	[sflag:s17] =	ssyncset.done $0x0  }
0x66: {  	s31 =	sadd.s32 $0xFFFFF000, s21;
	[sflag:s17] =	ssyncadd.s32 $0xFFFFC000  }
0x67: {  	[hbm4b:s31+s3] =	stream.linear.scatter [tilespmem:s12], [sflag:$0x5], $0x4000, $0x38;
	[tilespmem:$0x11000] =	vst v63  }
0x68: {  	_ =	swait.ge [sflag:s9], $0x4000  }
0x69: {  	[sflag:s9] =	ssyncset.done $0x0  }
0x6a: {  	s24 =	sadd.s32 @!p0 $0x280, s23;
	s25 =	simm.s32 @!p0 $0x5000;
	[sflag:s9] =	ssyncadd.s32 $0xFFFFC000  }
0x6b: {  	[tilespmem:s25], [sflag:$0x2] =	stream.indirect.gather @!p0 [hbm4b:s1+s26], $0x80, s24, s26, $0xb8;
	[tilespmem:$0x11000] =	vst v63  }
0x6c: {  	_ =	swait.ge [sflag:s18], $0x4000  }
0x6d: {  	[sflag:s18] =	ssyncset.done $0x0  }
0x6e: {  	[sflag:s18] =	ssyncadd.s32 $0xFFFFC000  }
0x6f: {  	[hbm4b:s22+s3] =	stream.linear.scatter [tilespmem:s14], [sflag:$0x5], $0x4000, $0x38;
	[tilespmem:$0x11000] =	vst v63  }
0x70: {  	_ =	swait.ge [sflag:s9], $0x4000  }
0x71: {  	[sflag:s9] =	ssyncset.done $0x0  }
0x72: {  	s22 =	sadd.s32 @!p0 $0x300, s23;
	s23 =	simm.s32 @!p0 $0x9000;
	[sflag:s9] =	ssyncadd.s32 $0xFFFFC000  }
0x73: {  	[tilespmem:s23], [sflag:$0x3] =	stream.indirect.gather @!p0 [hbm4b:s1+s26], $0x80, s22, s26, $0xb8;
	[tilespmem:$0x11000] =	vst v63  }
0x74: {  	s20 =	sadd.s32 $0x1, s20;
	_ =	swait.ge [sflag:s19], $0x4000  }
0x75: {  	p0 =	sne.s32 s20, s5;
	[sflag:s19] =	ssyncset.done $0x0  }
.Ltmp1:
0x76: {  	[sflag:s19] =	ssyncadd.s32 $0xFFFFC000;
	(pc) =	sbr.rel @p0 .LBB2_1-.Ltmp1, $4  }
0x77: {  	[hbm4b:s21+s3] =	stream.linear.scatter [tilespmem:s15], [sflag:$0x5], $0x4000, $0x38;
	[tilespmem:$0x11000] =	vst v63  }
0x78: {  	_ =	swait.ge [sflag:s9], $0x4000  }
0x79: {  	[sflag:s9] =	ssyncset.done $0x0  }
0x7a: {  	[sflag:s9] =	ssyncadd.s32 $0xFFFFC000  }
0x7b: {  	_ =	sfence.sel $0x180000  }
0x7c: {  	[bflag:$0x0] =	sbarrier.arrive $0xFFFF  }
0x7d: {  	p0 =	sne.s32 s2, $0x0;
	_ =	strace $0x9000004D  }
0x7e: {  	s0 =	sadd.s32 @!p0 $0x100000, s0;
	[bflag:$0x2] =	sbarrier.arrive $0xFFFF  }
0x7f: {  	[sflag:s0] =	ssyncadd.tile.s32 @!p0 $0x1;
	_ =	shalt  }
.Lfunc_end2:
_tile_overlayer_lowered:
.L_overlay_start_2:
0x80: {  	(tag) =	ssettag $0x2  }
0x81: {  	s0 =	rddreg [dreg:$0x0];
	s2 =	stileid.u32  }
0x82: {  	s1 =	rddreg [dreg:$0x1];
	p0 =	sne.s32 s2, $0x0  }
0x83: {  	s3 =	rddreg [dreg:$0x2];
	[bflag:$0x3] =	sbarrier.arrive $0xFFFF;
	s2 =	simm.s32 @!p0 $0x1C05  }
0x84: {  	[timem:s3], [sflag:s2] =	dma.local @!p0 [hbm:s0], s1  }
0x85: {  	s0 =	simm.s32 @!p0 $0x5  }
0x86: {  	_ =	swait.ge @!p0 [sflag:s0], s1  }
0x87: {  	s1 =	ssub.s32 @!p0 $0x0, s1;
	[sflag:s0] =	ssyncset.done @!p0 $0x0  }
0x88: {  	[sflag:s0] =	ssyncadd.s32 @!p0 s1  }
0x89: {  	[bflag:$0x3] =	sbarrier.arrive $0xFFFF  }
0x8a: {  	_ =	shalt  }

// kernel: kernel.19.cloned.1.call-start
scs
__scs_entry_jumppad:
0x0: {  	(pc) =	sbr.rel $0x88, $3  }
0x1: {  	(tag) =	ssettag $0x0;
	lr =	simm.s32 $0x1  }
0x2: {  	[smem:$0x3F8F] =	sst lr;
	_ =	strace $0xD0000000  }
0x3: {  	_ = 	snop  }
0x4: {  	_ = 	snop  }
0x5: {  	_ = 	snop  }
0x6: {  	_ = 	snop  }
0x7: {  	_ = 	snop  }
__scs_overlays_trampoline_lowered:
0x8: {  	[smem:$0x3F9E] =	sst s0  }
0x9: {  	[smem:$0x3F9F] =	sst s1  }
0xa: {  	[smem:$0x3FA0] =	sst s2  }
0xb: {  	[smem:$0x3FA1] =	sst s3  }
0xc: {  	[smem:$0x3FA2] =	sst s4  }
0xd: {  	[smem:$0x3FA3] =	sst s5  }
0xe: {  	[smem:$0x3FA4] =	sst s6  }
0xf: {  	[smem:$0x3FA5] =	sst s7  }
0x10: {  	[smem:$0x3FA6] =	sst s8  }
0x11: {  	[smem:$0x3FA7] =	sst s9;
	s0 =	simm.s32 @!p0 $0x0  }
0x12: {  	s1 =	sld [smem:$0x3F8D];
	s0 =	simm.s32 @p0 $0x1  }
0x13: {  	[smem:$0x3FA8] =	sst s0;
	s0 =	simm.s32 @!p1 $0x0  }
0x14: {  	s2 =	sld [smem:$0x3F8C];
	s0 =	simm.s32 @p1 $0x1  }
0x15: {  	[smem:$0x3FA9] =	sst s0;
	s0 =	simm.s32 @!p2 $0x0  }
0x16: {  	s3 =	sld [smem:$0x3FDB];
	s0 =	simm.s32 @p2 $0x1  }
0x17: {  	s4 =	simm.s32 $0x1BF5;
	[smem:$0x3FAB] =	sst s0  }
0x18: {  	s0 =	sld [smem:$0x3F8E];
	_ =	swait.ge [sflag:s4], $0x0  }
0x19: {  	s7 =	sld [smem:$0x3F8F]  }
0x1a: {  	s8 =	sadd.s32 $0xFFFFE003, lr  }
0x1b: {  	s9 =	sadd.s32 $0xFFFFFEF7, lr;
	s5 =	simm.s32 $0xFFFFFFFF;
	p2 =	slt.u32 s8, $0xFFFFF086  }
0x1c: {  	p1 =	slt.u32 s9, $0xF7A;
	s5 =	simm.s32 @!p2 $0x0  }
0x1d: {  	s5 =	simm.s32 @p1 $0x1;
	p0 =	seq.s32 s7, s2  }
0x1e: {  	s7 =	smul.u32 @!p0 $0xF7A, s2;
	p2 =	seq.s32 @!p0 s5, $0x0  }
0x1f: {  	s9 =	smul.u32 $0xF7A, s1;
	s8 =	simm.s32 @!p0 $0x1BF5;
	p2 =	por !p2, p0  }
0x20: {  	[sflag:s8] =	ssyncset.s32 @!p0 $0xFFFFF086;
	s6 =	sadd.s32 @!p0 s3, s7;
	s7 =	simm.s32 @!p0 $0x108  }
0x21: {  	s3 =	sadd.s32 s3, s9;
	s6 =	sadd.s32 @!p0 $0x88, s6;
	s7 =	simm.s32 @p2 $0x1082  }
0x22: {  	[simem:s7], [sflag:s8] =	dma.local @!p0 [hbm:s6], $0xF7A  }
0x23: {  	s9 =	sor.u32 $0xD0000000, s2;
	s6 =	simm.s32 $0x108;
	_ =	swait.ge @!p0 [sflag:s8], $0x0  }
0x24: {  	s3 =	sadd.s32 $0x88, s3;
	s6 =	simm.s32 @!p1 $0x1082;
	[sflag:s4] =	ssyncset.s32 $0xFFFFF086  }
0x25: {  	[simem:s6], [sflag:s4] =	dma.local [hbm:s3], $0xF7A  }
0x26: {  	[smem:$0x3F8F] =	sst s1;
	(tag) =	ssettag s2;
	_ =	strace s9  }
0x27: {  	s1 =	sld [smem:$0x3F9F]  }
0x28: {  	s2 =	sld [smem:$0x3FA0]  }
0x29: {  	s4 =	sld [smem:$0x3FA2]  }
0x2a: {  	p0 =	seq.s32 s5, $0x0;
	s5 =	sld [smem:$0x3FA3]  }
0x2b: {  	s6 =	sld [smem:$0x3FA4]  }
0x2c: {  	s7 =	sld [smem:$0x3FA5]  }
0x2d: {  	s3 =	simm.s32 $0x108;
	s8 =	sld [smem:$0x3FA6]  }
0x2e: {  	s3 =	simm.s32 @!p0 $0x1082;
	s9 =	sld [smem:$0x3FA7]  }
0x2f: {  	lr =	sadd.s32 s0, s3;
	s0 =	sld [smem:$0x3F9E]  }
0x30: {  	s3 =	sld [smem:$0x3FA1]  }
0x31: {  	[smem:$0x3FAA] =	sst s10  }
0x32: {  	s10 =	sld [smem:$0x3FA8];
	_ =	sdelay $0x3  }
0x33: {  	p0 =	seq.s32 s10, $0x1;
	s10 =	sld [smem:$0x3FAA];
	_ =	sdelay $0x3  }
0x34: {  	[smem:$0x3FAA] =	sst s10  }
0x35: {  	s10 =	sld [smem:$0x3FA9];
	_ =	sdelay $0x3  }
0x36: {  	p1 =	seq.s32 s10, $0x1;
	s10 =	sld [smem:$0x3FAA];
	_ =	sdelay $0x3  }
0x37: {  	[smem:$0x3FAA] =	sst s10  }
0x38: {  	s10 =	sld [smem:$0x3FAB]  }
0x39: {  	_ = 	snop;
	(pc) =	sbr.ind lr, $3  }
0x3a: {  	_ = 	snop  }
0x3b: {  	_ = 	snop  }
0x3c: {  	p2 =	seq.s32 s10, $0x1;
	s10 =	sld [smem:$0x3FAA]  }
0x3d: {  	_ =	shalt  }
0x3e: {  	_ =	shalt  }
0x3f: {  	_ =	shalt  }
0x40: {  	_ =	shalt  }
0x41: {  	_ =	shalt  }
0x42: {  	_ =	shalt  }
0x43: {  	_ =	shalt  }
0x44: {  	_ =	shalt  }
0x45: {  	_ =	shalt  }
0x46: {  	_ =	shalt  }
0x47: {  	_ =	shalt  }
0x48: {  	_ =	shalt  }
0x49: {  	_ =	shalt  }
0x4a: {  	_ =	shalt  }
0x4b: {  	_ =	shalt  }
0x4c: {  	_ =	shalt  }
0x4d: {  	_ =	shalt  }
0x4e: {  	_ =	shalt  }
0x4f: {  	_ =	shalt  }
0x50: {  	_ =	shalt  }
0x51: {  	_ =	shalt  }
0x52: {  	_ =	shalt  }
0x53: {  	_ =	shalt  }
0x54: {  	_ =	shalt  }
0x55: {  	_ =	shalt  }
0x56: {  	_ =	shalt  }
0x57: {  	_ =	shalt  }
0x58: {  	_ =	shalt  }
0x59: {  	_ =	shalt  }
0x5a: {  	_ =	shalt  }
0x5b: {  	_ =	shalt  }
0x5c: {  	_ =	shalt  }
0x5d: {  	_ =	shalt  }
0x5e: {  	_ =	shalt  }
0x5f: {  	_ =	shalt  }
0x60: {  	_ =	shalt  }
0x61: {  	_ =	shalt  }
0x62: {  	_ =	shalt  }
0x63: {  	_ =	shalt  }
0x64: {  	_ =	shalt  }
0x65: {  	_ =	shalt  }
0x66: {  	_ =	shalt  }
0x67: {  	_ =	shalt  }
0x68: {  	_ =	shalt  }
0x69: {  	_ =	shalt  }
0x6a: {  	_ =	shalt  }
0x6b: {  	_ =	shalt  }
0x6c: {  	_ =	shalt  }
0x6d: {  	_ =	shalt  }
0x6e: {  	_ =	shalt  }
0x6f: {  	_ =	shalt  }
0x70: {  	_ =	shalt  }
0x71: {  	_ =	shalt  }
0x72: {  	_ =	shalt  }
0x73: {  	_ =	shalt  }
0x74: {  	_ =	shalt  }
0x75: {  	_ =	shalt  }
0x76: {  	_ =	shalt  }
0x77: {  	_ =	shalt  }
0x78: {  	_ =	shalt  }
0x79: {  	_ =	shalt  }
0x7a: {  	_ =	shalt  }
0x7b: {  	_ =	shalt  }
0x7c: {  	_ =	shalt  }
0x7d: {  	_ =	shalt  }
0x7e: {  	_ =	shalt  }
0x7f: {  	_ =	shalt  }
0x80: {  	_ =	shalt  }
0x81: {  	_ =	shalt  }
0x82: {  	_ =	shalt  }
0x83: {  	_ =	shalt  }
0x84: {  	_ =	shalt  }
0x85: {  	_ =	shalt  }
0x86: {  	_ =	shalt  }
0x87: {  	_ =	shalt  }
.Lfunc_end0:
.L_simem_size_0:
called_computation.3_lowered:
.L_overlay_start_0:
0x88: {  	s2 =	sld [smem:$0x3FD9]  }
0x89: {  	s3 =	sld [smem:$0x3FFE];
	_ =	sdelay $0x1  }
0x8a: {  	s1 =	srdreg.scid  }
0x8b: {  	s0 =	sand.u32 $0x1, s1  }
0x8c: {  	s17 =	sshll.u32 s0, $0xA;
	s2 =	sadd.s32 s3, s2  }
0x8d: {  	s2 =	sadd.s32 s2, s17  }
0x8e: {  	[smem:$0x3FB6] =	sst s2  }
0x8f: {  	_ = 	snop  }
0x90: {  	s18 =	sld [smem:$0x3FC8];
	(tm) =	ssettm $0x1  }
0x91: {  	s19 =	sld [smem:$0x3FFB];
	_ =	sdelay $0x3  }
0x92: {  	_ =	strace s19  }
0x93: {  	s2 =	sld [smem:$0x3FFC];
	_ =	sdelay $0x3  }
0x94: {  	_ =	strace s2  }
0x95: {  	s2 =	sld [smem:$0x3FFD];
	_ =	sdelay $0x3  }
0x96: {  	_ =	strace s2  }
0x97: {  	_ =	strace $0x8FFFFFFF  }
0x98: {  	s20 =	sld [smem:$0x3FDB];
	_ =	sdelay $0x1  }
0x99: {  	s4 =	simm.s32 $_scs_section_size  }
0x9a: {  	s5 =	simm.s32 $_size__tile_overlayer_lowered;
	s6 =	simm.s32 $_tile_overlayer_lowered  }
0x9b: {  	s7 =	simm.s32 $0x1BFF;
	s21 =	sshll.u32 s6, $0x1;
	s4 =	sadd.s32 s4, s20  }
0x9c: {  	s22 =	simm.s32 $0x0;
	s5 =	sshll.u32 s5, $0x1;
	s6 =	sadd.s32 s21, s4  }
0x9d: {  	[timem:s22], [sflag:s7] =	dma.local [hbm:s6], s5  }
0x9e: {  	_ =	swait.ge [sflag:s7], s5  }
0x9f: {  	s5 =	ssub.s32 $0x0, s5;
	[sflag:s7] =	ssyncset.done $0x0  }
0xa0: {  	[sflag:s7] =	ssyncadd.s32 s5;
	_ =	sdelay $0x1  }
0xa1: {  	s23 =	simm.s32 $0x1B8B  }
0xa2: {  	_ =	swait.ge [sflag:s23], $0x1  }
0xa3: {  	[sflag:s23] =	ssyncset.done $0x0  }
0xa4: {  	[sflag:s23] =	ssyncadd.s32 $0xFFFFFFFF  }
0xa5: {  	s5 =	sld [smem:$0x0]  }
0xa6: {  	s6 =	sand.u32 $0xFFFFFFFE, s1  }
0xa7: {  	p0 =	sne.s32 s1, s6  }
0xa8: {  	s6 =	sshll.u32 @p0 s6, $0xE  }
0xa9: {  	s6 =	sadd.s32 @p0 $0x11B8D, s6;
	s7 =	sshll.u32 @p0 s5, $0x11  }
0xaa: {  	s6 =	sor.u32 @p0 s7, s6  }
0xab: {  	[sflag:s6] =	ssyncadd.remote.s32 @p0 $0x1;
	_ =	sdelay $0x1  }
0xac: {  	s6 =	simm.s32 @p0 $0x1B8D  }
0xad: {  	_ =	swait.eq @p0 [sflag:s6], $0x1  }
0xae: {  	[sflag:s6] =	ssyncadd.s32 @p0 $0xFFFFFFFF  }
0xaf: {  	s7 =	sshll.u32 @!p0 s1, $0xE  }
0xb0: {  	s7 =	sor.u32 @!p0 $0x4000, s7;
	s6 =	simm.s32 @!p0 $0x1B8D  }
0xb1: {  	s5 =	sshll.u32 @!p0 s5, $0x11;
	s7 =	sadd.s32 @!p0 $0x11B8D, s7;
	_ =	swait.eq @!p0 [sflag:s6], $0x1  }
0xb2: {  	s5 =	sor.u32 @!p0 s5, s7;
	[sflag:s6] =	ssyncadd.s32 @!p0 $0xFFFFFFFF  }
0xb3: {  	s25 =	simm.s32 $0x1B8E;
	s24 =	sld [smem:$0x3FFE];
	[sflag:s5] =	ssyncadd.remote.s32 @!p0 $0x1  }
0xb4: {  	s26 =	simm.s32 $execute0_lowered;
	[smem:$0x3FD2] =	sst s25  }
0xb5: {  	s6 =	sshll.u32 s26, $0x1;
	_ =	strace $0x8000004F;
	[dreg:$0x1] =	wrdreg $0xFFFFFFFF  }
0xb6: {  	s28 =	simm.s32 $_size_execute0_lowered;
	s4 =	sadd.s32 s4, s6;
	[dreg:$0x0] =	wrdreg $0x0  }
0xb7: {  	s6 =	sshll.u32 s28, $0x1;
	[dreg:$0x2] =	wrdreg s4  }
0xb8: {  	[dreg:$0x3] =	wrdreg s6  }
0xb9: {  	[dreg:$0x4] =	wrdreg $0xC0  }
0xba: {  	_ =	task [dreg:s22], $0x5FFFF  }
0xbb: {  	[dreg:$0x1] =	wrdreg $0xFFFFFFFF  }
0xbc: {  	[dreg:$0x0] =	wrdreg $0x60  }
0xbd: {  	[dreg:$0x2] =	wrdreg s18  }
0xbe: {  	[dreg:$0x3] =	wrdreg s24  }
0xbf: {  	[dreg:$0x4] =	wrdreg $0xC  }
0xc0: {  	_ =	task.clear_ibuf [dreg:s22], $0x5FFFF;
	_ =	strace $0x9000004F  }
0xc1: {  	s29 =	simm.s32 $0xC;
	_ =	strace $0x80000051  }
0xc2: {  	_ =	swait.ge [sflag:s29], $0x1  }
0xc3: {  	[sflag:s29] =	ssyncadd.s32 $0xFFFFFFFF  }
0xc4: {  	_ =	strace $0x90000051  }
0xc5: {  	_ =	sfence  }
0xc6: {  	s30 =	sld [smem:$0x0];
	_ =	sdelay $0x2  }
0xc7: {  	s31 =	sshll.u32 s1, $0xD;
	s1 =	sshrl.u32 s1, $0x2  }
0xc8: {  	s4 =	sand.u32 $0x4000, s31;
	s1 =	sadd.s32 s1, s30  }
0xc9: {  	s0 =	sor.u32 s4, s0;
	s1 =	sshll.u32 s1, $0x11  }
0xca: {  	s0 =	sor.u32 s1, s0  }
0xcb: {  	s0 =	sadd.s32 $0x8F2B, s0  }
0xcc: {  	[sflag:s0] =	ssyncadd.remote.s32 $0x1  }
0xcd: {  	_ =	sfence.sel $0xFFFF  }
0xce: {  	[dreg:$0x0] =	wrdreg $0xFFFFFFFF;
	(pc) =	sbr.abs _section_cstart, $3  }
0xcf: {  	[dreg:$0x1] =	wrdreg $0xFFFFFFFF  }
0xd0: {  	_ =	task.clear_ibuf [dreg:s22], $0x2FFFF;
	_ =	strace $0x9FFFFFFF  }
0xd1: {  	(tm) =	ssettm $0x7FFFFFFF  }
tec
execute0_lowered:
.L_overlay_start_1:
0x0: {  	(tag) =	ssettag $0x1  }
0x1: {  	s1 =	rddreg [dreg:$0x0]  }
0x2: {  	s4 =	rddreg [dreg:$0x1]  }
0x3: {  	s0 =	rddreg [dreg:$0x2]  }
0x4: {  	s5 =	srdreg.scid;
	s3 =	simm.s32 $0x0;
	s2 =	stileid.u32  }
0x5: {  	s11 =	simm.s32 $0x1000;
	s12 =	simm.s32 $0x5000;
	s13 =	simm.s32 $0x100  }
0x6: {  	s14 =	simm.s32 $0x9000;
	s15 =	simm.s32 $0xD000;
	s16 =	simm.s32 $0x1  }
0x7: {  	s17 =	simm.s32 $0x2;
	s18 =	simm.s32 $0x3;
	s19 =	simm.s32 $0x4  }
0x8: {  	s20 =	simm.s32 $0x0;
	s5 =	sand.u32 $0x1, s5;
	[smem:$0x7FF] =	sst s3  }
0x9: {  	s6 =	sshll.u32 s2, $0xA;
	s25 =	sadd.s32 $0x613800, s4;
	s9 =	sshll.u32 s2, $0x11  }
0xa: {  	s7 =	sshll.u32 s5, $0x9;
	_ =	strace $0x80000050;
	s26 =	ssub.s32 $0x2, s5  }
0xb: {  	s10 =	sshll.u32 s5, $0x10;
	s30 =	sadd.s32 s9, s25;
	s6 =	sor.u32 s7, s6  }
0xc: {  	s8 =	sshrl.u32 s26, $0x1;
	s29 =	sor.u32 s10, s9;
	s9 =	simm.s32 $0x5  }
0xd: {  	s6 =	sadd.s32 s6, s4;
	s28 =	ssub.s32 s26, s8;
	s31 =	sadd.s32 s29, s25  }
0xe: {  	s4 =	sadd.s32 $0xB800, s6;
	s5 =	smax.u32 s28, $0x1;
	s6 =	sadd.s32 s10, s30  }
0xf: {  	s7 =	sadd.s32 $0x1000, s31;
	s8 =	sadd.s32 $0x1800, s31;
	s10 =	simm.s32 $0x80  }
.LBB2_1:
0x10: {  	[tilespmem:s3], [sflag:$0x5] =	stream.linear.gather [hbm4b:s4+s3], $0x1000, $0x38;
	[tilespmem:$0x11000] =	vst v63  }
0x11: {  	_ =	swait.ge [sflag:s9], $0x1000  }
0x12: {  	[sflag:s9] =	ssyncset.done $0x0  }
0x13: {  	[sflag:s9] =	ssyncadd.s32 $0xFFFFF000  }
0x14: {  	[tilespmem:s11], [sflag:$0x1] =	stream.indirect.gather [hbm4b:s1+s10], $0x80, s3, s10, $0xb8;
	[tilespmem:$0x11000] =	vst v63  }
0x15: {  	_ = 	snop  }
0x16: {  	[tilespmem:s12], [sflag:$0x2] =	stream.indirect.gather [hbm4b:s1+s10], $0x80, s10, s10, $0xb8;
	[tilespmem:$0x11000] =	vst v63  }
0x17: {  	_ = 	snop  }
0x18: {  	[tilespmem:s14], [sflag:$0x3] =	stream.indirect.gather [hbm4b:s1+s10], $0x80, s13, s10, $0xb8;
	[tilespmem:$0x11000] =	vst v63  }
0x19: {  	s21 =	simm.s32 $0x180  }
0x1a: {  	[tilespmem:s15], [sflag:$0x4] =	stream.indirect.gather [hbm4b:s1+s10], $0x80, s21, s10, $0xb8;
	[tilespmem:$0x11000] =	vst v63  }
0x1b: {  	_ =	swait.ge [sflag:s16], $0x4000  }
0x1c: {  	[sflag:s16] =	ssyncset.done $0x0  }
0x1d: {  	[sflag:s16] =	ssyncadd.s32 $0xFFFFC000  }
0x1e: {  	[hbm4b:s6+s3] =	stream.linear.scatter [tilespmem:s11], [sflag:$0x5], $0x4000, $0x38;
	[tilespmem:$0x11000] =	vst v63  }
0x1f: {  	p0 =	por $0x0, $0x0;
	_ =	swait.ge [sflag:s9], $0x4000  }
0x20: {  	s22 =	simm.s32 @!p0 $0x200;
	[sflag:s9] =	ssyncset.done $0x0  }
0x21: {  	s23 =	simm.s32 @!p0 $0x80;
	s21 =	simm.s32 @!p0 $0x1000;
	[sflag:s9] =	ssyncadd.s32 $0xFFFFC000  }
0x22: {  	[tilespmem:s21], [sflag:$0x1] =	stream.indirect.gather @!p0 [hbm4b:s1+s23], $0x80, s22, s23, $0xb8;
	[tilespmem:$0x11000] =	vst v63  }
0x23: {  	_ =	swait.ge [sflag:s17], $0x4000  }
0x24: {  	[sflag:s17] =	ssyncset.done $0x0  }
0x25: {  	s31 =	sadd.s32 $0xFFFFF000, s8;
	[sflag:s17] =	ssyncadd.s32 $0xFFFFC000  }
0x26: {  	[hbm4b:s31+s3] =	stream.linear.scatter [tilespmem:s12], [sflag:$0x5], $0x4000, $0x38;
	[tilespmem:$0x11000] =	vst v63  }
0x27: {  	_ =	swait.ge [sflag:s9], $0x4000  }
0x28: {  	[sflag:s9] =	ssyncset.done $0x0  }
0x29: {  	s21 =	simm.s32 @!p0 $0x280;
	s22 =	simm.s32 @!p0 $0x5000;
	[sflag:s9] =	ssyncadd.s32 $0xFFFFC000  }
0x2a: {  	[tilespmem:s22], [sflag:$0x2] =	stream.indirect.gather @!p0 [hbm4b:s1+s23], $0x80, s21, s23, $0xb8;
	[tilespmem:$0x11000] =	vst v63  }
0x2b: {  	_ =	swait.ge [sflag:s18], $0x4000  }
0x2c: {  	[sflag:s18] =	ssyncset.done $0x0  }
0x2d: {  	[sflag:s18] =	ssyncadd.s32 $0xFFFFC000  }
0x2e: {  	[hbm4b:s7+s3] =	stream.linear.scatter [tilespmem:s14], [sflag:$0x5], $0x4000, $0x38;
	[tilespmem:$0x11000] =	vst v63  }
0x2f: {  	_ =	swait.ge [sflag:s9], $0x4000  }
0x30: {  	[sflag:s9] =	ssyncset.done $0x0  }
0x31: {  	s21 =	simm.s32 @!p0 $0x300;
	s22 =	simm.s32 @!p0 $0x9000;
	[sflag:s9] =	ssyncadd.s32 $0xFFFFC000  }
0x32: {  	[tilespmem:s22], [sflag:$0x3] =	stream.indirect.gather @!p0 [hbm4b:s1+s23], $0x80, s21, s23, $0xb8;
	[tilespmem:$0x11000] =	vst v63  }
0x33: {  	_ =	swait.ge [sflag:s19], $0x4000  }
0x34: {  	[sflag:s19] =	ssyncset.done $0x0  }
0x35: {  	s25 =	simm.s32 $0x800;
	s26 =	simm.s32 $0x200;
	[sflag:s19] =	ssyncadd.s32 $0xFFFFC000  }
0x36: {  	[hbm4b:s8+s3] =	stream.linear.scatter [tilespmem:s15], [sflag:$0x5], $0x4000, $0x38;
	[tilespmem:$0x11000] =	vst v63  }
0x37: {  	s24 =	sadd.s32 $0x2000, s6;
	s23 =	simm.s32 $0x1000;
	_ =	swait.ge [sflag:s9], $0x4000  }
0x38: {  	s22 =	sadd.s32 $0x2000, s7;
	s21 =	sadd.s32 $0x2000, s8;
	[sflag:s9] =	ssyncset.done $0x0  }
.LBB2_2:
0x39: {  	s26 =	sadd.s32 $0x180, s26  }
0x3a: {  	[sflag:s9] =	ssyncadd.s32 $0xFFFFC000;
	s28 =	smov.u32 s23;
	s23 =	sadd.s32 $0x800, s23  }
0x3b: {  	[tilespmem:s15], [sflag:$0x4] =	stream.indirect.gather [hbm4b:s1+s10], $0x80, s26, s10, $0xb8;
	[tilespmem:$0x11000] =	vst v63  }
0x3c: {  	p0 =	sne.s32 s23, $0x4000;
	_ =	swait.ge [sflag:s16], $0x4000  }
0x3d: {  	[sflag:s16] =	ssyncset.done $0x0  }
0x3e: {  	[sflag:s16] =	ssyncadd.s32 $0xFFFFC000  }
0x3f: {  	[hbm4b:s24+s3] =	stream.linear.scatter [tilespmem:s11], [sflag:$0x5], $0x4000, $0x38;
	[tilespmem:$0x11000] =	vst v63  }
0x40: {  	p1 =	seq.s32 s25, $0x3800;
	_ =	swait.ge [sflag:s9], $0x4000  }
0x41: {  	s25 =	sshra.s32 @!p1 s25, $0x2;
	s26 =	simm.s32 @!p1 $0x1000;
	[sflag:s9] =	ssyncset.done $0x0  }
0x42: {  	s30 =	simm.s32 @!p1 $0x80;
	s29 =	sadd.s32 @!p1 $0x200, s25;
	[sflag:s9] =	ssyncadd.s32 $0xFFFFC000  }
0x43: {  	[tilespmem:s26], [sflag:$0x1] =	stream.indirect.gather @!p1 [hbm4b:s1+s30], $0x80, s29, s30, $0xb8;
	[tilespmem:$0x11000] =	vst v63  }
0x44: {  	s26 =	sadd.s32 @!p1 $0x280, s25;
	s29 =	sadd.s32 @!p1 $0x300, s25;
	_ =	swait.ge [sflag:s17], $0x4000  }
0x45: {  	s25 =	smov.u32 s28;
	[sflag:s17] =	ssyncset.done $0x0  }
0x46: {  	s28 =	sadd.s32 $0xFFFFF000, s21;
	[sflag:s17] =	ssyncadd.s32 $0xFFFFC000  }
0x47: {  	[hbm4b:s28+s3] =	stream.linear.scatter [tilespmem:s12], [sflag:$0x5], $0x4000, $0x38;
	[tilespmem:$0x11000] =	vst v63  }
0x48: {  	_ =	swait.ge [sflag:s9], $0x4000  }
0x49: {  	[sflag:s9] =	ssyncset.done $0x0  }
0x4a: {  	s28 =	simm.s32 @!p1 $0x5000;
	[sflag:s9] =	ssyncadd.s32 $0xFFFFC000  }
0x4b: {  	[tilespmem:s28], [sflag:$0x2] =	stream.indirect.gather @!p1 [hbm4b:s1+s30], $0x80, s26, s30, $0xb8;
	[tilespmem:$0x11000] =	vst v63  }
0x4c: {  	_ =	swait.ge [sflag:s18], $0x4000  }
0x4d: {  	[sflag:s18] =	ssyncset.done $0x0  }
0x4e: {  	[sflag:s18] =	ssyncadd.s32 $0xFFFFC000  }
0x4f: {  	[hbm4b:s22+s3] =	stream.linear.scatter [tilespmem:s14], [sflag:$0x5], $0x4000, $0x38;
	[tilespmem:$0x11000] =	vst v63  }
0x50: {  	_ =	swait.ge [sflag:s9], $0x4000  }
0x51: {  	[sflag:s9] =	ssyncset.done $0x0  }
0x52: {  	s26 =	simm.s32 @!p1 $0x9000;
	[sflag:s9] =	ssyncadd.s32 $0xFFFFC000  }
0x53: {  	[tilespmem:s26], [sflag:$0x3] =	stream.indirect.gather @!p1 [hbm4b:s1+s30], $0x80, s29, s30, $0xb8;
	[tilespmem:$0x11000] =	vst v63  }
0x54: {  	_ =	swait.ge [sflag:s19], $0x4000  }
.Ltmp0:
0x55: {  	[sflag:s19] =	ssyncset.done $0x0;
	(pc) =	sbr.rel @p0 .LBB2_2-.Ltmp0, $4  }
0x56: {  	[sflag:s19] =	ssyncadd.s32 $0xFFFFC000  }
0x57: {  	[hbm4b:s21+s3] =	stream.linear.scatter [tilespmem:s15], [sflag:$0x5], $0x4000, $0x38;
	[tilespmem:$0x11000] =	vst v63  }
0x58: {  	s22 =	sadd.s32 $0x2000, s22;
	s21 =	sadd.s32 $0x2000, s21;
	_ =	swait.ge [sflag:s9], $0x4000  }
0x59: {  	s24 =	sadd.s32 $0x2000, s24;
	s26 =	sshra.s32 s25, $0x2;
	[sflag:s9] =	ssyncset.done $0x0  }
0x5a: {  	s23 =	sadd.s32 $0x180, s26;
	[sflag:s9] =	ssyncadd.s32 $0xFFFFC000  }
0x5b: {  	[tilespmem:s15], [sflag:$0x4] =	stream.indirect.gather [hbm4b:s1+s10], $0x80, s23, s10, $0xb8;
	[tilespmem:$0x11000] =	vst v63  }
0x5c: {  	_ =	swait.ge [sflag:s16], $0x4000  }
0x5d: {  	[sflag:s16] =	ssyncset.done $0x0  }
0x5e: {  	[sflag:s16] =	ssyncadd.s32 $0xFFFFC000  }
0x5f: {  	[hbm4b:s24+s3] =	stream.linear.scatter [tilespmem:s11], [sflag:$0x5], $0x4000, $0x38;
	[tilespmem:$0x11000] =	vst v63  }
0x60: {  	p0 =	seq.s32 s25, $0x3800;
	_ =	swait.ge [sflag:s9], $0x4000  }
0x61: {  	s23 =	sshra.s32 @!p0 s25, $0x2;
	s26 =	simm.s32 @!p0 $0x80;
	[sflag:s9] =	ssyncset.done $0x0  }
0x62: {  	s25 =	sadd.s32 @!p0 $0x200, s23;
	s24 =	simm.s32 @!p0 $0x1000;
	[sflag:s9] =	ssyncadd.s32 $0xFFFFC000  }
0x63: {  	[tilespmem:s24], [sflag:$0x1] =	stream.indirect.gather @!p0 [hbm4b:s1+s26], $0x80, s25, s26, $0xb8;
	[tilespmem:$0x11000] =	vst v63  }
0x64: {  	_ =	swait.ge [sflag:s17], $0x4000  }
0x65: {  	[sflag:s17] =	ssyncset.done $0x0  }
0x66: {  	s31 =	sadd.s32 $0xFFFFF000, s21;
	[sflag:s17] =	ssyncadd.s32 $0xFFFFC000  }
0x67: {  	[hbm4b:s31+s3] =	stream.linear.scatter [tilespmem:s12], [sflag:$0x5], $0x4000, $0x38;
	[tilespmem:$0x11000] =	vst v63  }
0x68: {  	_ =	swait.ge [sflag:s9], $0x4000  }
0x69: {  	[sflag:s9] =	ssyncset.done $0x0  }
0x6a: {  	s24 =	sadd.s32 @!p0 $0x280, s23;
	s25 =	simm.s32 @!p0 $0x5000;
	[sflag:s9] =	ssyncadd.s32 $0xFFFFC000  }
0x6b: {  	[tilespmem:s25], [sflag:$0x2] =	stream.indirect.gather @!p0 [hbm4b:s1+s26], $0x80, s24, s26, $0xb8;
	[tilespmem:$0x11000] =	vst v63  }
0x6c: {  	_ =	swait.ge [sflag:s18], $0x4000  }
0x6d: {  	[sflag:s18] =	ssyncset.done $0x0  }
0x6e: {  	[sflag:s18] =	ssyncadd.s32 $0xFFFFC000  }
0x6f: {  	[hbm4b:s22+s3] =	stream.linear.scatter [tilespmem:s14], [sflag:$0x5], $0x4000, $0x38;
	[tilespmem:$0x11000] =	vst v63  }
0x70: {  	_ =	swait.ge [sflag:s9], $0x4000  }
0x71: {  	[sflag:s9] =	ssyncset.done $0x0  }
0x72: {  	s22 =	sadd.s32 @!p0 $0x300, s23;
	s23 =	simm.s32 @!p0 $0x9000;
	[sflag:s9] =	ssyncadd.s32 $0xFFFFC000  }
0x73: {  	[tilespmem:s23], [sflag:$0x3] =	stream.indirect.gather @!p0 [hbm4b:s1+s26], $0x80, s22, s26, $0xb8;
	[tilespmem:$0x11000] =	vst v63  }
0x74: {  	s20 =	sadd.s32 $0x1, s20;
	_ =	swait.ge [sflag:s19], $0x4000  }
0x75: {  	p0 =	sne.s32 s20, s5;
	[sflag:s19] =	ssyncset.done $0x0  }
.Ltmp1:
0x76: {  	[sflag:s19] =	ssyncadd.s32 $0xFFFFC000;
	(pc) =	sbr.rel @p0 .LBB2_1-.Ltmp1, $4  }
0x77: {  	[hbm4b:s21+s3] =	stream.linear.scatter [tilespmem:s15], [sflag:$0x5], $0x4000, $0x38;
	[tilespmem:$0x11000] =	vst v63  }
0x78: {  	_ =	swait.ge [sflag:s9], $0x4000  }
0x79: {  	[sflag:s9] =	ssyncset.done $0x0  }
0x7a: {  	[sflag:s9] =	ssyncadd.s32 $0xFFFFC000  }
0x7b: {  	_ =	sfence.sel $0x180000  }
0x7c: {  	[bflag:$0x0] =	sbarrier.arrive $0xFFFF  }
0x7d: {  	p0 =	sne.s32 s2, $0x0;
	_ =	strace $0x90000050  }
0x7e: {  	s0 =	sadd.s32 @!p0 $0x100000, s0;
	[bflag:$0x2] =	sbarrier.arrive $0xFFFF  }
0x7f: {  	[sflag:s0] =	ssyncadd.tile.s32 @!p0 $0x1;
	_ =	shalt  }
.Lfunc_end2:
_tile_overlayer_lowered:
.L_overlay_start_2:
0x80: {  	(tag) =	ssettag $0x2  }
0x81: {  	s0 =	rddreg [dreg:$0x0];
	s2 =	stileid.u32  }
0x82: {  	s1 =	rddreg [dreg:$0x1];
	p0 =	sne.s32 s2, $0x0  }
0x83: {  	s3 =	rddreg [dreg:$0x2];
	[bflag:$0x3] =	sbarrier.arrive $0xFFFF;
	s2 =	simm.s32 @!p0 $0x1C05  }
0x84: {  	[timem:s3], [sflag:s2] =	dma.local @!p0 [hbm:s0], s1  }
0x85: {  	s0 =	simm.s32 @!p0 $0x5  }
0x86: {  	_ =	swait.ge @!p0 [sflag:s0], s1  }
0x87: {  	s1 =	ssub.s32 @!p0 $0x0, s1;
	[sflag:s0] =	ssyncset.done @!p0 $0x0  }
0x88: {  	[sflag:s0] =	ssyncadd.s32 @!p0 s1  }
0x89: {  	[bflag:$0x3] =	sbarrier.arrive $0xFFFF  }
0x8a: {  	_ =	shalt  }

</sc_bundles>
